<compile_context>
chip_gen: v7x
topology: tpu7x:2x2x1
jax: 0.10.2.dev20260603
libtpu: 0.0.44.dev20260713+nightly
codegen_flags: <defaults>
</compile_context>

<pallas_src>
import jax
import jax.numpy as jnp
from jax import lax
from jax.experimental import pallas as pl
from jax.experimental.pallas import tpu as pltpu
from jax.experimental.pallas import tpu_sc as plsc


def plsc_bitcast_tc(x, dtype):
    return jax.lax.bitcast_convert_type(x, dtype)

E = 8
D_MODEL = 768
SEQ = 2048

TOK_TILE = 512
N_TOK_TILES = SEQ // TOK_TILE
ROW_TILE = 256
CAP = 2 * SEQ + E * ROW_TILE
N_ROW_TILES = CAP // ROW_TILE
MM_TILES = 8
NW = 32
TPW = SEQ // NW
NVEC = TPW // 16
DW = D_MODEL // 32


def _route_body(x_ref, wg_ref, xbf_ref, e1_ref, e2_ref, w1_ref, w2_ref,
                r1_ref, r2_ref, cnt_ref, carry_ref):
    i = pl.program_id(0)
    xt = x_ref[...]
    T = xt.shape[0]
    H = D_MODEL // 2
    xbf_ref[...] = pltpu.pack_elementwise(
        [xt[:, :H], xt[:, H:]], packed_dtype=jnp.bfloat16)

    logits = lax.dot_general(wg_ref[...], xt, (((1,), (1,)), ((), ())),
                             preferred_element_type=jnp.float32)

    iota = lax.broadcasted_iota(jnp.int32, (E, T), 0)
    m1 = jnp.max(logits, axis=0, keepdims=True)
    a1 = jnp.min(jnp.where(logits >= m1, iota, E), axis=0, keepdims=True)
    masked = jnp.where(iota == a1, -jnp.inf, logits)
    m2 = jnp.max(masked, axis=0, keepdims=True)
    a2 = jnp.min(jnp.where(masked >= m2, iota, E), axis=0, keepdims=True)

    w1 = 1.0 / (1.0 + jnp.exp(m2 - m1))
    w2 = 1.0 - w1

    iota16 = lax.broadcasted_iota(jnp.int32, (2 * E, T), 0)
    oh1 = (iota16 == a1).astype(jnp.float32)
    oh2 = (iota16 == a2).astype(jnp.float32)
    oh = oh1 + oh2

    tri = (lax.broadcasted_iota(jnp.int32, (T, T), 0) <
           lax.broadcasted_iota(jnp.int32, (T, T), 1)).astype(jnp.float32)
    csum = lax.dot_general(oh, tri, (((1,), (0,)), ((), ())),
                           preferred_element_type=jnp.float32)

    @pl.when(i == 0)
    def _():
        carry_ref[...] = jnp.zeros_like(carry_ref)

    carry = carry_ref[...]
    r1 = jnp.sum(oh1 * (carry + csum), axis=0, keepdims=True)
    r2 = jnp.sum(oh2 * (carry + csum), axis=0, keepdims=True)
    carry_ref[...] = carry + jnp.sum(oh, axis=1, keepdims=True)

    e1_ref[...] = a1.reshape(1, 1, T)
    e2_ref[...] = a2.reshape(1, 1, T)
    w1_ref[...] = w1.reshape(1, 1, T)
    w2_ref[...] = w2.reshape(1, 1, T)
    r1_ref[...] = r1.astype(jnp.int32).reshape(1, 1, T)
    r2_ref[...] = r2.astype(jnp.int32).reshape(1, 1, T)

    ones = jnp.ones((1, T), jnp.float32)
    ctile = lax.dot_general(ones, oh, (((1,), (1,)), ((), ())),
                            preferred_element_type=jnp.float32)

    @pl.when(i == 0)
    def _():
        cnt_ref[...] = jnp.zeros_like(cnt_ref)

    cnt_ref[...] = cnt_ref[...] + ctile.astype(jnp.int32).reshape(1, 1, 2 * E)


def _route(x2d, Wg):
    T = TOK_TILE
    specs3 = pl.BlockSpec((1, 1, T), lambda i: (i, 0, 0))
    shape3i = jax.ShapeDtypeStruct((N_TOK_TILES, 1, T), jnp.int32)
    shape3f = jax.ShapeDtypeStruct((N_TOK_TILES, 1, T), jnp.float32)
    return pl.pallas_call(
        _route_body,
        grid=(N_TOK_TILES,),
        in_specs=[
            pl.BlockSpec((T, D_MODEL), lambda i: (i, 0)),
            pl.BlockSpec((E, D_MODEL), lambda i: (0, 0)),
        ],
        out_specs=[pl.BlockSpec((T, D_MODEL // 2), lambda i: (i, 0)),
                   specs3, specs3, specs3, specs3, specs3, specs3,
                   pl.BlockSpec((1, 1, 2 * E), lambda i: (0, 0, 0))],
        out_shape=[jax.ShapeDtypeStruct((SEQ, D_MODEL // 2), jnp.int32),
                   shape3i, shape3i, shape3f, shape3f, shape3i, shape3i,
                   jax.ShapeDtypeStruct((1, 1, 2 * E), jnp.int32)],
        scratch_shapes=[pltpu.VMEM((2 * E, 1), jnp.float32)],
        compiler_params=pltpu.CompilerParams(
            dimension_semantics=("arbitrary",)),
    )(x2d, Wg)


def _dispatch_body(x_hbm, e1_hbm, e2_hbm, r1_hbm, r2_hbm, cnt_hbm,
                   xs_hbm, pos1_hbm, pos2_hbm, eid_hbm,
                   ev1, ev2, rv1, rv2, cnt_v, offp_v, p1_v, p2_v,
                   delta_v, eid_v, xrows, sem, xsem):
    wid = lax.axis_index("s") * 2 + lax.axis_index("c")
    base = wid * TPW

    xdma = pltpu.async_copy(x_hbm.at[pl.ds(base, TPW)], xrows, xsem)

    c1 = pltpu.async_copy(e1_hbm.at[pl.ds(base, TPW)], ev1, sem)
    c2 = pltpu.async_copy(e2_hbm.at[pl.ds(base, TPW)], ev2, sem)
    c3 = pltpu.async_copy(r1_hbm.at[pl.ds(base, TPW)], rv1, sem)
    c4 = pltpu.async_copy(r2_hbm.at[pl.ds(base, TPW)], rv2, sem)
    c5 = pltpu.async_copy(cnt_hbm, cnt_v, sem)
    c1.wait(); c2.wait(); c3.wait(); c4.wait(); c5.wait()

    c = cnt_v[...]
    pc = ((c + (ROW_TILE - 1)) >> 8) << 8
    incl = jnp.cumsum(pc)
    offp = incl - pc
    offp_v[...] = offp

    for v in range(NVEC):
        sl = pl.ds(16 * v, 16)
        p1_v[sl] = plsc.load_gather(offp_v, [ev1[sl]]) + rv1[sl]
        p2_v[sl] = plsc.load_gather(offp_v, [ev2[sl]]) + rv2[sl]

    pltpu.sync_copy(p1_v, pos1_hbm.at[pl.ds(base, TPW)])
    pltpu.sync_copy(p2_v, pos2_hbm.at[pl.ds(base, TPW)])

    @pl.when(wid == 0)
    def _():
        zeros = jnp.zeros((16,), jnp.int32)
        delta_v[pl.ds(0, 16)] = zeros
        delta_v[pl.ds(16, 16)] = zeros
        ts = offp >> 8
        lane = lax.broadcasted_iota(jnp.int32, (16,), 0)
        mask = (lane >= 1) & (lane < E)
        plsc.addupdate_scatter(delta_v, [ts], jnp.ones((16,), jnp.int32),
                               mask=mask)
        d0 = delta_v[pl.ds(0, 16)]
        c0 = jnp.cumsum(d0)
        s0 = jnp.sum(d0, axis=0)
        c1 = jnp.cumsum(delta_v[pl.ds(16, 16)]) + s0
        eid_v[pl.ds(0, 16)] = c0
        eid_v[pl.ds(16, 16)] = c1
        pltpu.sync_copy(eid_v, eid_hbm)

    xdma.wait()
    s1 = pltpu.async_copy(xrows, xs_hbm.at[p1_v], sem)
    s2 = pltpu.async_copy(xrows, xs_hbm.at[p2_v], sem)
    s1.wait()
    s2.wait()


def _dispatch(xbf, e1, e2, r1, r2, cnt):
    mesh = plsc.VectorSubcoreMesh(core_axis_name="c", subcore_axis_name="s",
                                  num_cores=2, num_subcores=16)
    f = pl.kernel(
        _dispatch_body,
        out_type=[
            jax.ShapeDtypeStruct((CAP, D_MODEL // 2), jnp.int32),
            jax.ShapeDtypeStruct((SEQ,), jnp.int32),
            jax.ShapeDtypeStruct((SEQ,), jnp.int32),
            jax.ShapeDtypeStruct((32,), jnp.int32),
        ],
        mesh=mesh,
        scratch_types=[
            pltpu.VMEM((TPW,), jnp.int32),
            pltpu.VMEM((TPW,), jnp.int32),
            pltpu.VMEM((TPW,), jnp.int32),
            pltpu.VMEM((TPW,), jnp.int32),
            pltpu.VMEM((16,), jnp.int32),
            pltpu.VMEM((16,), jnp.int32),
            pltpu.VMEM((TPW,), jnp.int32),
            pltpu.VMEM((TPW,), jnp.int32),
            pltpu.VMEM((32,), jnp.int32),
            pltpu.VMEM((32,), jnp.int32),
            pltpu.VMEM((TPW, D_MODEL // 2), jnp.int32),
            pltpu.SemaphoreType.DMA,
            pltpu.SemaphoreType.DMA,
        ],
        compiler_params=pltpu.CompilerParams(needs_layout_passes=False),
    )
    return f(xbf, e1, e2, r1, r2, cnt)


def _expert_mm_body(eid_ref, xs_ref, we_ref, be_ref, ys_ref):
    i = pl.program_id(0)
    H = D_MODEL // 2
    w = xs_ref[...]
    xlo = pltpu.unpack_elementwise(
        w, index=0, packed_dtype=jnp.bfloat16, unpacked_dtype=jnp.float32)
    xhi = pltpu.unpack_elementwise(
        w, index=1, packed_dtype=jnp.bfloat16, unpacked_dtype=jnp.float32)
    xf = jnp.concatenate([xlo, xhi], axis=1)
    for j in range(MM_TILES):
        e = eid_ref[MM_TILES * i + j]
        sl = pl.ds(ROW_TILE * j, ROW_TILE)
        y = lax.dot_general(
            xf[ROW_TILE * j:ROW_TILE * (j + 1)], we_ref[e],
            (((1,), (1,)), ((), ())),
            preferred_element_type=jnp.float32) + be_ref[pl.ds(e, 1), :]
        ys_ref[sl] = pltpu.pack_elementwise(
            [y[:, :H], y[:, H:]], packed_dtype=jnp.bfloat16)


def _expert_mm(eid, xs, We, be):
    grid_spec = pltpu.PrefetchScalarGridSpec(
        num_scalar_prefetch=1,
        grid=(N_ROW_TILES // MM_TILES,),
        in_specs=[
            pl.BlockSpec((MM_TILES * ROW_TILE, D_MODEL // 2),
                         lambda i, eid: (i, 0)),
            pl.BlockSpec((E, D_MODEL, D_MODEL), lambda i, eid: (0, 0, 0)),
            pl.BlockSpec((E, D_MODEL), lambda i, eid: (0, 0)),
        ],
        out_specs=pl.BlockSpec((MM_TILES * ROW_TILE, D_MODEL // 2),
                               lambda i, eid: (i, 0)),
    )
    return pl.pallas_call(
        _expert_mm_body,
        grid_spec=grid_spec,
        out_shape=jax.ShapeDtypeStruct((CAP, D_MODEL // 2), jnp.int32),
        compiler_params=pltpu.CompilerParams(
            dimension_semantics=("arbitrary",)),
    )(eid, xs, We, be)


def _combine_body(ys_hbm, pos1_hbm, pos2_hbm, w1_hbm, w2_hbm, out_hbm,
                  p1_v, p2_v, w1_v, w2_v, buf1, buf2, obuf, sem, sem2):
    wid = lax.axis_index("s") * 2 + lax.axis_index("c")
    base = wid * TPW

    c1 = pltpu.async_copy(pos1_hbm.at[pl.ds(base, TPW)], p1_v, sem)
    c2 = pltpu.async_copy(pos2_hbm.at[pl.ds(base, TPW)], p2_v, sem)
    c3 = pltpu.async_copy(w1_hbm.at[pl.ds(base, TPW)], w1_v, sem)
    c4 = pltpu.async_copy(w2_hbm.at[pl.ds(base, TPW)], w2_v, sem)
    c1.wait(); c2.wait(); c3.wait(); c4.wait()

    g1 = pltpu.async_copy(ys_hbm.at[p1_v], buf1, sem)
    g2 = pltpu.async_copy(ys_hbm.at[p2_v], buf2, sem2)
    g1.wait()
    g2.wait()

    hmask = jnp.int32(-65536)
    H = D_MODEL // 2

    @plsc.parallel_loop(0, TPW, 1, unroll=4)
    def tok_body(t):
        t16 = jnp.full((16,), t, jnp.int32)
        wt1 = plsc.load_gather(w1_v, [t16])
        wt2 = plsc.load_gather(w2_v, [t16])
        for g in range(DW):
            sl = pl.ds(16 * g, 16)
            v1 = buf1[t, sl]
            v2 = buf2[t, sl]
            lo1 = plsc.bitcast(v1 << 16, jnp.float32)
            hi1 = plsc.bitcast(v1 & hmask, jnp.float32)
            lo2 = plsc.bitcast(v2 << 16, jnp.float32)
            hi2 = plsc.bitcast(v2 & hmask, jnp.float32)
            obuf[t, pl.ds(16 * g, 16)] = wt1 * lo1 + wt2 * lo2
            obuf[t, pl.ds(H + 16 * g, 16)] = wt1 * hi1 + wt2 * hi2
    pltpu.sync_copy(obuf, out_hbm.at[pl.ds(base, TPW)])


def _combine(ys_i32, pos1, pos2, w1, w2):
    mesh = plsc.VectorSubcoreMesh(core_axis_name="c", subcore_axis_name="s",
                                  num_cores=2, num_subcores=16)
    f = pl.kernel(
        _combine_body,
        out_type=jax.ShapeDtypeStruct((SEQ, D_MODEL), jnp.float32),
        mesh=mesh,
        scratch_types=[
            pltpu.VMEM((TPW,), jnp.int32),
            pltpu.VMEM((TPW,), jnp.int32),
            pltpu.VMEM((TPW,), jnp.float32),
            pltpu.VMEM((TPW,), jnp.float32),
            pltpu.VMEM((TPW, D_MODEL // 2), jnp.int32),
            pltpu.VMEM((TPW, D_MODEL // 2), jnp.int32),
            pltpu.VMEM((TPW, D_MODEL), jnp.float32),
            pltpu.SemaphoreType.DMA,
            pltpu.SemaphoreType.DMA,
        ],
        compiler_params=pltpu.CompilerParams(needs_layout_passes=False),
    )
    return f(ys_i32, pos1, pos2, w1, w2)


@jax.jit
def _moe(x2d, Wg, We, be):
    xpk, e1, e2, w1, w2, r1, r2, cnt = _route(x2d, Wg)
    flat = lambda a: a.reshape(-1)
    xs_pk, pos1, pos2, eid = _dispatch(
        xpk, flat(e1), flat(e2), flat(r1), flat(r2), flat(cnt))
    ys_pk = _expert_mm(eid[:N_ROW_TILES], xs_pk, We, be)
    return _combine(ys_pk, pos1, pos2, flat(w1), flat(w2))


def kernel(x, Wg, We, be):
    B, S, D = x.shape
    out = _moe(x.reshape(S, D), Wg, We, be)
    return out.reshape(B, S, D)

# --- scband reference (transcript-rebuilt; emitter-appended) ---
"""Pipeline reference for scband-distributed-mo-erouter-65446711656460 (READ-ONLY COPY).

The authoritative reference and input builder live on the scoring server;
editing this copy changes nothing except your own understanding.
"""

import jax, jax.numpy as jnp
import numpy as np

NUM_EXPERTS = 8
TOP_K = 2
D_MODEL = 768
BATCH = 1
SEQ = 2048


def setup_inputs(seed: int = 0) -> dict:
    key = jax.random.key(seed)
    k1, k2, k3, k4 = jax.random.split(key, 4)
    x = jax.random.normal(k1, (BATCH, SEQ, D_MODEL), dtype=jnp.float32)
    # gate: nn.Linear(d_model, num_experts, bias=False) -> weight [E, d]
    Wg = jax.random.normal(k2, (NUM_EXPERTS, D_MODEL), dtype=jnp.float32) * 0.02
    # experts: nn.Linear(d_model, d_model) each -> stacked weight [E, d_out, d_in], bias [E, d_out]
    We = jax.random.normal(k3, (NUM_EXPERTS, D_MODEL, D_MODEL), dtype=jnp.float32) * 0.02
    be = jax.random.normal(k4, (NUM_EXPERTS, D_MODEL), dtype=jnp.float32) * 0.02
    return {"x": x, "Wg": Wg, "We": We, "be": be}


def reference(x, Wg, We, be):
    # gate_logits = self.gate(x)
    gate_logits = jnp.einsum('bsd,ed->bse', x, Wg)  # [B, S, E]
    # weights, indices = torch.topk(gate_logits, top_k, dim=-1)
    weights, indices = jax.lax.top_k(gate_logits, TOP_K)  # [B, S, K]
    # weights = torch.softmax(weights, dim=-1)
    weights = jax.nn.softmax(weights, axis=-1)
    # Dense dispatch equivalent to the masked per-expert loop:
    # all_out[b,s,e,:] = experts[e](x[b,s,:]) = x @ We[e].T + be[e]
    all_out = jnp.einsum('bsd,eod->bseo', x, We) + be[None, None, :, :]  # [B, S, E, d]
    output = jnp.zeros_like(x)
    for k in range(TOP_K):
        idx = indices[:, :, k]  # [B, S] selected expert per token
        out_k = jnp.take_along_axis(all_out, idx[:, :, None, None], axis=2)[:, :, 0, :]  # [B, S, d]
        output = output + weights[:, :, k][:, :, None] * out_k
    return output

if __name__ == "__main__":
    import jax
    _d = setup_inputs()
    print(jax.jit(kernel)(*tuple(_d.values())))

</pallas_src>

<mosaic_0001>
#map = affine_map<(d0, d1) -> (0, 0)>
#map1 = affine_map<(d0, d1) -> (0)>
module attributes {stable_mosaic.version = 14 : i64} {
  func.func @_dispatch_body(%arg0: i32, %arg1: i32, %arg2: memref<2048x384xi32, #tpu.memory_space<hbm>>, %arg3: memref<2048xi32, #tpu.memory_space<hbm>>, %arg4: memref<2048xi32, #tpu.memory_space<hbm>>, %arg5: memref<2048xi32, #tpu.memory_space<hbm>>, %arg6: memref<2048xi32, #tpu.memory_space<hbm>>, %arg7: memref<16xi32, #tpu.memory_space<hbm>>, %arg8: memref<6144x384xi32, #tpu.memory_space<hbm>>, %arg9: memref<2048xi32, #tpu.memory_space<hbm>>, %arg10: memref<2048xi32, #tpu.memory_space<hbm>>, %arg11: memref<32xi32, #tpu.memory_space<hbm>>, %arg12: memref<64xi32, #tpu.memory_space<vmem>>, %arg13: memref<64xi32, #tpu.memory_space<vmem>>, %arg14: memref<64xi32, #tpu.memory_space<vmem>>, %arg15: memref<64xi32, #tpu.memory_space<vmem>>, %arg16: memref<16xi32, #tpu.memory_space<vmem>>, %arg17: memref<16xi32, #tpu.memory_space<vmem>>, %arg18: memref<64xi32, #tpu.memory_space<vmem>>, %arg19: memref<64xi32, #tpu.memory_space<vmem>>, %arg20: memref<32xi32, #tpu.memory_space<vmem>>, %arg21: memref<32xi32, #tpu.memory_space<vmem>>, %arg22: memref<64x384xi32, #tpu.memory_space<vmem>>, %arg23: memref<!tpu.dma_semaphore, #tpu.memory_space<semaphore_mem>>, %arg24: memref<!tpu.dma_semaphore, #tpu.memory_space<semaphore_mem>>) attributes {dimension_semantics = [#tpu.dimension_semantics<core_parallel>, #tpu.dimension_semantics<subcore_parallel>], iteration_bounds = array<i64: 2, 16>, scalar_prefetch = 0 : i64, scratch_operands = 13 : i64, tpu.core_type = #tpu.core_type<sc_vector_subcore>, window_params = [{transform_indices = #map}, {transform_indices = #map1}, {transform_indices = #map1}, {transform_indices = #map1}, {transform_indices = #map1}, {transform_indices = #map1}, {transform_indices = #map}, {transform_indices = #map1}, {transform_indices = #map1}, {transform_indices = #map1}]} {
    %mul3A = arith.constant 2 : i32
    %mul3A_0 = arith.muli %arg1, %mul3A : i32
    %add3A = arith.addi %mul3A_0, %arg0 : i32
    %mul3A_1 = arith.constant 64 : i32
    %mul3A_2 = arith.muli %add3A, %mul3A_1 : i32
    %dma_start3A = arith.constant 0 : i32
    %dma_start3A_3 = tpu.memref_slice %arg2[%mul3A_2, %dma_start3A] : memref<2048x384xi32, #tpu.memory_space<hbm>> -> memref<64x384xi32, #tpu.memory_space<hbm>>
    %dma_start3A_4 = arith.constant 0 : i32
    %dma_start3A_5 = tpu.memref_slice %arg2[%mul3A_2, %dma_start3A_4] : memref<2048x384xi32, #tpu.memory_space<hbm>> -> memref<64x384xi32, #tpu.memory_space<hbm>>
    tpu.enqueue_dma source(%dma_start3A_5 : memref<64x384xi32, #tpu.memory_space<hbm>>) target(%arg22 : memref<64x384xi32, #tpu.memory_space<vmem>>) target_semaphore(%arg24 : memref<!tpu.dma_semaphore, #tpu.memory_space<semaphore_mem>>)
    %dma_start3A_6 = tpu.memref_slice %arg3[%mul3A_2] : memref<2048xi32, #tpu.memory_space<hbm>> -> memref<64xi32, #tpu.memory_space<hbm>>
    %dma_start3A_7 = tpu.memref_slice %arg3[%mul3A_2] : memref<2048xi32, #tpu.memory_space<hbm>> -> memref<64xi32, #tpu.memory_space<hbm>>
    tpu.enqueue_dma source(%dma_start3A_7 : memref<64xi32, #tpu.memory_space<hbm>>) target(%arg12 : memref<64xi32, #tpu.memory_space<vmem>>) target_semaphore(%arg23 : memref<!tpu.dma_semaphore, #tpu.memory_space<semaphore_mem>>)
    %dma_start3A_8 = tpu.memref_slice %arg4[%mul3A_2] : memref<2048xi32, #tpu.memory_space<hbm>> -> memref<64xi32, #tpu.memory_space<hbm>>
    %dma_start3A_9 = tpu.memref_slice %arg4[%mul3A_2] : memref<2048xi32, #tpu.memory_space<hbm>> -> memref<64xi32, #tpu.memory_space<hbm>>
    tpu.enqueue_dma source(%dma_start3A_9 : memref<64xi32, #tpu.memory_space<hbm>>) target(%arg13 : memref<64xi32, #tpu.memory_space<vmem>>) target_semaphore(%arg23 : memref<!tpu.dma_semaphore, #tpu.memory_space<semaphore_mem>>)
    %dma_start3A_10 = tpu.memref_slice %arg5[%mul3A_2] : memref<2048xi32, #tpu.memory_space<hbm>> -> memref<64xi32, #tpu.memory_space<hbm>>
    %dma_start3A_11 = tpu.memref_slice %arg5[%mul3A_2] : memref<2048xi32, #tpu.memory_space<hbm>> -> memref<64xi32, #tpu.memory_space<hbm>>
    tpu.enqueue_dma source(%dma_start3A_11 : memref<64xi32, #tpu.memory_space<hbm>>) target(%arg14 : memref<64xi32, #tpu.memory_space<vmem>>) target_semaphore(%arg23 : memref<!tpu.dma_semaphore, #tpu.memory_space<semaphore_mem>>)
    %dma_start3A_12 = tpu.memref_slice %arg6[%mul3A_2] : memref<2048xi32, #tpu.memory_space<hbm>> -> memref<64xi32, #tpu.memory_space<hbm>>
    %dma_start3A_13 = tpu.memref_slice %arg6[%mul3A_2] : memref<2048xi32, #tpu.memory_space<hbm>> -> memref<64xi32, #tpu.memory_space<hbm>>
    tpu.enqueue_dma source(%dma_start3A_13 : memref<64xi32, #tpu.memory_space<hbm>>) target(%arg15 : memref<64xi32, #tpu.memory_space<vmem>>) target_semaphore(%arg23 : memref<!tpu.dma_semaphore, #tpu.memory_space<semaphore_mem>>)
    tpu.enqueue_dma source(%arg7 : memref<16xi32, #tpu.memory_space<hbm>>) target(%arg16 : memref<16xi32, #tpu.memory_space<vmem>>) target_semaphore(%arg23 : memref<!tpu.dma_semaphore, #tpu.memory_space<semaphore_mem>>)
    %dma_wait3A = tpu.memref_slice %arg3[%mul3A_2] : memref<2048xi32, #tpu.memory_space<hbm>> -> memref<64xi32, #tpu.memory_space<hbm>>
    %dma_wait3A_14 = tpu.memref_slice %arg3[%mul3A_2] : memref<2048xi32, #tpu.memory_space<hbm>> -> memref<64xi32, #tpu.memory_space<hbm>>
    tpu.wait_dma2 semaphore(%arg23 : memref<!tpu.dma_semaphore, #tpu.memory_space<semaphore_mem>>) src(%dma_wait3A_14 : memref<64xi32, #tpu.memory_space<hbm>>) dst(%arg12 : memref<64xi32, #tpu.memory_space<vmem>>)
    %dma_wait3A_15 = tpu.memref_slice %arg4[%mul3A_2] : memref<2048xi32, #tpu.memory_space<hbm>> -> memref<64xi32, #tpu.memory_space<hbm>>
    %dma_wait3A_16 = tpu.memref_slice %arg4[%mul3A_2] : memref<2048xi32, #tpu.memory_space<hbm>> -> memref<64xi32, #tpu.memory_space<hbm>>
    tpu.wait_dma2 semaphore(%arg23 : memref<!tpu.dma_semaphore, #tpu.memory_space<semaphore_mem>>) src(%dma_wait3A_16 : memref<64xi32, #tpu.memory_space<hbm>>) dst(%arg13 : memref<64xi32, #tpu.memory_space<vmem>>)
    %dma_wait3A_17 = tpu.memref_slice %arg5[%mul3A_2] : memref<2048xi32, #tpu.memory_space<hbm>> -> memref<64xi32, #tpu.memory_space<hbm>>
    %dma_wait3A_18 = tpu.memref_slice %arg5[%mul3A_2] : memref<2048xi32, #tpu.memory_space<hbm>> -> memref<64xi32, #tpu.memory_space<hbm>>
    tpu.wait_dma2 semaphore(%arg23 : memref<!tpu.dma_semaphore, #tpu.memory_space<semaphore_mem>>) src(%dma_wait3A_18 : memref<64xi32, #tpu.memory_space<hbm>>) dst(%arg14 : memref<64xi32, #tpu.memory_space<vmem>>)
    %dma_wait3A_19 = tpu.memref_slice %arg6[%mul3A_2] : memref<2048xi32, #tpu.memory_space<hbm>> -> memref<64xi32, #tpu.memory_space<hbm>>
    %dma_wait3A_20 = tpu.memref_slice %arg6[%mul3A_2] : memref<2048xi32, #tpu.memory_space<hbm>> -> memref<64xi32, #tpu.memory_space<hbm>>
    tpu.wait_dma2 semaphore(%arg23 : memref<!tpu.dma_semaphore, #tpu.memory_space<semaphore_mem>>) src(%dma_wait3A_20 : memref<64xi32, #tpu.memory_space<hbm>>) dst(%arg15 : memref<64xi32, #tpu.memory_space<vmem>>)
    tpu.wait_dma2 semaphore(%arg23 : memref<!tpu.dma_semaphore, #tpu.memory_space<semaphore_mem>>) src(%arg7 : memref<16xi32, #tpu.memory_space<hbm>>) dst(%arg16 : memref<16xi32, #tpu.memory_space<vmem>>)
    %get3A = arith.constant 0 : index
    %get3A_21 = tpu.vector_load %arg16[%get3A] {strides = array<i32>} : memref<16xi32, #tpu.memory_space<vmem>>, vector<16xi32>,
    %add3A_22 = arith.constant 255 : i32
    %add3A_23 = vector.broadcast %add3A_22 : i32 to vector<16xi32>
    %add3A_24 = arith.addi %get3A_21, %add3A_23 : vector<16xi32>
    %shift_right_arithmetic3A = arith.constant 8 : i32
    %shift_right_arithmetic3A_25 = vector.broadcast %shift_right_arithmetic3A : i32 to vector<16xi32>
    %shift_right_arithmetic3A_26 = arith.shrsi %add3A_24, %shift_right_arithmetic3A_25 : vector<16xi32>
    %shift_left3A = arith.constant 8 : i32
    %shift_left3A_27 = vector.broadcast %shift_left3A : i32 to vector<16xi32>
    %shift_left3A_28 = arith.shli %shift_right_arithmetic3A_26, %shift_left3A_27 : vector<16xi32>
    %cumsum3A = arith.constant true
    %cumsum3A_29 = vector.broadcast %cumsum3A : i1 to vector<16xi1>
    %cumsum3A_30 = tpu.scan <sum>, %shift_left3A_28 masked %cumsum3A_29 : vector<16xi32>, vector<16xi1> -> vector<16xi32>
    %sub3A = arith.subi %cumsum3A_30, %shift_left3A_28 : vector<16xi32>
    %swap3A = arith.constant 0 : index
    %swap3A_31 = tpu.vector_load %arg17[%swap3A] {strides = array<i32>} : memref<16xi32, #tpu.memory_space<vmem>>, vector<16xi32>,
    tpu.vector_store %arg17[%swap3A], %sub3A {strides = array<i32>} : memref<16xi32, #tpu.memory_space<vmem>>, vector<16xi32>,
    %get3A_32 = arith.constant 0 : index
    %get3A_33 = tpu.vector_load %arg12[%get3A_32] {strides = array<i32>} : memref<64xi32, #tpu.memory_space<vmem>>, vector<16xi32>,
    %gather3A = tpu.vector_load_idx %arg17[%get3A_33] : memref<16xi32, #tpu.memory_space<vmem>>[vector<16xi32>], vector<16xi32>,
    %get3A_34 = arith.constant 0 : index
    %get3A_35 = tpu.vector_load %arg14[%get3A_34] {strides = array<i32>} : memref<64xi32, #tpu.memory_space<vmem>>, vector<16xi32>,
    %add3A_36 = arith.addi %gather3A, %get3A_35 : vector<16xi32>
    %swap3A_37 = arith.constant 0 : index
    %swap3A_38 = tpu.vector_load %arg18[%swap3A_37] {strides = array<i32>} : memref<64xi32, #tpu.memory_space<vmem>>, vector<16xi32>,
    tpu.vector_store %arg18[%swap3A_37], %add3A_36 {strides = array<i32>} : memref<64xi32, #tpu.memory_space<vmem>>, vector<16xi32>,
    %get3A_39 = arith.constant 0 : index
    %get3A_40 = tpu.vector_load %arg13[%get3A_39] {strides = array<i32>} : memref<64xi32, #tpu.memory_space<vmem>>, vector<16xi32>,
    %gather3A_41 = tpu.vector_load_idx %arg17[%get3A_40] : memref<16xi32, #tpu.memory_space<vmem>>[vector<16xi32>], vector<16xi32>,
    %get3A_42 = arith.constant 0 : index
    %get3A_43 = tpu.vector_load %arg15[%get3A_42] {strides = array<i32>} : memref<64xi32, #tpu.memory_space<vmem>>, vector<16xi32>,
    %add3A_44 = arith.addi %gather3A_41, %get3A_43 : vector<16xi32>
    %swap3A_45 = arith.constant 0 : index
    %swap3A_46 = tpu.vector_load %arg19[%swap3A_45] {strides = array<i32>} : memref<64xi32, #tpu.memory_space<vmem>>, vector<16xi32>,
    tpu.vector_store %arg19[%swap3A_45], %add3A_44 {strides = array<i32>} : memref<64xi32, #tpu.memory_space<vmem>>, vector<16xi32>,
    %get3A_47 = arith.constant 16 : index
    %get3A_48 = tpu.vector_load %arg12[%get3A_47] {strides = array<i32>} : memref<64xi32, #tpu.memory_space<vmem>>, vector<16xi32>,
    %gather3A_49 = tpu.vector_load_idx %arg17[%get3A_48] : memref<16xi32, #tpu.memory_space<vmem>>[vector<16xi32>], vector<16xi32>,
    %get3A_50 = arith.constant 16 : index
    %get3A_51 = tpu.vector_load %arg14[%get3A_50] {strides = array<i32>} : memref<64xi32, #tpu.memory_space<vmem>>, vector<16xi32>,
    %add3A_52 = arith.addi %gather3A_49, %get3A_51 : vector<16xi32>
    %swap3A_53 = arith.constant 16 : index
    %swap3A_54 = tpu.vector_load %arg18[%swap3A_53] {strides = array<i32>} : memref<64xi32, #tpu.memory_space<vmem>>, vector<16xi32>,
    tpu.vector_store %arg18[%swap3A_53], %add3A_52 {strides = array<i32>} : memref<64xi32, #tpu.memory_space<vmem>>, vector<16xi32>,
    %get3A_55 = arith.constant 16 : index
    %get3A_56 = tpu.vector_load %arg13[%get3A_55] {strides = array<i32>} : memref<64xi32, #tpu.memory_space<vmem>>, vector<16xi32>,
    %gather3A_57 = tpu.vector_load_idx %arg17[%get3A_56] : memref<16xi32, #tpu.memory_space<vmem>>[vector<16xi32>], vector<16xi32>,
    %get3A_58 = arith.constant 16 : index
    %get3A_59 = tpu.vector_load %arg15[%get3A_58] {strides = array<i32>} : memref<64xi32, #tpu.memory_space<vmem>>, vector<16xi32>,
    %add3A_60 = arith.addi %gather3A_57, %get3A_59 : vector<16xi32>
    %swap3A_61 = arith.constant 16 : index
    %swap3A_62 = tpu.vector_load %arg19[%swap3A_61] {strides = array<i32>} : memref<64xi32, #tpu.memory_space<vmem>>, vector<16xi32>,
    tpu.vector_store %arg19[%swap3A_61], %add3A_60 {strides = array<i32>} : memref<64xi32, #tpu.memory_space<vmem>>, vector<16xi32>,
    %get3A_63 = arith.constant 32 : index
    %get3A_64 = tpu.vector_load %arg12[%get3A_63] {strides = array<i32>} : memref<64xi32, #tpu.memory_space<vmem>>, vector<16xi32>,
    %gather3A_65 = tpu.vector_load_idx %arg17[%get3A_64] : memref<16xi32, #tpu.memory_space<vmem>>[vector<16xi32>], vector<16xi32>,
    %get3A_66 = arith.constant 32 : index
    %get3A_67 = tpu.vector_load %arg14[%get3A_66] {strides = array<i32>} : memref<64xi32, #tpu.memory_space<vmem>>, vector<16xi32>,
    %add3A_68 = arith.addi %gather3A_65, %get3A_67 : vector<16xi32>
    %swap3A_69 = arith.constant 32 : index
    %swap3A_70 = tpu.vector_load %arg18[%swap3A_69] {strides = array<i32>} : memref<64xi32, #tpu.memory_space<vmem>>, vector<16xi32>,
    tpu.vector_store %arg18[%swap3A_69], %add3A_68 {strides = array<i32>} : memref<64xi32, #tpu.memory_space<vmem>>, vector<16xi32>,
    %get3A_71 = arith.constant 32 : index
    %get3A_72 = tpu.vector_load %arg13[%get3A_71] {strides = array<i32>} : memref<64xi32, #tpu.memory_space<vmem>>, vector<16xi32>,
    %gather3A_73 = tpu.vector_load_idx %arg17[%get3A_72] : memref<16xi32, #tpu.memory_space<vmem>>[vector<16xi32>], vector<16xi32>,
    %get3A_74 = arith.constant 32 : index
    %get3A_75 = tpu.vector_load %arg15[%get3A_74] {strides = array<i32>} : memref<64xi32, #tpu.memory_space<vmem>>, vector<16xi32>,
    %add3A_76 = arith.addi %gather3A_73, %get3A_75 : vector<16xi32>
    %swap3A_77 = arith.constant 32 : index
    %swap3A_78 = tpu.vector_load %arg19[%swap3A_77] {strides = array<i32>} : memref<64xi32, #tpu.memory_space<vmem>>, vector<16xi32>,
    tpu.vector_store %arg19[%swap3A_77], %add3A_76 {strides = array<i32>} : memref<64xi32, #tpu.memory_space<vmem>>, vector<16xi32>,
    %get3A_79 = arith.constant 48 : index
    %get3A_80 = tpu.vector_load %arg12[%get3A_79] {strides = array<i32>} : memref<64xi32, #tpu.memory_space<vmem>>, vector<16xi32>,
    %gather3A_81 = tpu.vector_load_idx %arg17[%get3A_80] : memref<16xi32, #tpu.memory_space<vmem>>[vector<16xi32>], vector<16xi32>,
    %get3A_82 = arith.constant 48 : index
    %get3A_83 = tpu.vector_load %arg14[%get3A_82] {strides = array<i32>} : memref<64xi32, #tpu.memory_space<vmem>>, vector<16xi32>,
    %add3A_84 = arith.addi %gather3A_81, %get3A_83 : vector<16xi32>
    %swap3A_85 = arith.constant 48 : index
    %swap3A_86 = tpu.vector_load %arg18[%swap3A_85] {strides = array<i32>} : memref<64xi32, #tpu.memory_space<vmem>>, vector<16xi32>,
    tpu.vector_store %arg18[%swap3A_85], %add3A_84 {strides = array<i32>} : memref<64xi32, #tpu.memory_space<vmem>>, vector<16xi32>,
    %get3A_87 = arith.constant 48 : index
    %get3A_88 = tpu.vector_load %arg13[%get3A_87] {strides = array<i32>} : memref<64xi32, #tpu.memory_space<vmem>>, vector<16xi32>,
    %gather3A_89 = tpu.vector_load_idx %arg17[%get3A_88] : memref<16xi32, #tpu.memory_space<vmem>>[vector<16xi32>], vector<16xi32>,
    %get3A_90 = arith.constant 48 : index
    %get3A_91 = tpu.vector_load %arg15[%get3A_90] {strides = array<i32>} : memref<64xi32, #tpu.memory_space<vmem>>, vector<16xi32>,
    %add3A_92 = arith.addi %gather3A_89, %get3A_91 : vector<16xi32>
    %swap3A_93 = arith.constant 48 : index
    %swap3A_94 = tpu.vector_load %arg19[%swap3A_93] {strides = array<i32>} : memref<64xi32, #tpu.memory_space<vmem>>, vector<16xi32>,
    tpu.vector_store %arg19[%swap3A_93], %add3A_92 {strides = array<i32>} : memref<64xi32, #tpu.memory_space<vmem>>, vector<16xi32>,
    "tpu.region"() ({
      %run_scoped3A = tpu.sem_alloc : memref<!tpu.dma_semaphore, #tpu.memory_space<semaphore_mem>>
      %dma_start3A_113 = tpu.memref_slice %arg9[%mul3A_2] : memref<2048xi32, #tpu.memory_space<hbm>> -> memref<64xi32, #tpu.memory_space<hbm>>
      %dma_start3A_114 = tpu.memref_slice %arg9[%mul3A_2] : memref<2048xi32, #tpu.memory_space<hbm>> -> memref<64xi32, #tpu.memory_space<hbm>>
      tpu.enqueue_dma source(%arg18 : memref<64xi32, #tpu.memory_space<vmem>>) target(%dma_start3A_114 : memref<64xi32, #tpu.memory_space<hbm>>) target_semaphore(%run_scoped3A : memref<!tpu.dma_semaphore, #tpu.memory_space<semaphore_mem>>)
      %dma_wait3A_115 = tpu.memref_slice %arg9[%mul3A_2] : memref<2048xi32, #tpu.memory_space<hbm>> -> memref<64xi32, #tpu.memory_space<hbm>>
      %dma_wait3A_116 = tpu.memref_slice %arg9[%mul3A_2] : memref<2048xi32, #tpu.memory_space<hbm>> -> memref<64xi32, #tpu.memory_space<hbm>>
      tpu.wait_dma2 semaphore(%run_scoped3A : memref<!tpu.dma_semaphore, #tpu.memory_space<semaphore_mem>>) src(%arg18 : memref<64xi32, #tpu.memory_space<vmem>>) dst(%dma_wait3A_116 : memref<64xi32, #tpu.memory_space<hbm>>)
      tpu.yield
    }) : () -> ()
    "tpu.region"() ({
      %run_scoped3A = tpu.sem_alloc : memref<!tpu.dma_semaphore, #tpu.memory_space<semaphore_mem>>
      %dma_start3A_113 = tpu.memref_slice %arg10[%mul3A_2] : memref<2048xi32, #tpu.memory_space<hbm>> -> memref<64xi32, #tpu.memory_space<hbm>>
      %dma_start3A_114 = tpu.memref_slice %arg10[%mul3A_2] : memref<2048xi32, #tpu.memory_space<hbm>> -> memref<64xi32, #tpu.memory_space<hbm>>
      tpu.enqueue_dma source(%arg19 : memref<64xi32, #tpu.memory_space<vmem>>) target(%dma_start3A_114 : memref<64xi32, #tpu.memory_space<hbm>>) target_semaphore(%run_scoped3A : memref<!tpu.dma_semaphore, #tpu.memory_space<semaphore_mem>>)
      %dma_wait3A_115 = tpu.memref_slice %arg10[%mul3A_2] : memref<2048xi32, #tpu.memory_space<hbm>> -> memref<64xi32, #tpu.memory_space<hbm>>
      %dma_wait3A_116 = tpu.memref_slice %arg10[%mul3A_2] : memref<2048xi32, #tpu.memory_space<hbm>> -> memref<64xi32, #tpu.memory_space<hbm>>
      tpu.wait_dma2 semaphore(%run_scoped3A : memref<!tpu.dma_semaphore, #tpu.memory_space<semaphore_mem>>) src(%arg19 : memref<64xi32, #tpu.memory_space<vmem>>) dst(%dma_wait3A_116 : memref<64xi32, #tpu.memory_space<hbm>>)
      tpu.yield
    }) : () -> ()
    %eq3A = arith.constant 0 : i32
    %eq3A_95 = arith.cmpi eq, %add3A, %eq3A : i32
    %convert_element_type3A = arith.extui %eq3A_95 : i1 to i32
    %cond3A = arith.constant 0 : i32
    %cond3A_96 = arith.cmpi ne, %convert_element_type3A, %cond3A : i32
    scf.if %cond3A_96 {
      %broadcast_in_dim3A = arith.constant 0 : i32
      %broadcast_in_dim3A_113 = vector.broadcast %broadcast_in_dim3A : i32 to vector<16xi32>
      %swap3A_114 = arith.constant 0 : index
      %swap3A_115 = tpu.vector_load %arg20[%swap3A_114] {strides = array<i32>} : memref<32xi32, #tpu.memory_space<vmem>>, vector<16xi32>,
      tpu.vector_store %arg20[%swap3A_114], %broadcast_in_dim3A_113 {strides = array<i32>} : memref<32xi32, #tpu.memory_space<vmem>>, vector<16xi32>,
      %swap3A_116 = arith.constant 16 : index
      %swap3A_117 = tpu.vector_load %arg20[%swap3A_116] {strides = array<i32>} : memref<32xi32, #tpu.memory_space<vmem>>, vector<16xi32>,
      tpu.vector_store %arg20[%swap3A_116], %broadcast_in_dim3A_113 {strides = array<i32>} : memref<32xi32, #tpu.memory_space<vmem>>, vector<16xi32>,
      %shift_right_arithmetic3A_118 = arith.constant 8 : i32
      %shift_right_arithmetic3A_119 = vector.broadcast %shift_right_arithmetic3A_118 : i32 to vector<16xi32>
      %shift_right_arithmetic3A_120 = arith.shrsi %sub3A, %shift_right_arithmetic3A_119 : vector<16xi32>
      %iota3A = tpu.iota {dimensions = array<i32: 0>} : vector<16xi32>
      %ge3A = arith.constant 1 : i32
      %ge3A_121 = vector.broadcast %ge3A : i32 to vector<16xi32>
      %ge3A_122 = arith.cmpi sge, %iota3A, %ge3A_121 : vector<16xi32>
      %lt3A = arith.constant 8 : i32
      %lt3A_123 = vector.broadcast %lt3A : i32 to vector<16xi32>
      %lt3A_124 = arith.cmpi slt, %iota3A, %lt3A_123 : vector<16xi32>
      %and3A = arith.andi %ge3A_122, %lt3A_124 : vector<16xi1>
      %broadcast_in_dim3A_125 = arith.constant 1 : i32
      %broadcast_in_dim3A_126 = vector.broadcast %broadcast_in_dim3A_125 : i32 to vector<16xi32>
      tpu.vector_store_idx %arg20[%shift_right_arithmetic3A_120], %broadcast_in_dim3A_126 masked %and3A {add = true} : memref<32xi32, #tpu.memory_space<vmem>>[vector<16xi32>], vector<16xi32>, vector<16xi1>
      %get3A_127 = arith.constant 0 : index
      %get3A_128 = tpu.vector_load %arg20[%get3A_127] {strides = array<i32>} : memref<32xi32, #tpu.memory_space<vmem>>, vector<16xi32>,
      %cumsum3A_129 = arith.constant true
      %cumsum3A_130 = vector.broadcast %cumsum3A_129 : i1 to vector<16xi1>
      %cumsum3A_131 = tpu.scan <sum>, %get3A_128 masked %cumsum3A_130 : vector<16xi32>, vector<16xi1> -> vector<16xi32>
      %reduce_sum3A = arith.constant true
      %reduce_sum3A_132 = vector.broadcast %reduce_sum3A : i1 to vector<16xi1>
      %reduce_sum3A_133 = tpu.scan <sum>, %get3A_128 masked %reduce_sum3A_132 : vector<16xi32>, vector<16xi1> -> vector<16xi32>
      %reduce_sum3A_134 = vector.extract %reduce_sum3A_133[15] : i32 from vector<16xi32>
      %get3A_135 = arith.constant 16 : index
      %get3A_136 = tpu.vector_load %arg20[%get3A_135] {strides = array<i32>} : memref<32xi32, #tpu.memory_space<vmem>>, vector<16xi32>,
      %cumsum3A_137 = arith.constant true
      %cumsum3A_138 = vector.broadcast %cumsum3A_137 : i1 to vector<16xi1>
      %cumsum3A_139 = tpu.scan <sum>, %get3A_136 masked %cumsum3A_138 : vector<16xi32>, vector<16xi1> -> vector<16xi32>
      %add3A_140 = vector.broadcast %reduce_sum3A_134 : i32 to vector<16xi32>
      %add3A_141 = arith.addi %cumsum3A_139, %add3A_140 : vector<16xi32>
      %swap3A_142 = arith.constant 0 : index
      %swap3A_143 = tpu.vector_load %arg21[%swap3A_142] {strides = array<i32>} : memref<32xi32, #tpu.memory_space<vmem>>, vector<16xi32>,
      tpu.vector_store %arg21[%swap3A_142], %cumsum3A_131 {strides = array<i32>} : memref<32xi32, #tpu.memory_space<vmem>>, vector<16xi32>,
      %swap3A_144 = arith.constant 16 : index
      %swap3A_145 = tpu.vector_load %arg21[%swap3A_144] {strides = array<i32>} : memref<32xi32, #tpu.memory_space<vmem>>, vector<16xi32>,
      tpu.vector_store %arg21[%swap3A_144], %add3A_141 {strides = array<i32>} : memref<32xi32, #tpu.memory_space<vmem>>, vector<16xi32>,
      "tpu.region"() ({
        %run_scoped3A = tpu.sem_alloc : memref<!tpu.dma_semaphore, #tpu.memory_space<semaphore_mem>>
        tpu.enqueue_dma source(%arg21 : memref<32xi32, #tpu.memory_space<vmem>>) target(%arg11 : memref<32xi32, #tpu.memory_space<hbm>>) target_semaphore(%run_scoped3A : memref<!tpu.dma_semaphore, #tpu.memory_space<semaphore_mem>>)
        tpu.wait_dma2 semaphore(%run_scoped3A : memref<!tpu.dma_semaphore, #tpu.memory_space<semaphore_mem>>) src(%arg21 : memref<32xi32, #tpu.memory_space<vmem>>) dst(%arg11 : memref<32xi32, #tpu.memory_space<hbm>>)
        tpu.yield
      }) : () -> ()
    } else {
    }
    %dma_wait3A_97 = arith.constant 0 : i32
    %dma_wait3A_98 = tpu.memref_slice %arg2[%mul3A_2, %dma_wait3A_97] : memref<2048x384xi32, #tpu.memory_space<hbm>> -> memref<64x384xi32, #tpu.memory_space<hbm>>
    %dma_wait3A_99 = arith.constant 0 : i32
    %dma_wait3A_100 = tpu.memref_slice %arg2[%mul3A_2, %dma_wait3A_99] : memref<2048x384xi32, #tpu.memory_space<hbm>> -> memref<64x384xi32, #tpu.memory_space<hbm>>
    tpu.wait_dma2 semaphore(%arg24 : memref<!tpu.dma_semaphore, #tpu.memory_space<semaphore_mem>>) src(%dma_wait3A_100 : memref<64x384xi32, #tpu.memory_space<hbm>>) dst(%arg22 : memref<64x384xi32, #tpu.memory_space<vmem>>)
    %dma_start3A_101 = arith.constant 0 : i32
    %dma_start3A_102 = arith.constant 0 : i32
    %dma_start3A_103 = tpu.memref_slice %arg8[%dma_start3A_101, %dma_start3A_102] : memref<6144x384xi32, #tpu.memory_space<hbm>> -> memref<6144x384xi32, #tpu.memory_space<hbm>>
    tpu.enqueue_indirect_dma source(%arg22 : memref<64x384xi32, #tpu.memory_space<vmem>>) target(%dma_start3A_103 : memref<6144x384xi32, #tpu.memory_space<hbm>>) offsets(%arg18 : memref<64xi32, #tpu.memory_space<vmem>>) semaphore(%arg23 : memref<!tpu.dma_semaphore, #tpu.memory_space<semaphore_mem>>)
    %dma_start3A_104 = arith.constant 0 : i32
    %dma_start3A_105 = arith.constant 0 : i32
    %dma_start3A_106 = tpu.memref_slice %arg8[%dma_start3A_104, %dma_start3A_105] : memref<6144x384xi32, #tpu.memory_space<hbm>> -> memref<6144x384xi32, #tpu.memory_space<hbm>>
    tpu.enqueue_indirect_dma source(%arg22 : memref<64x384xi32, #tpu.memory_space<vmem>>) target(%dma_start3A_106 : memref<6144x384xi32, #tpu.memory_space<hbm>>) offsets(%arg19 : memref<64xi32, #tpu.memory_space<vmem>>) semaphore(%arg23 : memref<!tpu.dma_semaphore, #tpu.memory_space<semaphore_mem>>)
    %dma_wait3A_107 = arith.constant 0 : i32
    %dma_wait3A_108 = arith.constant 0 : i32
    %dma_wait3A_109 = tpu.memref_slice %arg8[%dma_wait3A_107, %dma_wait3A_108] : memref<6144x384xi32, #tpu.memory_space<hbm>> -> memref<6144x384xi32, #tpu.memory_space<hbm>>
    tpu.wait_indirect_dma semaphore(%arg23 : memref<!tpu.dma_semaphore, #tpu.memory_space<semaphore_mem>>) src(%arg22 : memref<64x384xi32, #tpu.memory_space<vmem>>) dst(%dma_wait3A_109 : memref<6144x384xi32, #tpu.memory_space<hbm>>)
    %dma_wait3A_110 = arith.constant 0 : i32
    %dma_wait3A_111 = arith.constant 0 : i32
    %dma_wait3A_112 = tpu.memref_slice %arg8[%dma_wait3A_110, %dma_wait3A_111] : memref<6144x384xi32, #tpu.memory_space<hbm>> -> memref<6144x384xi32, #tpu.memory_space<hbm>>
    tpu.wait_indirect_dma semaphore(%arg23 : memref<!tpu.dma_semaphore, #tpu.memory_space<semaphore_mem>>) src(%arg22 : memref<64x384xi32, #tpu.memory_space<vmem>>) dst(%dma_wait3A_112 : memref<6144x384xi32, #tpu.memory_space<hbm>>)
    return
  }
}

#map = affine_map<(d0, d1) -> (0, 0)>
#map1 = affine_map<(d0, d1) -> (0)>
module attributes {stable_mosaic.version = 14 : i64} {
  func.func @_combine_body(%arg0: i32, %arg1: i32, %arg2: memref<6144x384xi32, #tpu.memory_space<hbm>>, %arg3: memref<2048xi32, #tpu.memory_space<hbm>>, %arg4: memref<2048xi32, #tpu.memory_space<hbm>>, %arg5: memref<2048xf32, #tpu.memory_space<hbm>>, %arg6: memref<2048xf32, #tpu.memory_space<hbm>>, %arg7: memref<2048x768xf32, #tpu.memory_space<hbm>>, %arg8: memref<64xi32, #tpu.memory_space<vmem>>, %arg9: memref<64xi32, #tpu.memory_space<vmem>>, %arg10: memref<64xf32, #tpu.memory_space<vmem>>, %arg11: memref<64xf32, #tpu.memory_space<vmem>>, %arg12: memref<64x384xi32, #tpu.memory_space<vmem>>, %arg13: memref<64x384xi32, #tpu.memory_space<vmem>>, %arg14: memref<64x768xf32, #tpu.memory_space<vmem>>, %arg15: memref<!tpu.dma_semaphore, #tpu.memory_space<semaphore_mem>>, %arg16: memref<!tpu.dma_semaphore, #tpu.memory_space<semaphore_mem>>) attributes {dimension_semantics = [#tpu.dimension_semantics<core_parallel>, #tpu.dimension_semantics<subcore_parallel>], iteration_bounds = array<i64: 2, 16>, scalar_prefetch = 0 : i64, scratch_operands = 9 : i64, tpu.core_type = #tpu.core_type<sc_vector_subcore>, window_params = [{transform_indices = #map}, {transform_indices = #map1}, {transform_indices = #map1}, {transform_indices = #map1}, {transform_indices = #map1}, {transform_indices = #map}]} {
    %mul3A = arith.constant 2 : i32
    %mul3A_0 = arith.muli %arg1, %mul3A : i32
    %add3A = arith.addi %mul3A_0, %arg0 : i32
    %mul3A_1 = arith.constant 64 : i32
    %mul3A_2 = arith.muli %add3A, %mul3A_1 : i32
    %dma_start3A = tpu.memref_slice %arg3[%mul3A_2] : memref<2048xi32, #tpu.memory_space<hbm>> -> memref<64xi32, #tpu.memory_space<hbm>>
    %dma_start3A_3 = tpu.memref_slice %arg3[%mul3A_2] : memref<2048xi32, #tpu.memory_space<hbm>> -> memref<64xi32, #tpu.memory_space<hbm>>
    tpu.enqueue_dma source(%dma_start3A_3 : memref<64xi32, #tpu.memory_space<hbm>>) target(%arg8 : memref<64xi32, #tpu.memory_space<vmem>>) target_semaphore(%arg15 : memref<!tpu.dma_semaphore, #tpu.memory_space<semaphore_mem>>)
    %dma_start3A_4 = tpu.memref_slice %arg4[%mul3A_2] : memref<2048xi32, #tpu.memory_space<hbm>> -> memref<64xi32, #tpu.memory_space<hbm>>
    %dma_start3A_5 = tpu.memref_slice %arg4[%mul3A_2] : memref<2048xi32, #tpu.memory_space<hbm>> -> memref<64xi32, #tpu.memory_space<hbm>>
    tpu.enqueue_dma source(%dma_start3A_5 : memref<64xi32, #tpu.memory_space<hbm>>) target(%arg9 : memref<64xi32, #tpu.memory_space<vmem>>) target_semaphore(%arg15 : memref<!tpu.dma_semaphore, #tpu.memory_space<semaphore_mem>>)
    %dma_start3A_6 = tpu.memref_slice %arg5[%mul3A_2] : memref<2048xf32, #tpu.memory_space<hbm>> -> memref<64xf32, #tpu.memory_space<hbm>>
    %dma_start3A_7 = tpu.memref_slice %arg5[%mul3A_2] : memref<2048xf32, #tpu.memory_space<hbm>> -> memref<64xf32, #tpu.memory_space<hbm>>
    tpu.enqueue_dma source(%dma_start3A_7 : memref<64xf32, #tpu.memory_space<hbm>>) target(%arg10 : memref<64xf32, #tpu.memory_space<vmem>>) target_semaphore(%arg15 : memref<!tpu.dma_semaphore, #tpu.memory_space<semaphore_mem>>)
    %dma_start3A_8 = tpu.memref_slice %arg6[%mul3A_2] : memref<2048xf32, #tpu.memory_space<hbm>> -> memref<64xf32, #tpu.memory_space<hbm>>
    %dma_start3A_9 = tpu.memref_slice %arg6[%mul3A_2] : memref<2048xf32, #tpu.memory_space<hbm>> -> memref<64xf32, #tpu.memory_space<hbm>>
    tpu.enqueue_dma source(%dma_start3A_9 : memref<64xf32, #tpu.memory_space<hbm>>) target(%arg11 : memref<64xf32, #tpu.memory_space<vmem>>) target_semaphore(%arg15 : memref<!tpu.dma_semaphore, #tpu.memory_space<semaphore_mem>>)
    %dma_wait3A = tpu.memref_slice %arg3[%mul3A_2] : memref<2048xi32, #tpu.memory_space<hbm>> -> memref<64xi32, #tpu.memory_space<hbm>>
    %dma_wait3A_10 = tpu.memref_slice %arg3[%mul3A_2] : memref<2048xi32, #tpu.memory_space<hbm>> -> memref<64xi32, #tpu.memory_space<hbm>>
    tpu.wait_dma2 semaphore(%arg15 : memref<!tpu.dma_semaphore, #tpu.memory_space<semaphore_mem>>) src(%dma_wait3A_10 : memref<64xi32, #tpu.memory_space<hbm>>) dst(%arg8 : memref<64xi32, #tpu.memory_space<vmem>>)
    %dma_wait3A_11 = tpu.memref_slice %arg4[%mul3A_2] : memref<2048xi32, #tpu.memory_space<hbm>> -> memref<64xi32, #tpu.memory_space<hbm>>
    %dma_wait3A_12 = tpu.memref_slice %arg4[%mul3A_2] : memref<2048xi32, #tpu.memory_space<hbm>> -> memref<64xi32, #tpu.memory_space<hbm>>
    tpu.wait_dma2 semaphore(%arg15 : memref<!tpu.dma_semaphore, #tpu.memory_space<semaphore_mem>>) src(%dma_wait3A_12 : memref<64xi32, #tpu.memory_space<hbm>>) dst(%arg9 : memref<64xi32, #tpu.memory_space<vmem>>)
    %dma_wait3A_13 = tpu.memref_slice %arg5[%mul3A_2] : memref<2048xf32, #tpu.memory_space<hbm>> -> memref<64xf32, #tpu.memory_space<hbm>>
    %dma_wait3A_14 = tpu.memref_slice %arg5[%mul3A_2] : memref<2048xf32, #tpu.memory_space<hbm>> -> memref<64xf32, #tpu.memory_space<hbm>>
    tpu.wait_dma2 semaphore(%arg15 : memref<!tpu.dma_semaphore, #tpu.memory_space<semaphore_mem>>) src(%dma_wait3A_14 : memref<64xf32, #tpu.memory_space<hbm>>) dst(%arg10 : memref<64xf32, #tpu.memory_space<vmem>>)
    %dma_wait3A_15 = tpu.memref_slice %arg6[%mul3A_2] : memref<2048xf32, #tpu.memory_space<hbm>> -> memref<64xf32, #tpu.memory_space<hbm>>
    %dma_wait3A_16 = tpu.memref_slice %arg6[%mul3A_2] : memref<2048xf32, #tpu.memory_space<hbm>> -> memref<64xf32, #tpu.memory_space<hbm>>
    tpu.wait_dma2 semaphore(%arg15 : memref<!tpu.dma_semaphore, #tpu.memory_space<semaphore_mem>>) src(%dma_wait3A_16 : memref<64xf32, #tpu.memory_space<hbm>>) dst(%arg11 : memref<64xf32, #tpu.memory_space<vmem>>)
    %dma_start3A_17 = arith.constant 0 : i32
    %dma_start3A_18 = arith.constant 0 : i32
    %dma_start3A_19 = tpu.memref_slice %arg2[%dma_start3A_17, %dma_start3A_18] : memref<6144x384xi32, #tpu.memory_space<hbm>> -> memref<6144x384xi32, #tpu.memory_space<hbm>>
    tpu.enqueue_indirect_dma source(%dma_start3A_19 : memref<6144x384xi32, #tpu.memory_space<hbm>>) target(%arg12 : memref<64x384xi32, #tpu.memory_space<vmem>>) offsets(%arg8 : memref<64xi32, #tpu.memory_space<vmem>>) semaphore(%arg15 : memref<!tpu.dma_semaphore, #tpu.memory_space<semaphore_mem>>)
    %dma_start3A_20 = arith.constant 0 : i32
    %dma_start3A_21 = arith.constant 0 : i32
    %dma_start3A_22 = tpu.memref_slice %arg2[%dma_start3A_20, %dma_start3A_21] : memref<6144x384xi32, #tpu.memory_space<hbm>> -> memref<6144x384xi32, #tpu.memory_space<hbm>>
    tpu.enqueue_indirect_dma source(%dma_start3A_22 : memref<6144x384xi32, #tpu.memory_space<hbm>>) target(%arg13 : memref<64x384xi32, #tpu.memory_space<vmem>>) offsets(%arg9 : memref<64xi32, #tpu.memory_space<vmem>>) semaphore(%arg16 : memref<!tpu.dma_semaphore, #tpu.memory_space<semaphore_mem>>)
    %dma_wait3A_23 = arith.constant 0 : i32
    %dma_wait3A_24 = arith.constant 0 : i32
    %dma_wait3A_25 = tpu.memref_slice %arg2[%dma_wait3A_23, %dma_wait3A_24] : memref<6144x384xi32, #tpu.memory_space<hbm>> -> memref<6144x384xi32, #tpu.memory_space<hbm>>
    tpu.wait_indirect_dma semaphore(%arg15 : memref<!tpu.dma_semaphore, #tpu.memory_space<semaphore_mem>>) src(%dma_wait3A_25 : memref<6144x384xi32, #tpu.memory_space<hbm>>) dst(%arg12 : memref<64x384xi32, #tpu.memory_space<vmem>>)
    %dma_wait3A_26 = arith.constant 0 : i32
    %dma_wait3A_27 = arith.constant 0 : i32
    %dma_wait3A_28 = tpu.memref_slice %arg2[%dma_wait3A_26, %dma_wait3A_27] : memref<6144x384xi32, #tpu.memory_space<hbm>> -> memref<6144x384xi32, #tpu.memory_space<hbm>>
    tpu.wait_indirect_dma semaphore(%arg16 : memref<!tpu.dma_semaphore, #tpu.memory_space<semaphore_mem>>) src(%dma_wait3A_28 : memref<6144x384xi32, #tpu.memory_space<hbm>>) dst(%arg13 : memref<64x384xi32, #tpu.memory_space<vmem>>)
    %parallel_loop3A = arith.constant 0 : i32
    %parallel_loop3A_29 = arith.constant 64 : i32
    %parallel_loop3A_30 = arith.constant 1 : i32
    %parallel_loop3A_31 = arith.constant -65536 : i32
    scf.for %parallel_loop3A_32 = %parallel_loop3A to %parallel_loop3A_29 step %parallel_loop3A_30  : i32 {
      %parallel_loop3A_33 = vector.broadcast %parallel_loop3A_32 : i32 to vector<16xi32>
      %parallel_loop3A_34 = tpu.vector_load_idx %arg10[%parallel_loop3A_33] : memref<64xf32, #tpu.memory_space<vmem>>[vector<16xi32>], vector<16xf32>,
      %parallel_loop3A_35 = tpu.vector_load_idx %arg11[%parallel_loop3A_33] : memref<64xf32, #tpu.memory_space<vmem>>[vector<16xi32>], vector<16xf32>,
      %parallel_loop3A_36 = arith.index_cast %parallel_loop3A_32 : i32 to index
      %parallel_loop3A_37 = arith.constant 0 : index
      %parallel_loop3A_38 = tpu.vector_load %arg12[%parallel_loop3A_36, %parallel_loop3A_37] {strides = array<i32>} : memref<64x384xi32, #tpu.memory_space<vmem>>, vector<16xi32>,
      %parallel_loop3A_39 = arith.index_cast %parallel_loop3A_32 : i32 to index
      %parallel_loop3A_40 = arith.constant 0 : index
      %parallel_loop3A_41 = tpu.vector_load %arg13[%parallel_loop3A_39, %parallel_loop3A_40] {strides = array<i32>} : memref<64x384xi32, #tpu.memory_space<vmem>>, vector<16xi32>,
      %parallel_loop3A_42 = arith.constant 16 : i32
      %parallel_loop3A_43 = vector.broadcast %parallel_loop3A_42 : i32 to vector<16xi32>
      %parallel_loop3A_44 = arith.shli %parallel_loop3A_38, %parallel_loop3A_43 : vector<16xi32>
      %parallel_loop3A_45 = vector.bitcast %parallel_loop3A_44 : vector<16xi32> to vector<16xf32>
      %parallel_loop3A_46 = vector.broadcast %parallel_loop3A_31 : i32 to vector<16xi32>
      %parallel_loop3A_47 = arith.andi %parallel_loop3A_38, %parallel_loop3A_46 : vector<16xi32>
      %parallel_loop3A_48 = vector.bitcast %parallel_loop3A_47 : vector<16xi32> to vector<16xf32>
      %parallel_loop3A_49 = arith.constant 16 : i32
      %parallel_loop3A_50 = vector.broadcast %parallel_loop3A_49 : i32 to vector<16xi32>
      %parallel_loop3A_51 = arith.shli %parallel_loop3A_41, %parallel_loop3A_50 : vector<16xi32>
      %parallel_loop3A_52 = vector.bitcast %parallel_loop3A_51 : vector<16xi32> to vector<16xf32>
      %parallel_loop3A_53 = vector.broadcast %parallel_loop3A_31 : i32 to vector<16xi32>
      %parallel_loop3A_54 = arith.andi %parallel_loop3A_41, %parallel_loop3A_53 : vector<16xi32>
      %parallel_loop3A_55 = vector.bitcast %parallel_loop3A_54 : vector<16xi32> to vector<16xf32>
      %parallel_loop3A_56 = arith.mulf %parallel_loop3A_34, %parallel_loop3A_45 : vector<16xf32>
      %parallel_loop3A_57 = arith.mulf %parallel_loop3A_35, %parallel_loop3A_52 : vector<16xf32>
      %parallel_loop3A_58 = arith.addf %parallel_loop3A_56, %parallel_loop3A_57 : vector<16xf32>
      %parallel_loop3A_59 = arith.index_cast %parallel_loop3A_32 : i32 to index
      %parallel_loop3A_60 = arith.constant 0 : index
      %parallel_loop3A_61 = tpu.vector_load %arg14[%parallel_loop3A_59, %parallel_loop3A_60] {strides = array<i32>} : memref<64x768xf32, #tpu.memory_space<vmem>>, vector<16xf32>,
      tpu.vector_store %arg14[%parallel_loop3A_59, %parallel_loop3A_60], %parallel_loop3A_58 {strides = array<i32>} : memref<64x768xf32, #tpu.memory_space<vmem>>, vector<16xf32>,
      %parallel_loop3A_62 = arith.mulf %parallel_loop3A_34, %parallel_loop3A_48 : vector<16xf32>
      %parallel_loop3A_63 = arith.mulf %parallel_loop3A_35, %parallel_loop3A_55 : vector<16xf32>
      %parallel_loop3A_64 = arith.addf %parallel_loop3A_62, %parallel_loop3A_63 : vector<16xf32>
      %parallel_loop3A_65 = arith.index_cast %parallel_loop3A_32 : i32 to index
      %parallel_loop3A_66 = arith.constant 384 : index
      %parallel_loop3A_67 = tpu.vector_load %arg14[%parallel_loop3A_65, %parallel_loop3A_66] {strides = array<i32>} : memref<64x768xf32, #tpu.memory_space<vmem>>, vector<16xf32>,
      tpu.vector_store %arg14[%parallel_loop3A_65, %parallel_loop3A_66], %parallel_loop3A_64 {strides = array<i32>} : memref<64x768xf32, #tpu.memory_space<vmem>>, vector<16xf32>,
      %parallel_loop3A_68 = arith.index_cast %parallel_loop3A_32 : i32 to index
      %parallel_loop3A_69 = arith.constant 16 : index
      %parallel_loop3A_70 = tpu.vector_load %arg12[%parallel_loop3A_68, %parallel_loop3A_69] {strides = array<i32>} : memref<64x384xi32, #tpu.memory_space<vmem>>, vector<16xi32>,
      %parallel_loop3A_71 = arith.index_cast %parallel_loop3A_32 : i32 to index
      %parallel_loop3A_72 = arith.constant 16 : index
      %parallel_loop3A_73 = tpu.vector_load %arg13[%parallel_loop3A_71, %parallel_loop3A_72] {strides = array<i32>} : memref<64x384xi32, #tpu.memory_space<vmem>>, vector<16xi32>,
      %parallel_loop3A_74 = arith.constant 16 : i32
      %parallel_loop3A_75 = vector.broadcast %parallel_loop3A_74 : i32 to vector<16xi32>
      %parallel_loop3A_76 = arith.shli %parallel_loop3A_70, %parallel_loop3A_75 : vector<16xi32>
      %parallel_loop3A_77 = vector.bitcast %parallel_loop3A_76 : vector<16xi32> to vector<16xf32>
      %parallel_loop3A_78 = vector.broadcast %parallel_loop3A_31 : i32 to vector<16xi32>
      %parallel_loop3A_79 = arith.andi %parallel_loop3A_70, %parallel_loop3A_78 : vector<16xi32>
      %parallel_loop3A_80 = vector.bitcast %parallel_loop3A_79 : vector<16xi32> to vector<16xf32>
      %parallel_loop3A_81 = arith.constant 16 : i32
      %parallel_loop3A_82 = vector.broadcast %parallel_loop3A_81 : i32 to vector<16xi32>
      %parallel_loop3A_83 = arith.shli %parallel_loop3A_73, %parallel_loop3A_82 : vector<16xi32>
      %parallel_loop3A_84 = vector.bitcast %parallel_loop3A_83 : vector<16xi32> to vector<16xf32>
      %parallel_loop3A_85 = vector.broadcast %parallel_loop3A_31 : i32 to vector<16xi32>
      %parallel_loop3A_86 = arith.andi %parallel_loop3A_73, %parallel_loop3A_85 : vector<16xi32>
      %parallel_loop3A_87 = vector.bitcast %parallel_loop3A_86 : vector<16xi32> to vector<16xf32>
      %parallel_loop3A_88 = arith.mulf %parallel_loop3A_34, %parallel_loop3A_77 : vector<16xf32>
      %parallel_loop3A_89 = arith.mulf %parallel_loop3A_35, %parallel_loop3A_84 : vector<16xf32>
      %parallel_loop3A_90 = arith.addf %parallel_loop3A_88, %parallel_loop3A_89 : vector<16xf32>
      %parallel_loop3A_91 = arith.index_cast %parallel_loop3A_32 : i32 to index
      %parallel_loop3A_92 = arith.constant 16 : index
      %parallel_loop3A_93 = tpu.vector_load %arg14[%parallel_loop3A_91, %parallel_loop3A_92] {strides = array<i32>} : memref<64x768xf32, #tpu.memory_space<vmem>>, vector<16xf32>,
      tpu.vector_store %arg14[%parallel_loop3A_91, %parallel_loop3A_92], %parallel_loop3A_90 {strides = array<i32>} : memref<64x768xf32, #tpu.memory_space<vmem>>, vector<16xf32>,
      %parallel_loop3A_94 = arith.mulf %parallel_loop3A_34, %parallel_loop3A_80 : vector<16xf32>
      %parallel_loop3A_95 = arith.mulf %parallel_loop3A_35, %parallel_loop3A_87 : vector<16xf32>
      %parallel_loop3A_96 = arith.addf %parallel_loop3A_94, %parallel_loop3A_95 : vector<16xf32>
      %parallel_loop3A_97 = arith.index_cast %parallel_loop3A_32 : i32 to index
      %parallel_loop3A_98 = arith.constant 400 : index
      %parallel_loop3A_99 = tpu.vector_load %arg14[%parallel_loop3A_97, %parallel_loop3A_98] {strides = array<i32>} : memref<64x768xf32, #tpu.memory_space<vmem>>, vector<16xf32>,
      tpu.vector_store %arg14[%parallel_loop3A_97, %parallel_loop3A_98], %parallel_loop3A_96 {strides = array<i32>} : memref<64x768xf32, #tpu.memory_space<vmem>>, vector<16xf32>,
      %parallel_loop3A_100 = arith.index_cast %parallel_loop3A_32 : i32 to index
      %parallel_loop3A_101 = arith.constant 32 : index
      %parallel_loop3A_102 = tpu.vector_load %arg12[%parallel_loop3A_100, %parallel_loop3A_101] {strides = array<i32>} : memref<64x384xi32, #tpu.memory_space<vmem>>, vector<16xi32>,
      %parallel_loop3A_103 = arith.index_cast %parallel_loop3A_32 : i32 to index
      %parallel_loop3A_104 = arith.constant 32 : index
      %parallel_loop3A_105 = tpu.vector_load %arg13[%parallel_loop3A_103, %parallel_loop3A_104] {strides = array<i32>} : memref<64x384xi32, #tpu.memory_space<vmem>>, vector<16xi32>,
      %parallel_loop3A_106 = arith.constant 16 : i32
      %parallel_loop3A_107 = vector.broadcast %parallel_loop3A_106 : i32 to vector<16xi32>
      %parallel_loop3A_108 = arith.shli %parallel_loop3A_102, %parallel_loop3A_107 : vector<16xi32>
      %parallel_loop3A_109 = vector.bitcast %parallel_loop3A_108 : vector<16xi32> to vector<16xf32>
      %parallel_loop3A_110 = vector.broadcast %parallel_loop3A_31 : i32 to vector<16xi32>
      %parallel_loop3A_111 = arith.andi %parallel_loop3A_102, %parallel_loop3A_110 : vector<16xi32>
      %parallel_loop3A_112 = vector.bitcast %parallel_loop3A_111 : vector<16xi32> to vector<16xf32>
      %parallel_loop3A_113 = arith.constant 16 : i32
      %parallel_loop3A_114 = vector.broadcast %parallel_loop3A_113 : i32 to vector<16xi32>
      %parallel_loop3A_115 = arith.shli %parallel_loop3A_105, %parallel_loop3A_114 : vector<16xi32>
      %parallel_loop3A_116 = vector.bitcast %parallel_loop3A_115 : vector<16xi32> to vector<16xf32>
      %parallel_loop3A_117 = vector.broadcast %parallel_loop3A_31 : i32 to vector<16xi32>
      %parallel_loop3A_118 = arith.andi %parallel_loop3A_105, %parallel_loop3A_117 : vector<16xi32>
      %parallel_loop3A_119 = vector.bitcast %parallel_loop3A_118 : vector<16xi32> to vector<16xf32>
      %parallel_loop3A_120 = arith.mulf %parallel_loop3A_34, %parallel_loop3A_109 : vector<16xf32>
      %parallel_loop3A_121 = arith.mulf %parallel_loop3A_35, %parallel_loop3A_116 : vector<16xf32>
      %parallel_loop3A_122 = arith.addf %parallel_loop3A_120, %parallel_loop3A_121 : vector<16xf32>
      %parallel_loop3A_123 = arith.index_cast %parallel_loop3A_32 : i32 to index
      %parallel_loop3A_124 = arith.constant 32 : index
      %parallel_loop3A_125 = tpu.vector_load %arg14[%parallel_loop3A_123, %parallel_loop3A_124] {strides = array<i32>} : memref<64x768xf32, #tpu.memory_space<vmem>>, vector<16xf32>,
      tpu.vector_store %arg14[%parallel_loop3A_123, %parallel_loop3A_124], %parallel_loop3A_122 {strides = array<i32>} : memref<64x768xf32, #tpu.memory_space<vmem>>, vector<16xf32>,
      %parallel_loop3A_126 = arith.mulf %parallel_loop3A_34, %parallel_loop3A_112 : vector<16xf32>
      %parallel_loop3A_127 = arith.mulf %parallel_loop3A_35, %parallel_loop3A_119 : vector<16xf32>
      %parallel_loop3A_128 = arith.addf %parallel_loop3A_126, %parallel_loop3A_127 : vector<16xf32>
      %parallel_loop3A_129 = arith.index_cast %parallel_loop3A_32 : i32 to index
      %parallel_loop3A_130 = arith.constant 416 : index
      %parallel_loop3A_131 = tpu.vector_load %arg14[%parallel_loop3A_129, %parallel_loop3A_130] {strides = array<i32>} : memref<64x768xf32, #tpu.memory_space<vmem>>, vector<16xf32>,
      tpu.vector_store %arg14[%parallel_loop3A_129, %parallel_loop3A_130], %parallel_loop3A_128 {strides = array<i32>} : memref<64x768xf32, #tpu.memory_space<vmem>>, vector<16xf32>,
      %parallel_loop3A_132 = arith.index_cast %parallel_loop3A_32 : i32 to index
      %parallel_loop3A_133 = arith.constant 48 : index
      %parallel_loop3A_134 = tpu.vector_load %arg12[%parallel_loop3A_132, %parallel_loop3A_133] {strides = array<i32>} : memref<64x384xi32, #tpu.memory_space<vmem>>, vector<16xi32>,
      %parallel_loop3A_135 = arith.index_cast %parallel_loop3A_32 : i32 to index
      %parallel_loop3A_136 = arith.constant 48 : index
      %parallel_loop3A_137 = tpu.vector_load %arg13[%parallel_loop3A_135, %parallel_loop3A_136] {strides = array<i32>} : memref<64x384xi32, #tpu.memory_space<vmem>>, vector<16xi32>,
      %parallel_loop3A_138 = arith.constant 16 : i32
      %parallel_loop3A_139 = vector.broadcast %parallel_loop3A_138 : i32 to vector<16xi32>
      %parallel_loop3A_140 = arith.shli %parallel_loop3A_134, %parallel_loop3A_139 : vector<16xi32>
      %parallel_loop3A_141 = vector.bitcast %parallel_loop3A_140 : vector<16xi32> to vector<16xf32>
      %parallel_loop3A_142 = vector.broadcast %parallel_loop3A_31 : i32 to vector<16xi32>
      %parallel_loop3A_143 = arith.andi %parallel_loop3A_134, %parallel_loop3A_142 : vector<16xi32>
      %parallel_loop3A_144 = vector.bitcast %parallel_loop3A_143 : vector<16xi32> to vector<16xf32>
      %parallel_loop3A_145 = arith.constant 16 : i32
      %parallel_loop3A_146 = vector.broadcast %parallel_loop3A_145 : i32 to vector<16xi32>
      %parallel_loop3A_147 = arith.shli %parallel_loop3A_137, %parallel_loop3A_146 : vector<16xi32>
      %parallel_loop3A_148 = vector.bitcast %parallel_loop3A_147 : vector<16xi32> to vector<16xf32>
      %parallel_loop3A_149 = vector.broadcast %parallel_loop3A_31 : i32 to vector<16xi32>
      %parallel_loop3A_150 = arith.andi %parallel_loop3A_137, %parallel_loop3A_149 : vector<16xi32>
      %parallel_loop3A_151 = vector.bitcast %parallel_loop3A_150 : vector<16xi32> to vector<16xf32>
      %parallel_loop3A_152 = arith.mulf %parallel_loop3A_34, %parallel_loop3A_141 : vector<16xf32>
      %parallel_loop3A_153 = arith.mulf %parallel_loop3A_35, %parallel_loop3A_148 : vector<16xf32>
      %parallel_loop3A_154 = arith.addf %parallel_loop3A_152, %parallel_loop3A_153 : vector<16xf32>
      %parallel_loop3A_155 = arith.index_cast %parallel_loop3A_32 : i32 to index
      %parallel_loop3A_156 = arith.constant 48 : index
      %parallel_loop3A_157 = tpu.vector_load %arg14[%parallel_loop3A_155, %parallel_loop3A_156] {strides = array<i32>} : memref<64x768xf32, #tpu.memory_space<vmem>>, vector<16xf32>,
      tpu.vector_store %arg14[%parallel_loop3A_155, %parallel_loop3A_156], %parallel_loop3A_154 {strides = array<i32>} : memref<64x768xf32, #tpu.memory_space<vmem>>, vector<16xf32>,
      %parallel_loop3A_158 = arith.mulf %parallel_loop3A_34, %parallel_loop3A_144 : vector<16xf32>
      %parallel_loop3A_159 = arith.mulf %parallel_loop3A_35, %parallel_loop3A_151 : vector<16xf32>
      %parallel_loop3A_160 = arith.addf %parallel_loop3A_158, %parallel_loop3A_159 : vector<16xf32>
      %parallel_loop3A_161 = arith.index_cast %parallel_loop3A_32 : i32 to index
      %parallel_loop3A_162 = arith.constant 432 : index
      %parallel_loop3A_163 = tpu.vector_load %arg14[%parallel_loop3A_161, %parallel_loop3A_162] {strides = array<i32>} : memref<64x768xf32, #tpu.memory_space<vmem>>, vector<16xf32>,
      tpu.vector_store %arg14[%parallel_loop3A_161, %parallel_loop3A_162], %parallel_loop3A_160 {strides = array<i32>} : memref<64x768xf32, #tpu.memory_space<vmem>>, vector<16xf32>,
      %parallel_loop3A_164 = arith.index_cast %parallel_loop3A_32 : i32 to index
      %parallel_loop3A_165 = arith.constant 64 : index
      %parallel_loop3A_166 = tpu.vector_load %arg12[%parallel_loop3A_164, %parallel_loop3A_165] {strides = array<i32>} : memref<64x384xi32, #tpu.memory_space<vmem>>, vector<16xi32>,
      %parallel_loop3A_167 = arith.index_cast %parallel_loop3A_32 : i32 to index
      %parallel_loop3A_168 = arith.constant 64 : index
      %parallel_loop3A_169 = tpu.vector_load %arg13[%parallel_loop3A_167, %parallel_loop3A_168] {strides = array<i32>} : memref<64x384xi32, #tpu.memory_space<vmem>>, vector<16xi32>,
      %parallel_loop3A_170 = arith.constant 16 : i32
      %parallel_loop3A_171 = vector.broadcast %parallel_loop3A_170 : i32 to vector<16xi32>
      %parallel_loop3A_172 = arith.shli %parallel_loop3A_166, %parallel_loop3A_171 : vector<16xi32>
      %parallel_loop3A_173 = vector.bitcast %parallel_loop3A_172 : vector<16xi32> to vector<16xf32>
      %parallel_loop3A_174 = vector.broadcast %parallel_loop3A_31 : i32 to vector<16xi32>
      %parallel_loop3A_175 = arith.andi %parallel_loop3A_166, %parallel_loop3A_174 : vector<16xi32>
      %parallel_loop3A_176 = vector.bitcast %parallel_loop3A_175 : vector<16xi32> to vector<16xf32>
      %parallel_loop3A_177 = arith.constant 16 : i32
      %parallel_loop3A_178 = vector.broadcast %parallel_loop3A_177 : i32 to vector<16xi32>
      %parallel_loop3A_179 = arith.shli %parallel_loop3A_169, %parallel_loop3A_178 : vector<16xi32>
      %parallel_loop3A_180 = vector.bitcast %parallel_loop3A_179 : vector<16xi32> to vector<16xf32>
      %parallel_loop3A_181 = vector.broadcast %parallel_loop3A_31 : i32 to vector<16xi32>
      %parallel_loop3A_182 = arith.andi %parallel_loop3A_169, %parallel_loop3A_181 : vector<16xi32>
      %parallel_loop3A_183 = vector.bitcast %parallel_loop3A_182 : vector<16xi32> to vector<16xf32>
      %parallel_loop3A_184 = arith.mulf %parallel_loop3A_34, %parallel_loop3A_173 : vector<16xf32>
      %parallel_loop3A_185 = arith.mulf %parallel_loop3A_35, %parallel_loop3A_180 : vector<16xf32>
      %parallel_loop3A_186 = arith.addf %parallel_loop3A_184, %parallel_loop3A_185 : vector<16xf32>
      %parallel_loop3A_187 = arith.index_cast %parallel_loop3A_32 : i32 to index
      %parallel_loop3A_188 = arith.constant 64 : index
      %parallel_loop3A_189 = tpu.vector_load %arg14[%parallel_loop3A_187, %parallel_loop3A_188] {strides = array<i32>} : memref<64x768xf32, #tpu.memory_space<vmem>>, vector<16xf32>,
      tpu.vector_store %arg14[%parallel_loop3A_187, %parallel_loop3A_188], %parallel_loop3A_186 {strides = array<i32>} : memref<64x768xf32, #tpu.memory_space<vmem>>, vector<16xf32>,
      %parallel_loop3A_190 = arith.mulf %parallel_loop3A_34, %parallel_loop3A_176 : vector<16xf32>
      %parallel_loop3A_191 = arith.mulf %parallel_loop3A_35, %parallel_loop3A_183 : vector<16xf32>
      %parallel_loop3A_192 = arith.addf %parallel_loop3A_190, %parallel_loop3A_191 : vector<16xf32>
      %parallel_loop3A_193 = arith.index_cast %parallel_loop3A_32 : i32 to index
      %parallel_loop3A_194 = arith.constant 448 : index
      %parallel_loop3A_195 = tpu.vector_load %arg14[%parallel_loop3A_193, %parallel_loop3A_194] {strides = array<i32>} : memref<64x768xf32, #tpu.memory_space<vmem>>, vector<16xf32>,
      tpu.vector_store %arg14[%parallel_loop3A_193, %parallel_loop3A_194], %parallel_loop3A_192 {strides = array<i32>} : memref<64x768xf32, #tpu.memory_space<vmem>>, vector<16xf32>,
      %parallel_loop3A_196 = arith.index_cast %parallel_loop3A_32 : i32 to index
      %parallel_loop3A_197 = arith.constant 80 : index
      %parallel_loop3A_198 = tpu.vector_load %arg12[%parallel_loop3A_196, %parallel_loop3A_197] {strides = array<i32>} : memref<64x384xi32, #tpu.memory_space<vmem>>, vector<16xi32>,
      %parallel_loop3A_199 = arith.index_cast %parallel_loop3A_32 : i32 to index
      %parallel_loop3A_200 = arith.constant 80 : index
      %parallel_loop3A_201 = tpu.vector_load %arg13[%parallel_loop3A_199, %parallel_loop3A_200] {strides = array<i32>} : memref<64x384xi32, #tpu.memory_space<vmem>>, vector<16xi32>,
      %parallel_loop3A_202 = arith.constant 16 : i32
      %parallel_loop3A_203 = vector.broadcast %parallel_loop3A_202 : i32 to vector<16xi32>
      %parallel_loop3A_204 = arith.shli %parallel_loop3A_198, %parallel_loop3A_203 : vector<16xi32>
      %parallel_loop3A_205 = vector.bitcast %parallel_loop3A_204 : vector<16xi32> to vector<16xf32>
      %parallel_loop3A_206 = vector.broadcast %parallel_loop3A_31 : i32 to vector<16xi32>
      %parallel_loop3A_207 = arith.andi %parallel_loop3A_198, %parallel_loop3A_206 : vector<16xi32>
      %parallel_loop3A_208 = vector.bitcast %parallel_loop3A_207 : vector<16xi32> to vector<16xf32>
      %parallel_loop3A_209 = arith.constant 16 : i32
      %parallel_loop3A_210 = vector.broadcast %parallel_loop3A_209 : i32 to vector<16xi32>
      %parallel_loop3A_211 = arith.shli %parallel_loop3A_201, %parallel_loop3A_210 : vector<16xi32>
      %parallel_loop3A_212 = vector.bitcast %parallel_loop3A_211 : vector<16xi32> to vector<16xf32>
      %parallel_loop3A_213 = vector.broadcast %parallel_loop3A_31 : i32 to vector<16xi32>
      %parallel_loop3A_214 = arith.andi %parallel_loop3A_201, %parallel_loop3A_213 : vector<16xi32>
      %parallel_loop3A_215 = vector.bitcast %parallel_loop3A_214 : vector<16xi32> to vector<16xf32>
      %parallel_loop3A_216 = arith.mulf %parallel_loop3A_34, %parallel_loop3A_205 : vector<16xf32>
      %parallel_loop3A_217 = arith.mulf %parallel_loop3A_35, %parallel_loop3A_212 : vector<16xf32>
      %parallel_loop3A_218 = arith.addf %parallel_loop3A_216, %parallel_loop3A_217 : vector<16xf32>
      %parallel_loop3A_219 = arith.index_cast %parallel_loop3A_32 : i32 to index
      %parallel_loop3A_220 = arith.constant 80 : index
      %parallel_loop3A_221 = tpu.vector_load %arg14[%parallel_loop3A_219, %parallel_loop3A_220] {strides = array<i32>} : memref<64x768xf32, #tpu.memory_space<vmem>>, vector<16xf32>,
      tpu.vector_store %arg14[%parallel_loop3A_219, %parallel_loop3A_220], %parallel_loop3A_218 {strides = array<i32>} : memref<64x768xf32, #tpu.memory_space<vmem>>, vector<16xf32>,
      %parallel_loop3A_222 = arith.mulf %parallel_loop3A_34, %parallel_loop3A_208 : vector<16xf32>
      %parallel_loop3A_223 = arith.mulf %parallel_loop3A_35, %parallel_loop3A_215 : vector<16xf32>
      %parallel_loop3A_224 = arith.addf %parallel_loop3A_222, %parallel_loop3A_223 : vector<16xf32>
      %parallel_loop3A_225 = arith.index_cast %parallel_loop3A_32 : i32 to index
      %parallel_loop3A_226 = arith.constant 464 : index
      %parallel_loop3A_227 = tpu.vector_load %arg14[%parallel_loop3A_225, %parallel_loop3A_226] {strides = array<i32>} : memref<64x768xf32, #tpu.memory_space<vmem>>, vector<16xf32>,
      tpu.vector_store %arg14[%parallel_loop3A_225, %parallel_loop3A_226], %parallel_loop3A_224 {strides = array<i32>} : memref<64x768xf32, #tpu.memory_space<vmem>>, vector<16xf32>,
      %parallel_loop3A_228 = arith.index_cast %parallel_loop3A_32 : i32 to index
      %parallel_loop3A_229 = arith.constant 96 : index
      %parallel_loop3A_230 = tpu.vector_load %arg12[%parallel_loop3A_228, %parallel_loop3A_229] {strides = array<i32>} : memref<64x384xi32, #tpu.memory_space<vmem>>, vector<16xi32>,
      %parallel_loop3A_231 = arith.index_cast %parallel_loop3A_32 : i32 to index
      %parallel_loop3A_232 = arith.constant 96 : index
      %parallel_loop3A_233 = tpu.vector_load %arg13[%parallel_loop3A_231, %parallel_loop3A_232] {strides = array<i32>} : memref<64x384xi32, #tpu.memory_space<vmem>>, vector<16xi32>,
      %parallel_loop3A_234 = arith.constant 16 : i32
      %parallel_loop3A_235 = vector.broadcast %parallel_loop3A_234 : i32 to vector<16xi32>
      %parallel_loop3A_236 = arith.shli %parallel_loop3A_230, %parallel_loop3A_235 : vector<16xi32>
      %parallel_loop3A_237 = vector.bitcast %parallel_loop3A_236 : vector<16xi32> to vector<16xf32>
      %parallel_loop3A_238 = vector.broadcast %parallel_loop3A_31 : i32 to vector<16xi32>
      %parallel_loop3A_239 = arith.andi %parallel_loop3A_230, %parallel_loop3A_238 : vector<16xi32>
      %parallel_loop3A_240 = vector.bitcast %parallel_loop3A_239 : vector<16xi32> to vector<16xf32>
      %parallel_loop3A_241 = arith.constant 16 : i32
      %parallel_loop3A_242 = vector.broadcast %parallel_loop3A_241 : i32 to vector<16xi32>
      %parallel_loop3A_243 = arith.shli %parallel_loop3A_233, %parallel_loop3A_242 : vector<16xi32>
      %parallel_loop3A_244 = vector.bitcast %parallel_loop3A_243 : vector<16xi32> to vector<16xf32>
      %parallel_loop3A_245 = vector.broadcast %parallel_loop3A_31 : i32 to vector<16xi32>
      %parallel_loop3A_246 = arith.andi %parallel_loop3A_233, %parallel_loop3A_245 : vector<16xi32>
      %parallel_loop3A_247 = vector.bitcast %parallel_loop3A_246 : vector<16xi32> to vector<16xf32>
      %parallel_loop3A_248 = arith.mulf %parallel_loop3A_34, %parallel_loop3A_237 : vector<16xf32>
      %parallel_loop3A_249 = arith.mulf %parallel_loop3A_35, %parallel_loop3A_244 : vector<16xf32>
      %parallel_loop3A_250 = arith.addf %parallel_loop3A_248, %parallel_loop3A_249 : vector<16xf32>
      %parallel_loop3A_251 = arith.index_cast %parallel_loop3A_32 : i32 to index
      %parallel_loop3A_252 = arith.constant 96 : index
      %parallel_loop3A_253 = tpu.vector_load %arg14[%parallel_loop3A_251, %parallel_loop3A_252] {strides = array<i32>} : memref<64x768xf32, #tpu.memory_space<vmem>>, vector<16xf32>,
      tpu.vector_store %arg14[%parallel_loop3A_251, %parallel_loop3A_252], %parallel_loop3A_250 {strides = array<i32>} : memref<64x768xf32, #tpu.memory_space<vmem>>, vector<16xf32>,
      %parallel_loop3A_254 = arith.mulf %parallel_loop3A_34, %parallel_loop3A_240 : vector<16xf32>
      %parallel_loop3A_255 = arith.mulf %parallel_loop3A_35, %parallel_loop3A_247 : vector<16xf32>
      %parallel_loop3A_256 = arith.addf %parallel_loop3A_254, %parallel_loop3A_255 : vector<16xf32>
      %parallel_loop3A_257 = arith.index_cast %parallel_loop3A_32 : i32 to index
      %parallel_loop3A_258 = arith.constant 480 : index
      %parallel_loop3A_259 = tpu.vector_load %arg14[%parallel_loop3A_257, %parallel_loop3A_258] {strides = array<i32>} : memref<64x768xf32, #tpu.memory_space<vmem>>, vector<16xf32>,
      tpu.vector_store %arg14[%parallel_loop3A_257, %parallel_loop3A_258], %parallel_loop3A_256 {strides = array<i32>} : memref<64x768xf32, #tpu.memory_space<vmem>>, vector<16xf32>,
      %parallel_loop3A_260 = arith.index_cast %parallel_loop3A_32 : i32 to index
      %parallel_loop3A_261 = arith.constant 112 : index
      %parallel_loop3A_262 = tpu.vector_load %arg12[%parallel_loop3A_260, %parallel_loop3A_261] {strides = array<i32>} : memref<64x384xi32, #tpu.memory_space<vmem>>, vector<16xi32>,
      %parallel_loop3A_263 = arith.index_cast %parallel_loop3A_32 : i32 to index
      %parallel_loop3A_264 = arith.constant 112 : index
      %parallel_loop3A_265 = tpu.vector_load %arg13[%parallel_loop3A_263, %parallel_loop3A_264] {strides = array<i32>} : memref<64x384xi32, #tpu.memory_space<vmem>>, vector<16xi32>,
      %parallel_loop3A_266 = arith.constant 16 : i32
      %parallel_loop3A_267 = vector.broadcast %parallel_loop3A_266 : i32 to vector<16xi32>
      %parallel_loop3A_268 = arith.shli %parallel_loop3A_262, %parallel_loop3A_267 : vector<16xi32>
      %parallel_loop3A_269 = vector.bitcast %parallel_loop3A_268 : vector<16xi32> to vector<16xf32>
      %parallel_loop3A_270 = vector.broadcast %parallel_loop3A_31 : i32 to vector<16xi32>
      %parallel_loop3A_271 = arith.andi %parallel_loop3A_262, %parallel_loop3A_270 : vector<16xi32>
      %parallel_loop3A_272 = vector.bitcast %parallel_loop3A_271 : vector<16xi32> to vector<16xf32>
      %parallel_loop3A_273 = arith.constant 16 : i32
      %parallel_loop3A_274 = vector.broadcast %parallel_loop3A_273 : i32 to vector<16xi32>
      %parallel_loop3A_275 = arith.shli %parallel_loop3A_265, %parallel_loop3A_274 : vector<16xi32>
      %parallel_loop3A_276 = vector.bitcast %parallel_loop3A_275 : vector<16xi32> to vector<16xf32>
      %parallel_loop3A_277 = vector.broadcast %parallel_loop3A_31 : i32 to vector<16xi32>
      %parallel_loop3A_278 = arith.andi %parallel_loop3A_265, %parallel_loop3A_277 : vector<16xi32>
      %parallel_loop3A_279 = vector.bitcast %parallel_loop3A_278 : vector<16xi32> to vector<16xf32>
      %parallel_loop3A_280 = arith.mulf %parallel_loop3A_34, %parallel_loop3A_269 : vector<16xf32>
      %parallel_loop3A_281 = arith.mulf %parallel_loop3A_35, %parallel_loop3A_276 : vector<16xf32>
      %parallel_loop3A_282 = arith.addf %parallel_loop3A_280, %parallel_loop3A_281 : vector<16xf32>
      %parallel_loop3A_283 = arith.index_cast %parallel_loop3A_32 : i32 to index
      %parallel_loop3A_284 = arith.constant 112 : index
      %parallel_loop3A_285 = tpu.vector_load %arg14[%parallel_loop3A_283, %parallel_loop3A_284] {strides = array<i32>} : memref<64x768xf32, #tpu.memory_space<vmem>>, vector<16xf32>,
      tpu.vector_store %arg14[%parallel_loop3A_283, %parallel_loop3A_284], %parallel_loop3A_282 {strides = array<i32>} : memref<64x768xf32, #tpu.memory_space<vmem>>, vector<16xf32>,
      %parallel_loop3A_286 = arith.mulf %parallel_loop3A_34, %parallel_loop3A_272 : vector<16xf32>
      %parallel_loop3A_287 = arith.mulf %parallel_loop3A_35, %parallel_loop3A_279 : vector<16xf32>
      %parallel_loop3A_288 = arith.addf %parallel_loop3A_286, %parallel_loop3A_287 : vector<16xf32>
      %parallel_loop3A_289 = arith.index_cast %parallel_loop3A_32 : i32 to index
      %parallel_loop3A_290 = arith.constant 496 : index
      %parallel_loop3A_291 = tpu.vector_load %arg14[%parallel_loop3A_289, %parallel_loop3A_290] {strides = array<i32>} : memref<64x768xf32, #tpu.memory_space<vmem>>, vector<16xf32>,
      tpu.vector_store %arg14[%parallel_loop3A_289, %parallel_loop3A_290], %parallel_loop3A_288 {strides = array<i32>} : memref<64x768xf32, #tpu.memory_space<vmem>>, vector<16xf32>,
      %parallel_loop3A_292 = arith.index_cast %parallel_loop3A_32 : i32 to index
      %parallel_loop3A_293 = arith.constant 128 : index
      %parallel_loop3A_294 = tpu.vector_load %arg12[%parallel_loop3A_292, %parallel_loop3A_293] {strides = array<i32>} : memref<64x384xi32, #tpu.memory_space<vmem>>, vector<16xi32>,
      %parallel_loop3A_295 = arith.index_cast %parallel_loop3A_32 : i32 to index
      %parallel_loop3A_296 = arith.constant 128 : index
      %parallel_loop3A_297 = tpu.vector_load %arg13[%parallel_loop3A_295, %parallel_loop3A_296] {strides = array<i32>} : memref<64x384xi32, #tpu.memory_space<vmem>>, vector<16xi32>,
      %parallel_loop3A_298 = arith.constant 16 : i32
      %parallel_loop3A_299 = vector.broadcast %parallel_loop3A_298 : i32 to vector<16xi32>
      %parallel_loop3A_300 = arith.shli %parallel_loop3A_294, %parallel_loop3A_299 : vector<16xi32>
      %parallel_loop3A_301 = vector.bitcast %parallel_loop3A_300 : vector<16xi32> to vector<16xf32>
      %parallel_loop3A_302 = vector.broadcast %parallel_loop3A_31 : i32 to vector<16xi32>
      %parallel_loop3A_303 = arith.andi %parallel_loop3A_294, %parallel_loop3A_302 : vector<16xi32>
      %parallel_loop3A_304 = vector.bitcast %parallel_loop3A_303 : vector<16xi32> to vector<16xf32>
      %parallel_loop3A_305 = arith.constant 16 : i32
      %parallel_loop3A_306 = vector.broadcast %parallel_loop3A_305 : i32 to vector<16xi32>
      %parallel_loop3A_307 = arith.shli %parallel_loop3A_297, %parallel_loop3A_306 : vector<16xi32>
      %parallel_loop3A_308 = vector.bitcast %parallel_loop3A_307 : vector<16xi32> to vector<16xf32>
      %parallel_loop3A_309 = vector.broadcast %parallel_loop3A_31 : i32 to vector<16xi32>
      %parallel_loop3A_310 = arith.andi %parallel_loop3A_297, %parallel_loop3A_309 : vector<16xi32>
      %parallel_loop3A_311 = vector.bitcast %parallel_loop3A_310 : vector<16xi32> to vector<16xf32>
      %parallel_loop3A_312 = arith.mulf %parallel_loop3A_34, %parallel_loop3A_301 : vector<16xf32>
      %parallel_loop3A_313 = arith.mulf %parallel_loop3A_35, %parallel_loop3A_308 : vector<16xf32>
      %parallel_loop3A_314 = arith.addf %parallel_loop3A_312, %parallel_loop3A_313 : vector<16xf32>
      %parallel_loop3A_315 = arith.index_cast %parallel_loop3A_32 : i32 to index
      %parallel_loop3A_316 = arith.constant 128 : index
      %parallel_loop3A_317 = tpu.vector_load %arg14[%parallel_loop3A_315, %parallel_loop3A_316] {strides = array<i32>} : memref<64x768xf32, #tpu.memory_space<vmem>>, vector<16xf32>,
      tpu.vector_store %arg14[%parallel_loop3A_315, %parallel_loop3A_316], %parallel_loop3A_314 {strides = array<i32>} : memref<64x768xf32, #tpu.memory_space<vmem>>, vector<16xf32>,
      %parallel_loop3A_318 = arith.mulf %parallel_loop3A_34, %parallel_loop3A_304 : vector<16xf32>
      %parallel_loop3A_319 = arith.mulf %parallel_loop3A_35, %parallel_loop3A_311 : vector<16xf32>
      %parallel_loop3A_320 = arith.addf %parallel_loop3A_318, %parallel_loop3A_319 : vector<16xf32>
      %parallel_loop3A_321 = arith.index_cast %parallel_loop3A_32 : i32 to index
      %parallel_loop3A_322 = arith.constant 512 : index
      %parallel_loop3A_323 = tpu.vector_load %arg14[%parallel_loop3A_321, %parallel_loop3A_322] {strides = array<i32>} : memref<64x768xf32, #tpu.memory_space<vmem>>, vector<16xf32>,
      tpu.vector_store %arg14[%parallel_loop3A_321, %parallel_loop3A_322], %parallel_loop3A_320 {strides = array<i32>} : memref<64x768xf32, #tpu.memory_space<vmem>>, vector<16xf32>,
      %parallel_loop3A_324 = arith.index_cast %parallel_loop3A_32 : i32 to index
      %parallel_loop3A_325 = arith.constant 144 : index
      %parallel_loop3A_326 = tpu.vector_load %arg12[%parallel_loop3A_324, %parallel_loop3A_325] {strides = array<i32>} : memref<64x384xi32, #tpu.memory_space<vmem>>, vector<16xi32>,
      %parallel_loop3A_327 = arith.index_cast %parallel_loop3A_32 : i32 to index
      %parallel_loop3A_328 = arith.constant 144 : index
      %parallel_loop3A_329 = tpu.vector_load %arg13[%parallel_loop3A_327, %parallel_loop3A_328] {strides = array<i32>} : memref<64x384xi32, #tpu.memory_space<vmem>>, vector<16xi32>,
      %parallel_loop3A_330 = arith.constant 16 : i32
      %parallel_loop3A_331 = vector.broadcast %parallel_loop3A_330 : i32 to vector<16xi32>
      %parallel_loop3A_332 = arith.shli %parallel_loop3A_326, %parallel_loop3A_331 : vector<16xi32>
      %parallel_loop3A_333 = vector.bitcast %parallel_loop3A_332 : vector<16xi32> to vector<16xf32>
      %parallel_loop3A_334 = vector.broadcast %parallel_loop3A_31 : i32 to vector<16xi32>
      %parallel_loop3A_335 = arith.andi %parallel_loop3A_326, %parallel_loop3A_334 : vector<16xi32>
      %parallel_loop3A_336 = vector.bitcast %parallel_loop3A_335 : vector<16xi32> to vector<16xf32>
      %parallel_loop3A_337 = arith.constant 16 : i32
      %parallel_loop3A_338 = vector.broadcast %parallel_loop3A_337 : i32 to vector<16xi32>
      %parallel_loop3A_339 = arith.shli %parallel_loop3A_329, %parallel_loop3A_338 : vector<16xi32>
      %parallel_loop3A_340 = vector.bitcast %parallel_loop3A_339 : vector<16xi32> to vector<16xf32>
      %parallel_loop3A_341 = vector.broadcast %parallel_loop3A_31 : i32 to vector<16xi32>
      %parallel_loop3A_342 = arith.andi %parallel_loop3A_329, %parallel_loop3A_341 : vector<16xi32>
      %parallel_loop3A_343 = vector.bitcast %parallel_loop3A_342 : vector<16xi32> to vector<16xf32>
      %parallel_loop3A_344 = arith.mulf %parallel_loop3A_34, %parallel_loop3A_333 : vector<16xf32>
      %parallel_loop3A_345 = arith.mulf %parallel_loop3A_35, %parallel_loop3A_340 : vector<16xf32>
      %parallel_loop3A_346 = arith.addf %parallel_loop3A_344, %parallel_loop3A_345 : vector<16xf32>
      %parallel_loop3A_347 = arith.index_cast %parallel_loop3A_32 : i32 to index
      %parallel_loop3A_348 = arith.constant 144 : index
      %parallel_loop3A_349 = tpu.vector_load %arg14[%parallel_loop3A_347, %parallel_loop3A_348] {strides = array<i32>} : memref<64x768xf32, #tpu.memory_space<vmem>>, vector<16xf32>,
      tpu.vector_store %arg14[%parallel_loop3A_347, %parallel_loop3A_348], %parallel_loop3A_346 {strides = array<i32>} : memref<64x768xf32, #tpu.memory_space<vmem>>, vector<16xf32>,
      %parallel_loop3A_350 = arith.mulf %parallel_loop3A_34, %parallel_loop3A_336 : vector<16xf32>
      %parallel_loop3A_351 = arith.mulf %parallel_loop3A_35, %parallel_loop3A_343 : vector<16xf32>
      %parallel_loop3A_352 = arith.addf %parallel_loop3A_350, %parallel_loop3A_351 : vector<16xf32>
      %parallel_loop3A_353 = arith.index_cast %parallel_loop3A_32 : i32 to index
      %parallel_loop3A_354 = arith.constant 528 : index
      %parallel_loop3A_355 = tpu.vector_load %arg14[%parallel_loop3A_353, %parallel_loop3A_354] {strides = array<i32>} : memref<64x768xf32, #tpu.memory_space<vmem>>, vector<16xf32>,
      tpu.vector_store %arg14[%parallel_loop3A_353, %parallel_loop3A_354], %parallel_loop3A_352 {strides = array<i32>} : memref<64x768xf32, #tpu.memory_space<vmem>>, vector<16xf32>,
      %parallel_loop3A_356 = arith.index_cast %parallel_loop3A_32 : i32 to index
      %parallel_loop3A_357 = arith.constant 160 : index
      %parallel_loop3A_358 = tpu.vector_load %arg12[%parallel_loop3A_356, %parallel_loop3A_357] {strides = array<i32>} : memref<64x384xi32, #tpu.memory_space<vmem>>, vector<16xi32>,
      %parallel_loop3A_359 = arith.index_cast %parallel_loop3A_32 : i32 to index
      %parallel_loop3A_360 = arith.constant 160 : index
      %parallel_loop3A_361 = tpu.vector_load %arg13[%parallel_loop3A_359, %parallel_loop3A_360] {strides = array<i32>} : memref<64x384xi32, #tpu.memory_space<vmem>>, vector<16xi32>,
      %parallel_loop3A_362 = arith.constant 16 : i32
      %parallel_loop3A_363 = vector.broadcast %parallel_loop3A_362 : i32 to vector<16xi32>
      %parallel_loop3A_364 = arith.shli %parallel_loop3A_358, %parallel_loop3A_363 : vector<16xi32>
      %parallel_loop3A_365 = vector.bitcast %parallel_loop3A_364 : vector<16xi32> to vector<16xf32>
      %parallel_loop3A_366 = vector.broadcast %parallel_loop3A_31 : i32 to vector<16xi32>
      %parallel_loop3A_367 = arith.andi %parallel_loop3A_358, %parallel_loop3A_366 : vector<16xi32>
      %parallel_loop3A_368 = vector.bitcast %parallel_loop3A_367 : vector<16xi32> to vector<16xf32>
      %parallel_loop3A_369 = arith.constant 16 : i32
      %parallel_loop3A_370 = vector.broadcast %parallel_loop3A_369 : i32 to vector<16xi32>
      %parallel_loop3A_371 = arith.shli %parallel_loop3A_361, %parallel_loop3A_370 : vector<16xi32>
      %parallel_loop3A_372 = vector.bitcast %parallel_loop3A_371 : vector<16xi32> to vector<16xf32>
      %parallel_loop3A_373 = vector.broadcast %parallel_loop3A_31 : i32 to vector<16xi32>
      %parallel_loop3A_374 = arith.andi %parallel_loop3A_361, %parallel_loop3A_373 : vector<16xi32>
      %parallel_loop3A_375 = vector.bitcast %parallel_loop3A_374 : vector<16xi32> to vector<16xf32>
      %parallel_loop3A_376 = arith.mulf %parallel_loop3A_34, %parallel_loop3A_365 : vector<16xf32>
      %parallel_loop3A_377 = arith.mulf %parallel_loop3A_35, %parallel_loop3A_372 : vector<16xf32>
      %parallel_loop3A_378 = arith.addf %parallel_loop3A_376, %parallel_loop3A_377 : vector<16xf32>
      %parallel_loop3A_379 = arith.index_cast %parallel_loop3A_32 : i32 to index
      %parallel_loop3A_380 = arith.constant 160 : index
      %parallel_loop3A_381 = tpu.vector_load %arg14[%parallel_loop3A_379, %parallel_loop3A_380] {strides = array<i32>} : memref<64x768xf32, #tpu.memory_space<vmem>>, vector<16xf32>,
      tpu.vector_store %arg14[%parallel_loop3A_379, %parallel_loop3A_380], %parallel_loop3A_378 {strides = array<i32>} : memref<64x768xf32, #tpu.memory_space<vmem>>, vector<16xf32>,
      %parallel_loop3A_382 = arith.mulf %parallel_loop3A_34, %parallel_loop3A_368 : vector<16xf32>
      %parallel_loop3A_383 = arith.mulf %parallel_loop3A_35, %parallel_loop3A_375 : vector<16xf32>
      %parallel_loop3A_384 = arith.addf %parallel_loop3A_382, %parallel_loop3A_383 : vector<16xf32>
      %parallel_loop3A_385 = arith.index_cast %parallel_loop3A_32 : i32 to index
      %parallel_loop3A_386 = arith.constant 544 : index
      %parallel_loop3A_387 = tpu.vector_load %arg14[%parallel_loop3A_385, %parallel_loop3A_386] {strides = array<i32>} : memref<64x768xf32, #tpu.memory_space<vmem>>, vector<16xf32>,
      tpu.vector_store %arg14[%parallel_loop3A_385, %parallel_loop3A_386], %parallel_loop3A_384 {strides = array<i32>} : memref<64x768xf32, #tpu.memory_space<vmem>>, vector<16xf32>,
      %parallel_loop3A_388 = arith.index_cast %parallel_loop3A_32 : i32 to index
      %parallel_loop3A_389 = arith.constant 176 : index
      %parallel_loop3A_390 = tpu.vector_load %arg12[%parallel_loop3A_388, %parallel_loop3A_389] {strides = array<i32>} : memref<64x384xi32, #tpu.memory_space<vmem>>, vector<16xi32>,
      %parallel_loop3A_391 = arith.index_cast %parallel_loop3A_32 : i32 to index
      %parallel_loop3A_392 = arith.constant 176 : index
      %parallel_loop3A_393 = tpu.vector_load %arg13[%parallel_loop3A_391, %parallel_loop3A_392] {strides = array<i32>} : memref<64x384xi32, #tpu.memory_space<vmem>>, vector<16xi32>,
      %parallel_loop3A_394 = arith.constant 16 : i32
      %parallel_loop3A_395 = vector.broadcast %parallel_loop3A_394 : i32 to vector<16xi32>
      %parallel_loop3A_396 = arith.shli %parallel_loop3A_390, %parallel_loop3A_395 : vector<16xi32>
      %parallel_loop3A_397 = vector.bitcast %parallel_loop3A_396 : vector<16xi32> to vector<16xf32>
      %parallel_loop3A_398 = vector.broadcast %parallel_loop3A_31 : i32 to vector<16xi32>
      %parallel_loop3A_399 = arith.andi %parallel_loop3A_390, %parallel_loop3A_398 : vector<16xi32>
      %parallel_loop3A_400 = vector.bitcast %parallel_loop3A_399 : vector<16xi32> to vector<16xf32>
      %parallel_loop3A_401 = arith.constant 16 : i32
      %parallel_loop3A_402 = vector.broadcast %parallel_loop3A_401 : i32 to vector<16xi32>
      %parallel_loop3A_403 = arith.shli %parallel_loop3A_393, %parallel_loop3A_402 : vector<16xi32>
      %parallel_loop3A_404 = vector.bitcast %parallel_loop3A_403 : vector<16xi32> to vector<16xf32>
      %parallel_loop3A_405 = vector.broadcast %parallel_loop3A_31 : i32 to vector<16xi32>
      %parallel_loop3A_406 = arith.andi %parallel_loop3A_393, %parallel_loop3A_405 : vector<16xi32>
      %parallel_loop3A_407 = vector.bitcast %parallel_loop3A_406 : vector<16xi32> to vector<16xf32>
      %parallel_loop3A_408 = arith.mulf %parallel_loop3A_34, %parallel_loop3A_397 : vector<16xf32>
      %parallel_loop3A_409 = arith.mulf %parallel_loop3A_35, %parallel_loop3A_404 : vector<16xf32>
      %parallel_loop3A_410 = arith.addf %parallel_loop3A_408, %parallel_loop3A_409 : vector<16xf32>
      %parallel_loop3A_411 = arith.index_cast %parallel_loop3A_32 : i32 to index
      %parallel_loop3A_412 = arith.constant 176 : index
      %parallel_loop3A_413 = tpu.vector_load %arg14[%parallel_loop3A_411, %parallel_loop3A_412] {strides = array<i32>} : memref<64x768xf32, #tpu.memory_space<vmem>>, vector<16xf32>,
      tpu.vector_store %arg14[%parallel_loop3A_411, %parallel_loop3A_412], %parallel_loop3A_410 {strides = array<i32>} : memref<64x768xf32, #tpu.memory_space<vmem>>, vector<16xf32>,
      %parallel_loop3A_414 = arith.mulf %parallel_loop3A_34, %parallel_loop3A_400 : vector<16xf32>
      %parallel_loop3A_415 = arith.mulf %parallel_loop3A_35, %parallel_loop3A_407 : vector<16xf32>
      %parallel_loop3A_416 = arith.addf %parallel_loop3A_414, %parallel_loop3A_415 : vector<16xf32>
      %parallel_loop3A_417 = arith.index_cast %parallel_loop3A_32 : i32 to index
      %parallel_loop3A_418 = arith.constant 560 : index
      %parallel_loop3A_419 = tpu.vector_load %arg14[%parallel_loop3A_417, %parallel_loop3A_418] {strides = array<i32>} : memref<64x768xf32, #tpu.memory_space<vmem>>, vector<16xf32>,
      tpu.vector_store %arg14[%parallel_loop3A_417, %parallel_loop3A_418], %parallel_loop3A_416 {strides = array<i32>} : memref<64x768xf32, #tpu.memory_space<vmem>>, vector<16xf32>,
      %parallel_loop3A_420 = arith.index_cast %parallel_loop3A_32 : i32 to index
      %parallel_loop3A_421 = arith.constant 192 : index
      %parallel_loop3A_422 = tpu.vector_load %arg12[%parallel_loop3A_420, %parallel_loop3A_421] {strides = array<i32>} : memref<64x384xi32, #tpu.memory_space<vmem>>, vector<16xi32>,
      %parallel_loop3A_423 = arith.index_cast %parallel_loop3A_32 : i32 to index
      %parallel_loop3A_424 = arith.constant 192 : index
      %parallel_loop3A_425 = tpu.vector_load %arg13[%parallel_loop3A_423, %parallel_loop3A_424] {strides = array<i32>} : memref<64x384xi32, #tpu.memory_space<vmem>>, vector<16xi32>,
      %parallel_loop3A_426 = arith.constant 16 : i32
      %parallel_loop3A_427 = vector.broadcast %parallel_loop3A_426 : i32 to vector<16xi32>
      %parallel_loop3A_428 = arith.shli %parallel_loop3A_422, %parallel_loop3A_427 : vector<16xi32>
      %parallel_loop3A_429 = vector.bitcast %parallel_loop3A_428 : vector<16xi32> to vector<16xf32>
      %parallel_loop3A_430 = vector.broadcast %parallel_loop3A_31 : i32 to vector<16xi32>
      %parallel_loop3A_431 = arith.andi %parallel_loop3A_422, %parallel_loop3A_430 : vector<16xi32>
      %parallel_loop3A_432 = vector.bitcast %parallel_loop3A_431 : vector<16xi32> to vector<16xf32>
      %parallel_loop3A_433 = arith.constant 16 : i32
      %parallel_loop3A_434 = vector.broadcast %parallel_loop3A_433 : i32 to vector<16xi32>
      %parallel_loop3A_435 = arith.shli %parallel_loop3A_425, %parallel_loop3A_434 : vector<16xi32>
      %parallel_loop3A_436 = vector.bitcast %parallel_loop3A_435 : vector<16xi32> to vector<16xf32>
      %parallel_loop3A_437 = vector.broadcast %parallel_loop3A_31 : i32 to vector<16xi32>
      %parallel_loop3A_438 = arith.andi %parallel_loop3A_425, %parallel_loop3A_437 : vector<16xi32>
      %parallel_loop3A_439 = vector.bitcast %parallel_loop3A_438 : vector<16xi32> to vector<16xf32>
      %parallel_loop3A_440 = arith.mulf %parallel_loop3A_34, %parallel_loop3A_429 : vector<16xf32>
      %parallel_loop3A_441 = arith.mulf %parallel_loop3A_35, %parallel_loop3A_436 : vector<16xf32>
      %parallel_loop3A_442 = arith.addf %parallel_loop3A_440, %parallel_loop3A_441 : vector<16xf32>
      %parallel_loop3A_443 = arith.index_cast %parallel_loop3A_32 : i32 to index
      %parallel_loop3A_444 = arith.constant 192 : index
      %parallel_loop3A_445 = tpu.vector_load %arg14[%parallel_loop3A_443, %parallel_loop3A_444] {strides = array<i32>} : memref<64x768xf32, #tpu.memory_space<vmem>>, vector<16xf32>,
      tpu.vector_store %arg14[%parallel_loop3A_443, %parallel_loop3A_444], %parallel_loop3A_442 {strides = array<i32>} : memref<64x768xf32, #tpu.memory_space<vmem>>, vector<16xf32>,
      %parallel_loop3A_446 = arith.mulf %parallel_loop3A_34, %parallel_loop3A_432 : vector<16xf32>
      %parallel_loop3A_447 = arith.mulf %parallel_loop3A_35, %parallel_loop3A_439 : vector<16xf32>
      %parallel_loop3A_448 = arith.addf %parallel_loop3A_446, %parallel_loop3A_447 : vector<16xf32>
      %parallel_loop3A_449 = arith.index_cast %parallel_loop3A_32 : i32 to index
      %parallel_loop3A_450 = arith.constant 576 : index
      %parallel_loop3A_451 = tpu.vector_load %arg14[%parallel_loop3A_449, %parallel_loop3A_450] {strides = array<i32>} : memref<64x768xf32, #tpu.memory_space<vmem>>, vector<16xf32>,
      tpu.vector_store %arg14[%parallel_loop3A_449, %parallel_loop3A_450], %parallel_loop3A_448 {strides = array<i32>} : memref<64x768xf32, #tpu.memory_space<vmem>>, vector<16xf32>,
      %parallel_loop3A_452 = arith.index_cast %parallel_loop3A_32 : i32 to index
      %parallel_loop3A_453 = arith.constant 208 : index
      %parallel_loop3A_454 = tpu.vector_load %arg12[%parallel_loop3A_452, %parallel_loop3A_453] {strides = array<i32>} : memref<64x384xi32, #tpu.memory_space<vmem>>, vector<16xi32>,
      %parallel_loop3A_455 = arith.index_cast %parallel_loop3A_32 : i32 to index
      %parallel_loop3A_456 = arith.constant 208 : index
      %parallel_loop3A_457 = tpu.vector_load %arg13[%parallel_loop3A_455, %parallel_loop3A_456] {strides = array<i32>} : memref<64x384xi32, #tpu.memory_space<vmem>>, vector<16xi32>,
      %parallel_loop3A_458 = arith.constant 16 : i32
      %parallel_loop3A_459 = vector.broadcast %parallel_loop3A_458 : i32 to vector<16xi32>
      %parallel_loop3A_460 = arith.shli %parallel_loop3A_454, %parallel_loop3A_459 : vector<16xi32>
      %parallel_loop3A_461 = vector.bitcast %parallel_loop3A_460 : vector<16xi32> to vector<16xf32>
      %parallel_loop3A_462 = vector.broadcast %parallel_loop3A_31 : i32 to vector<16xi32>
      %parallel_loop3A_463 = arith.andi %parallel_loop3A_454, %parallel_loop3A_462 : vector<16xi32>
      %parallel_loop3A_464 = vector.bitcast %parallel_loop3A_463 : vector<16xi32> to vector<16xf32>
      %parallel_loop3A_465 = arith.constant 16 : i32
      %parallel_loop3A_466 = vector.broadcast %parallel_loop3A_465 : i32 to vector<16xi32>
      %parallel_loop3A_467 = arith.shli %parallel_loop3A_457, %parallel_loop3A_466 : vector<16xi32>
      %parallel_loop3A_468 = vector.bitcast %parallel_loop3A_467 : vector<16xi32> to vector<16xf32>
      %parallel_loop3A_469 = vector.broadcast %parallel_loop3A_31 : i32 to vector<16xi32>
      %parallel_loop3A_470 = arith.andi %parallel_loop3A_457, %parallel_loop3A_469 : vector<16xi32>
      %parallel_loop3A_471 = vector.bitcast %parallel_loop3A_470 : vector<16xi32> to vector<16xf32>
      %parallel_loop3A_472 = arith.mulf %parallel_loop3A_34, %parallel_loop3A_461 : vector<16xf32>
      %parallel_loop3A_473 = arith.mulf %parallel_loop3A_35, %parallel_loop3A_468 : vector<16xf32>
      %parallel_loop3A_474 = arith.addf %parallel_loop3A_472, %parallel_loop3A_473 : vector<16xf32>
      %parallel_loop3A_475 = arith.index_cast %parallel_loop3A_32 : i32 to index
      %parallel_loop3A_476 = arith.constant 208 : index
      %parallel_loop3A_477 = tpu.vector_load %arg14[%parallel_loop3A_475, %parallel_loop3A_476] {strides = array<i32>} : memref<64x768xf32, #tpu.memory_space<vmem>>, vector<16xf32>,
      tpu.vector_store %arg14[%parallel_loop3A_475, %parallel_loop3A_476], %parallel_loop3A_474 {strides = array<i32>} : memref<64x768xf32, #tpu.memory_space<vmem>>, vector<16xf32>,
      %parallel_loop3A_478 = arith.mulf %parallel_loop3A_34, %parallel_loop3A_464 : vector<16xf32>
      %parallel_loop3A_479 = arith.mulf %parallel_loop3A_35, %parallel_loop3A_471 : vector<16xf32>
      %parallel_loop3A_480 = arith.addf %parallel_loop3A_478, %parallel_loop3A_479 : vector<16xf32>
      %parallel_loop3A_481 = arith.index_cast %parallel_loop3A_32 : i32 to index
      %parallel_loop3A_482 = arith.constant 592 : index
      %parallel_loop3A_483 = tpu.vector_load %arg14[%parallel_loop3A_481, %parallel_loop3A_482] {strides = array<i32>} : memref<64x768xf32, #tpu.memory_space<vmem>>, vector<16xf32>,
      tpu.vector_store %arg14[%parallel_loop3A_481, %parallel_loop3A_482], %parallel_loop3A_480 {strides = array<i32>} : memref<64x768xf32, #tpu.memory_space<vmem>>, vector<16xf32>,
      %parallel_loop3A_484 = arith.index_cast %parallel_loop3A_32 : i32 to index
      %parallel_loop3A_485 = arith.constant 224 : index
      %parallel_loop3A_486 = tpu.vector_load %arg12[%parallel_loop3A_484, %parallel_loop3A_485] {strides = array<i32>} : memref<64x384xi32, #tpu.memory_space<vmem>>, vector<16xi32>,
      %parallel_loop3A_487 = arith.index_cast %parallel_loop3A_32 : i32 to index
      %parallel_loop3A_488 = arith.constant 224 : index
      %parallel_loop3A_489 = tpu.vector_load %arg13[%parallel_loop3A_487, %parallel_loop3A_488] {strides = array<i32>} : memref<64x384xi32, #tpu.memory_space<vmem>>, vector<16xi32>,
      %parallel_loop3A_490 = arith.constant 16 : i32
      %parallel_loop3A_491 = vector.broadcast %parallel_loop3A_490 : i32 to vector<16xi32>
      %parallel_loop3A_492 = arith.shli %parallel_loop3A_486, %parallel_loop3A_491 : vector<16xi32>
      %parallel_loop3A_493 = vector.bitcast %parallel_loop3A_492 : vector<16xi32> to vector<16xf32>
      %parallel_loop3A_494 = vector.broadcast %parallel_loop3A_31 : i32 to vector<16xi32>
      %parallel_loop3A_495 = arith.andi %parallel_loop3A_486, %parallel_loop3A_494 : vector<16xi32>
      %parallel_loop3A_496 = vector.bitcast %parallel_loop3A_495 : vector<16xi32> to vector<16xf32>
      %parallel_loop3A_497 = arith.constant 16 : i32
      %parallel_loop3A_498 = vector.broadcast %parallel_loop3A_497 : i32 to vector<16xi32>
      %parallel_loop3A_499 = arith.shli %parallel_loop3A_489, %parallel_loop3A_498 : vector<16xi32>
      %parallel_loop3A_500 = vector.bitcast %parallel_loop3A_499 : vector<16xi32> to vector<16xf32>
      %parallel_loop3A_501 = vector.broadcast %parallel_loop3A_31 : i32 to vector<16xi32>
      %parallel_loop3A_502 = arith.andi %parallel_loop3A_489, %parallel_loop3A_501 : vector<16xi32>
      %parallel_loop3A_503 = vector.bitcast %parallel_loop3A_502 : vector<16xi32> to vector<16xf32>
      %parallel_loop3A_504 = arith.mulf %parallel_loop3A_34, %parallel_loop3A_493 : vector<16xf32>
      %parallel_loop3A_505 = arith.mulf %parallel_loop3A_35, %parallel_loop3A_500 : vector<16xf32>
      %parallel_loop3A_506 = arith.addf %parallel_loop3A_504, %parallel_loop3A_505 : vector<16xf32>
      %parallel_loop3A_507 = arith.index_cast %parallel_loop3A_32 : i32 to index
      %parallel_loop3A_508 = arith.constant 224 : index
      %parallel_loop3A_509 = tpu.vector_load %arg14[%parallel_loop3A_507, %parallel_loop3A_508] {strides = array<i32>} : memref<64x768xf32, #tpu.memory_space<vmem>>, vector<16xf32>,
      tpu.vector_store %arg14[%parallel_loop3A_507, %parallel_loop3A_508], %parallel_loop3A_506 {strides = array<i32>} : memref<64x768xf32, #tpu.memory_space<vmem>>, vector<16xf32>,
      %parallel_loop3A_510 = arith.mulf %parallel_loop3A_34, %parallel_loop3A_496 : vector<16xf32>
      %parallel_loop3A_511 = arith.mulf %parallel_loop3A_35, %parallel_loop3A_503 : vector<16xf32>
      %parallel_loop3A_512 = arith.addf %parallel_loop3A_510, %parallel_loop3A_511 : vector<16xf32>
      %parallel_loop3A_513 = arith.index_cast %parallel_loop3A_32 : i32 to index
      %parallel_loop3A_514 = arith.constant 608 : index
      %parallel_loop3A_515 = tpu.vector_load %arg14[%parallel_loop3A_513, %parallel_loop3A_514] {strides = array<i32>} : memref<64x768xf32, #tpu.memory_space<vmem>>, vector<16xf32>,
      tpu.vector_store %arg14[%parallel_loop3A_513, %parallel_loop3A_514], %parallel_loop3A_512 {strides = array<i32>} : memref<64x768xf32, #tpu.memory_space<vmem>>, vector<16xf32>,
      %parallel_loop3A_516 = arith.index_cast %parallel_loop3A_32 : i32 to index
      %parallel_loop3A_517 = arith.constant 240 : index
      %parallel_loop3A_518 = tpu.vector_load %arg12[%parallel_loop3A_516, %parallel_loop3A_517] {strides = array<i32>} : memref<64x384xi32, #tpu.memory_space<vmem>>, vector<16xi32>,
      %parallel_loop3A_519 = arith.index_cast %parallel_loop3A_32 : i32 to index
      %parallel_loop3A_520 = arith.constant 240 : index
      %parallel_loop3A_521 = tpu.vector_load %arg13[%parallel_loop3A_519, %parallel_loop3A_520] {strides = array<i32>} : memref<64x384xi32, #tpu.memory_space<vmem>>, vector<16xi32>,
      %parallel_loop3A_522 = arith.constant 16 : i32
      %parallel_loop3A_523 = vector.broadcast %parallel_loop3A_522 : i32 to vector<16xi32>
      %parallel_loop3A_524 = arith.shli %parallel_loop3A_518, %parallel_loop3A_523 : vector<16xi32>
      %parallel_loop3A_525 = vector.bitcast %parallel_loop3A_524 : vector<16xi32> to vector<16xf32>
      %parallel_loop3A_526 = vector.broadcast %parallel_loop3A_31 : i32 to vector<16xi32>
      %parallel_loop3A_527 = arith.andi %parallel_loop3A_518, %parallel_loop3A_526 : vector<16xi32>
      %parallel_loop3A_528 = vector.bitcast %parallel_loop3A_527 : vector<16xi32> to vector<16xf32>
      %parallel_loop3A_529 = arith.constant 16 : i32
      %parallel_loop3A_530 = vector.broadcast %parallel_loop3A_529 : i32 to vector<16xi32>
      %parallel_loop3A_531 = arith.shli %parallel_loop3A_521, %parallel_loop3A_530 : vector<16xi32>
      %parallel_loop3A_532 = vector.bitcast %parallel_loop3A_531 : vector<16xi32> to vector<16xf32>
      %parallel_loop3A_533 = vector.broadcast %parallel_loop3A_31 : i32 to vector<16xi32>
      %parallel_loop3A_534 = arith.andi %parallel_loop3A_521, %parallel_loop3A_533 : vector<16xi32>
      %parallel_loop3A_535 = vector.bitcast %parallel_loop3A_534 : vector<16xi32> to vector<16xf32>
      %parallel_loop3A_536 = arith.mulf %parallel_loop3A_34, %parallel_loop3A_525 : vector<16xf32>
      %parallel_loop3A_537 = arith.mulf %parallel_loop3A_35, %parallel_loop3A_532 : vector<16xf32>
      %parallel_loop3A_538 = arith.addf %parallel_loop3A_536, %parallel_loop3A_537 : vector<16xf32>
      %parallel_loop3A_539 = arith.index_cast %parallel_loop3A_32 : i32 to index
      %parallel_loop3A_540 = arith.constant 240 : index
      %parallel_loop3A_541 = tpu.vector_load %arg14[%parallel_loop3A_539, %parallel_loop3A_540] {strides = array<i32>} : memref<64x768xf32, #tpu.memory_space<vmem>>, vector<16xf32>,
      tpu.vector_store %arg14[%parallel_loop3A_539, %parallel_loop3A_540], %parallel_loop3A_538 {strides = array<i32>} : memref<64x768xf32, #tpu.memory_space<vmem>>, vector<16xf32>,
      %parallel_loop3A_542 = arith.mulf %parallel_loop3A_34, %parallel_loop3A_528 : vector<16xf32>
      %parallel_loop3A_543 = arith.mulf %parallel_loop3A_35, %parallel_loop3A_535 : vector<16xf32>
      %parallel_loop3A_544 = arith.addf %parallel_loop3A_542, %parallel_loop3A_543 : vector<16xf32>
      %parallel_loop3A_545 = arith.index_cast %parallel_loop3A_32 : i32 to index
      %parallel_loop3A_546 = arith.constant 624 : index
      %parallel_loop3A_547 = tpu.vector_load %arg14[%parallel_loop3A_545, %parallel_loop3A_546] {strides = array<i32>} : memref<64x768xf32, #tpu.memory_space<vmem>>, vector<16xf32>,
      tpu.vector_store %arg14[%parallel_loop3A_545, %parallel_loop3A_546], %parallel_loop3A_544 {strides = array<i32>} : memref<64x768xf32, #tpu.memory_space<vmem>>, vector<16xf32>,
      %parallel_loop3A_548 = arith.index_cast %parallel_loop3A_32 : i32 to index
      %parallel_loop3A_549 = arith.constant 256 : index
      %parallel_loop3A_550 = tpu.vector_load %arg12[%parallel_loop3A_548, %parallel_loop3A_549] {strides = array<i32>} : memref<64x384xi32, #tpu.memory_space<vmem>>, vector<16xi32>,
      %parallel_loop3A_551 = arith.index_cast %parallel_loop3A_32 : i32 to index
      %parallel_loop3A_552 = arith.constant 256 : index
      %parallel_loop3A_553 = tpu.vector_load %arg13[%parallel_loop3A_551, %parallel_loop3A_552] {strides = array<i32>} : memref<64x384xi32, #tpu.memory_space<vmem>>, vector<16xi32>,
      %parallel_loop3A_554 = arith.constant 16 : i32
      %parallel_loop3A_555 = vector.broadcast %parallel_loop3A_554 : i32 to vector<16xi32>
      %parallel_loop3A_556 = arith.shli %parallel_loop3A_550, %parallel_loop3A_555 : vector<16xi32>
      %parallel_loop3A_557 = vector.bitcast %parallel_loop3A_556 : vector<16xi32> to vector<16xf32>
      %parallel_loop3A_558 = vector.broadcast %parallel_loop3A_31 : i32 to vector<16xi32>
      %parallel_loop3A_559 = arith.andi %parallel_loop3A_550, %parallel_loop3A_558 : vector<16xi32>
      %parallel_loop3A_560 = vector.bitcast %parallel_loop3A_559 : vector<16xi32> to vector<16xf32>
      %parallel_loop3A_561 = arith.constant 16 : i32
      %parallel_loop3A_562 = vector.broadcast %parallel_loop3A_561 : i32 to vector<16xi32>
      %parallel_loop3A_563 = arith.shli %parallel_loop3A_553, %parallel_loop3A_562 : vector<16xi32>
      %parallel_loop3A_564 = vector.bitcast %parallel_loop3A_563 : vector<16xi32> to vector<16xf32>
      %parallel_loop3A_565 = vector.broadcast %parallel_loop3A_31 : i32 to vector<16xi32>
      %parallel_loop3A_566 = arith.andi %parallel_loop3A_553, %parallel_loop3A_565 : vector<16xi32>
      %parallel_loop3A_567 = vector.bitcast %parallel_loop3A_566 : vector<16xi32> to vector<16xf32>
      %parallel_loop3A_568 = arith.mulf %parallel_loop3A_34, %parallel_loop3A_557 : vector<16xf32>
      %parallel_loop3A_569 = arith.mulf %parallel_loop3A_35, %parallel_loop3A_564 : vector<16xf32>
      %parallel_loop3A_570 = arith.addf %parallel_loop3A_568, %parallel_loop3A_569 : vector<16xf32>
      %parallel_loop3A_571 = arith.index_cast %parallel_loop3A_32 : i32 to index
      %parallel_loop3A_572 = arith.constant 256 : index
      %parallel_loop3A_573 = tpu.vector_load %arg14[%parallel_loop3A_571, %parallel_loop3A_572] {strides = array<i32>} : memref<64x768xf32, #tpu.memory_space<vmem>>, vector<16xf32>,
      tpu.vector_store %arg14[%parallel_loop3A_571, %parallel_loop3A_572], %parallel_loop3A_570 {strides = array<i32>} : memref<64x768xf32, #tpu.memory_space<vmem>>, vector<16xf32>,
      %parallel_loop3A_574 = arith.mulf %parallel_loop3A_34, %parallel_loop3A_560 : vector<16xf32>
      %parallel_loop3A_575 = arith.mulf %parallel_loop3A_35, %parallel_loop3A_567 : vector<16xf32>
      %parallel_loop3A_576 = arith.addf %parallel_loop3A_574, %parallel_loop3A_575 : vector<16xf32>
      %parallel_loop3A_577 = arith.index_cast %parallel_loop3A_32 : i32 to index
      %parallel_loop3A_578 = arith.constant 640 : index
      %parallel_loop3A_579 = tpu.vector_load %arg14[%parallel_loop3A_577, %parallel_loop3A_578] {strides = array<i32>} : memref<64x768xf32, #tpu.memory_space<vmem>>, vector<16xf32>,
      tpu.vector_store %arg14[%parallel_loop3A_577, %parallel_loop3A_578], %parallel_loop3A_576 {strides = array<i32>} : memref<64x768xf32, #tpu.memory_space<vmem>>, vector<16xf32>,
      %parallel_loop3A_580 = arith.index_cast %parallel_loop3A_32 : i32 to index
      %parallel_loop3A_581 = arith.constant 272 : index
      %parallel_loop3A_582 = tpu.vector_load %arg12[%parallel_loop3A_580, %parallel_loop3A_581] {strides = array<i32>} : memref<64x384xi32, #tpu.memory_space<vmem>>, vector<16xi32>,
      %parallel_loop3A_583 = arith.index_cast %parallel_loop3A_32 : i32 to index
      %parallel_loop3A_584 = arith.constant 272 : index
      %parallel_loop3A_585 = tpu.vector_load %arg13[%parallel_loop3A_583, %parallel_loop3A_584] {strides = array<i32>} : memref<64x384xi32, #tpu.memory_space<vmem>>, vector<16xi32>,
      %parallel_loop3A_586 = arith.constant 16 : i32
      %parallel_loop3A_587 = vector.broadcast %parallel_loop3A_586 : i32 to vector<16xi32>
      %parallel_loop3A_588 = arith.shli %parallel_loop3A_582, %parallel_loop3A_587 : vector<16xi32>
      %parallel_loop3A_589 = vector.bitcast %parallel_loop3A_588 : vector<16xi32> to vector<16xf32>
      %parallel_loop3A_590 = vector.broadcast %parallel_loop3A_31 : i32 to vector<16xi32>
      %parallel_loop3A_591 = arith.andi %parallel_loop3A_582, %parallel_loop3A_590 : vector<16xi32>
      %parallel_loop3A_592 = vector.bitcast %parallel_loop3A_591 : vector<16xi32> to vector<16xf32>
      %parallel_loop3A_593 = arith.constant 16 : i32
      %parallel_loop3A_594 = vector.broadcast %parallel_loop3A_593 : i32 to vector<16xi32>
      %parallel_loop3A_595 = arith.shli %parallel_loop3A_585, %parallel_loop3A_594 : vector<16xi32>
      %parallel_loop3A_596 = vector.bitcast %parallel_loop3A_595 : vector<16xi32> to vector<16xf32>
      %parallel_loop3A_597 = vector.broadcast %parallel_loop3A_31 : i32 to vector<16xi32>
      %parallel_loop3A_598 = arith.andi %parallel_loop3A_585, %parallel_loop3A_597 : vector<16xi32>
      %parallel_loop3A_599 = vector.bitcast %parallel_loop3A_598 : vector<16xi32> to vector<16xf32>
      %parallel_loop3A_600 = arith.mulf %parallel_loop3A_34, %parallel_loop3A_589 : vector<16xf32>
      %parallel_loop3A_601 = arith.mulf %parallel_loop3A_35, %parallel_loop3A_596 : vector<16xf32>
      %parallel_loop3A_602 = arith.addf %parallel_loop3A_600, %parallel_loop3A_601 : vector<16xf32>
      %parallel_loop3A_603 = arith.index_cast %parallel_loop3A_32 : i32 to index
      %parallel_loop3A_604 = arith.constant 272 : index
      %parallel_loop3A_605 = tpu.vector_load %arg14[%parallel_loop3A_603, %parallel_loop3A_604] {strides = array<i32>} : memref<64x768xf32, #tpu.memory_space<vmem>>, vector<16xf32>,
      tpu.vector_store %arg14[%parallel_loop3A_603, %parallel_loop3A_604], %parallel_loop3A_602 {strides = array<i32>} : memref<64x768xf32, #tpu.memory_space<vmem>>, vector<16xf32>,
      %parallel_loop3A_606 = arith.mulf %parallel_loop3A_34, %parallel_loop3A_592 : vector<16xf32>
      %parallel_loop3A_607 = arith.mulf %parallel_loop3A_35, %parallel_loop3A_599 : vector<16xf32>
      %parallel_loop3A_608 = arith.addf %parallel_loop3A_606, %parallel_loop3A_607 : vector<16xf32>
      %parallel_loop3A_609 = arith.index_cast %parallel_loop3A_32 : i32 to index
      %parallel_loop3A_610 = arith.constant 656 : index
      %parallel_loop3A_611 = tpu.vector_load %arg14[%parallel_loop3A_609, %parallel_loop3A_610] {strides = array<i32>} : memref<64x768xf32, #tpu.memory_space<vmem>>, vector<16xf32>,
      tpu.vector_store %arg14[%parallel_loop3A_609, %parallel_loop3A_610], %parallel_loop3A_608 {strides = array<i32>} : memref<64x768xf32, #tpu.memory_space<vmem>>, vector<16xf32>,
      %parallel_loop3A_612 = arith.index_cast %parallel_loop3A_32 : i32 to index
      %parallel_loop3A_613 = arith.constant 288 : index
      %parallel_loop3A_614 = tpu.vector_load %arg12[%parallel_loop3A_612, %parallel_loop3A_613] {strides = array<i32>} : memref<64x384xi32, #tpu.memory_space<vmem>>, vector<16xi32>,
      %parallel_loop3A_615 = arith.index_cast %parallel_loop3A_32 : i32 to index
      %parallel_loop3A_616 = arith.constant 288 : index
      %parallel_loop3A_617 = tpu.vector_load %arg13[%parallel_loop3A_615, %parallel_loop3A_616] {strides = array<i32>} : memref<64x384xi32, #tpu.memory_space<vmem>>, vector<16xi32>,
      %parallel_loop3A_618 = arith.constant 16 : i32
      %parallel_loop3A_619 = vector.broadcast %parallel_loop3A_618 : i32 to vector<16xi32>
      %parallel_loop3A_620 = arith.shli %parallel_loop3A_614, %parallel_loop3A_619 : vector<16xi32>
      %parallel_loop3A_621 = vector.bitcast %parallel_loop3A_620 : vector<16xi32> to vector<16xf32>
      %parallel_loop3A_622 = vector.broadcast %parallel_loop3A_31 : i32 to vector<16xi32>
      %parallel_loop3A_623 = arith.andi %parallel_loop3A_614, %parallel_loop3A_622 : vector<16xi32>
      %parallel_loop3A_624 = vector.bitcast %parallel_loop3A_623 : vector<16xi32> to vector<16xf32>
      %parallel_loop3A_625 = arith.constant 16 : i32
      %parallel_loop3A_626 = vector.broadcast %parallel_loop3A_625 : i32 to vector<16xi32>
      %parallel_loop3A_627 = arith.shli %parallel_loop3A_617, %parallel_loop3A_626 : vector<16xi32>
      %parallel_loop3A_628 = vector.bitcast %parallel_loop3A_627 : vector<16xi32> to vector<16xf32>
      %parallel_loop3A_629 = vector.broadcast %parallel_loop3A_31 : i32 to vector<16xi32>
      %parallel_loop3A_630 = arith.andi %parallel_loop3A_617, %parallel_loop3A_629 : vector<16xi32>
      %parallel_loop3A_631 = vector.bitcast %parallel_loop3A_630 : vector<16xi32> to vector<16xf32>
      %parallel_loop3A_632 = arith.mulf %parallel_loop3A_34, %parallel_loop3A_621 : vector<16xf32>
      %parallel_loop3A_633 = arith.mulf %parallel_loop3A_35, %parallel_loop3A_628 : vector<16xf32>
      %parallel_loop3A_634 = arith.addf %parallel_loop3A_632, %parallel_loop3A_633 : vector<16xf32>
      %parallel_loop3A_635 = arith.index_cast %parallel_loop3A_32 : i32 to index
      %parallel_loop3A_636 = arith.constant 288 : index
      %parallel_loop3A_637 = tpu.vector_load %arg14[%parallel_loop3A_635, %parallel_loop3A_636] {strides = array<i32>} : memref<64x768xf32, #tpu.memory_space<vmem>>, vector<16xf32>,
      tpu.vector_store %arg14[%parallel_loop3A_635, %parallel_loop3A_636], %parallel_loop3A_634 {strides = array<i32>} : memref<64x768xf32, #tpu.memory_space<vmem>>, vector<16xf32>,
      %parallel_loop3A_638 = arith.mulf %parallel_loop3A_34, %parallel_loop3A_624 : vector<16xf32>
      %parallel_loop3A_639 = arith.mulf %parallel_loop3A_35, %parallel_loop3A_631 : vector<16xf32>
      %parallel_loop3A_640 = arith.addf %parallel_loop3A_638, %parallel_loop3A_639 : vector<16xf32>
      %parallel_loop3A_641 = arith.index_cast %parallel_loop3A_32 : i32 to index
      %parallel_loop3A_642 = arith.constant 672 : index
      %parallel_loop3A_643 = tpu.vector_load %arg14[%parallel_loop3A_641, %parallel_loop3A_642] {strides = array<i32>} : memref<64x768xf32, #tpu.memory_space<vmem>>, vector<16xf32>,
      tpu.vector_store %arg14[%parallel_loop3A_641, %parallel_loop3A_642], %parallel_loop3A_640 {strides = array<i32>} : memref<64x768xf32, #tpu.memory_space<vmem>>, vector<16xf32>,
      %parallel_loop3A_644 = arith.index_cast %parallel_loop3A_32 : i32 to index
      %parallel_loop3A_645 = arith.constant 304 : index
      %parallel_loop3A_646 = tpu.vector_load %arg12[%parallel_loop3A_644, %parallel_loop3A_645] {strides = array<i32>} : memref<64x384xi32, #tpu.memory_space<vmem>>, vector<16xi32>,
      %parallel_loop3A_647 = arith.index_cast %parallel_loop3A_32 : i32 to index
      %parallel_loop3A_648 = arith.constant 304 : index
      %parallel_loop3A_649 = tpu.vector_load %arg13[%parallel_loop3A_647, %parallel_loop3A_648] {strides = array<i32>} : memref<64x384xi32, #tpu.memory_space<vmem>>, vector<16xi32>,
      %parallel_loop3A_650 = arith.constant 16 : i32
      %parallel_loop3A_651 = vector.broadcast %parallel_loop3A_650 : i32 to vector<16xi32>
      %parallel_loop3A_652 = arith.shli %parallel_loop3A_646, %parallel_loop3A_651 : vector<16xi32>
      %parallel_loop3A_653 = vector.bitcast %parallel_loop3A_652 : vector<16xi32> to vector<16xf32>
      %parallel_loop3A_654 = vector.broadcast %parallel_loop3A_31 : i32 to vector<16xi32>
      %parallel_loop3A_655 = arith.andi %parallel_loop3A_646, %parallel_loop3A_654 : vector<16xi32>
      %parallel_loop3A_656 = vector.bitcast %parallel_loop3A_655 : vector<16xi32> to vector<16xf32>
      %parallel_loop3A_657 = arith.constant 16 : i32
      %parallel_loop3A_658 = vector.broadcast %parallel_loop3A_657 : i32 to vector<16xi32>
      %parallel_loop3A_659 = arith.shli %parallel_loop3A_649, %parallel_loop3A_658 : vector<16xi32>
      %parallel_loop3A_660 = vector.bitcast %parallel_loop3A_659 : vector<16xi32> to vector<16xf32>
      %parallel_loop3A_661 = vector.broadcast %parallel_loop3A_31 : i32 to vector<16xi32>
      %parallel_loop3A_662 = arith.andi %parallel_loop3A_649, %parallel_loop3A_661 : vector<16xi32>
      %parallel_loop3A_663 = vector.bitcast %parallel_loop3A_662 : vector<16xi32> to vector<16xf32>
      %parallel_loop3A_664 = arith.mulf %parallel_loop3A_34, %parallel_loop3A_653 : vector<16xf32>
      %parallel_loop3A_665 = arith.mulf %parallel_loop3A_35, %parallel_loop3A_660 : vector<16xf32>
      %parallel_loop3A_666 = arith.addf %parallel_loop3A_664, %parallel_loop3A_665 : vector<16xf32>
      %parallel_loop3A_667 = arith.index_cast %parallel_loop3A_32 : i32 to index
      %parallel_loop3A_668 = arith.constant 304 : index
      %parallel_loop3A_669 = tpu.vector_load %arg14[%parallel_loop3A_667, %parallel_loop3A_668] {strides = array<i32>} : memref<64x768xf32, #tpu.memory_space<vmem>>, vector<16xf32>,
      tpu.vector_store %arg14[%parallel_loop3A_667, %parallel_loop3A_668], %parallel_loop3A_666 {strides = array<i32>} : memref<64x768xf32, #tpu.memory_space<vmem>>, vector<16xf32>,
      %parallel_loop3A_670 = arith.mulf %parallel_loop3A_34, %parallel_loop3A_656 : vector<16xf32>
      %parallel_loop3A_671 = arith.mulf %parallel_loop3A_35, %parallel_loop3A_663 : vector<16xf32>
      %parallel_loop3A_672 = arith.addf %parallel_loop3A_670, %parallel_loop3A_671 : vector<16xf32>
      %parallel_loop3A_673 = arith.index_cast %parallel_loop3A_32 : i32 to index
      %parallel_loop3A_674 = arith.constant 688 : index
      %parallel_loop3A_675 = tpu.vector_load %arg14[%parallel_loop3A_673, %parallel_loop3A_674] {strides = array<i32>} : memref<64x768xf32, #tpu.memory_space<vmem>>, vector<16xf32>,
      tpu.vector_store %arg14[%parallel_loop3A_673, %parallel_loop3A_674], %parallel_loop3A_672 {strides = array<i32>} : memref<64x768xf32, #tpu.memory_space<vmem>>, vector<16xf32>,
      %parallel_loop3A_676 = arith.index_cast %parallel_loop3A_32 : i32 to index
      %parallel_loop3A_677 = arith.constant 320 : index
      %parallel_loop3A_678 = tpu.vector_load %arg12[%parallel_loop3A_676, %parallel_loop3A_677] {strides = array<i32>} : memref<64x384xi32, #tpu.memory_space<vmem>>, vector<16xi32>,
      %parallel_loop3A_679 = arith.index_cast %parallel_loop3A_32 : i32 to index
      %parallel_loop3A_680 = arith.constant 320 : index
      %parallel_loop3A_681 = tpu.vector_load %arg13[%parallel_loop3A_679, %parallel_loop3A_680] {strides = array<i32>} : memref<64x384xi32, #tpu.memory_space<vmem>>, vector<16xi32>,
      %parallel_loop3A_682 = arith.constant 16 : i32
      %parallel_loop3A_683 = vector.broadcast %parallel_loop3A_682 : i32 to vector<16xi32>
      %parallel_loop3A_684 = arith.shli %parallel_loop3A_678, %parallel_loop3A_683 : vector<16xi32>
      %parallel_loop3A_685 = vector.bitcast %parallel_loop3A_684 : vector<16xi32> to vector<16xf32>
      %parallel_loop3A_686 = vector.broadcast %parallel_loop3A_31 : i32 to vector<16xi32>
      %parallel_loop3A_687 = arith.andi %parallel_loop3A_678, %parallel_loop3A_686 : vector<16xi32>
      %parallel_loop3A_688 = vector.bitcast %parallel_loop3A_687 : vector<16xi32> to vector<16xf32>
      %parallel_loop3A_689 = arith.constant 16 : i32
      %parallel_loop3A_690 = vector.broadcast %parallel_loop3A_689 : i32 to vector<16xi32>
      %parallel_loop3A_691 = arith.shli %parallel_loop3A_681, %parallel_loop3A_690 : vector<16xi32>
      %parallel_loop3A_692 = vector.bitcast %parallel_loop3A_691 : vector<16xi32> to vector<16xf32>
      %parallel_loop3A_693 = vector.broadcast %parallel_loop3A_31 : i32 to vector<16xi32>
      %parallel_loop3A_694 = arith.andi %parallel_loop3A_681, %parallel_loop3A_693 : vector<16xi32>
      %parallel_loop3A_695 = vector.bitcast %parallel_loop3A_694 : vector<16xi32> to vector<16xf32>
      %parallel_loop3A_696 = arith.mulf %parallel_loop3A_34, %parallel_loop3A_685 : vector<16xf32>
      %parallel_loop3A_697 = arith.mulf %parallel_loop3A_35, %parallel_loop3A_692 : vector<16xf32>
      %parallel_loop3A_698 = arith.addf %parallel_loop3A_696, %parallel_loop3A_697 : vector<16xf32>
      %parallel_loop3A_699 = arith.index_cast %parallel_loop3A_32 : i32 to index
      %parallel_loop3A_700 = arith.constant 320 : index
      %parallel_loop3A_701 = tpu.vector_load %arg14[%parallel_loop3A_699, %parallel_loop3A_700] {strides = array<i32>} : memref<64x768xf32, #tpu.memory_space<vmem>>, vector<16xf32>,
      tpu.vector_store %arg14[%parallel_loop3A_699, %parallel_loop3A_700], %parallel_loop3A_698 {strides = array<i32>} : memref<64x768xf32, #tpu.memory_space<vmem>>, vector<16xf32>,
      %parallel_loop3A_702 = arith.mulf %parallel_loop3A_34, %parallel_loop3A_688 : vector<16xf32>
      %parallel_loop3A_703 = arith.mulf %parallel_loop3A_35, %parallel_loop3A_695 : vector<16xf32>
      %parallel_loop3A_704 = arith.addf %parallel_loop3A_702, %parallel_loop3A_703 : vector<16xf32>
      %parallel_loop3A_705 = arith.index_cast %parallel_loop3A_32 : i32 to index
      %parallel_loop3A_706 = arith.constant 704 : index
      %parallel_loop3A_707 = tpu.vector_load %arg14[%parallel_loop3A_705, %parallel_loop3A_706] {strides = array<i32>} : memref<64x768xf32, #tpu.memory_space<vmem>>, vector<16xf32>,
      tpu.vector_store %arg14[%parallel_loop3A_705, %parallel_loop3A_706], %parallel_loop3A_704 {strides = array<i32>} : memref<64x768xf32, #tpu.memory_space<vmem>>, vector<16xf32>,
      %parallel_loop3A_708 = arith.index_cast %parallel_loop3A_32 : i32 to index
      %parallel_loop3A_709 = arith.constant 336 : index
      %parallel_loop3A_710 = tpu.vector_load %arg12[%parallel_loop3A_708, %parallel_loop3A_709] {strides = array<i32>} : memref<64x384xi32, #tpu.memory_space<vmem>>, vector<16xi32>,
      %parallel_loop3A_711 = arith.index_cast %parallel_loop3A_32 : i32 to index
      %parallel_loop3A_712 = arith.constant 336 : index
      %parallel_loop3A_713 = tpu.vector_load %arg13[%parallel_loop3A_711, %parallel_loop3A_712] {strides = array<i32>} : memref<64x384xi32, #tpu.memory_space<vmem>>, vector<16xi32>,
      %parallel_loop3A_714 = arith.constant 16 : i32
      %parallel_loop3A_715 = vector.broadcast %parallel_loop3A_714 : i32 to vector<16xi32>
      %parallel_loop3A_716 = arith.shli %parallel_loop3A_710, %parallel_loop3A_715 : vector<16xi32>
      %parallel_loop3A_717 = vector.bitcast %parallel_loop3A_716 : vector<16xi32> to vector<16xf32>
      %parallel_loop3A_718 = vector.broadcast %parallel_loop3A_31 : i32 to vector<16xi32>
      %parallel_loop3A_719 = arith.andi %parallel_loop3A_710, %parallel_loop3A_718 : vector<16xi32>
      %parallel_loop3A_720 = vector.bitcast %parallel_loop3A_719 : vector<16xi32> to vector<16xf32>
      %parallel_loop3A_721 = arith.constant 16 : i32
      %parallel_loop3A_722 = vector.broadcast %parallel_loop3A_721 : i32 to vector<16xi32>
      %parallel_loop3A_723 = arith.shli %parallel_loop3A_713, %parallel_loop3A_722 : vector<16xi32>
      %parallel_loop3A_724 = vector.bitcast %parallel_loop3A_723 : vector<16xi32> to vector<16xf32>
      %parallel_loop3A_725 = vector.broadcast %parallel_loop3A_31 : i32 to vector<16xi32>
      %parallel_loop3A_726 = arith.andi %parallel_loop3A_713, %parallel_loop3A_725 : vector<16xi32>
      %parallel_loop3A_727 = vector.bitcast %parallel_loop3A_726 : vector<16xi32> to vector<16xf32>
      %parallel_loop3A_728 = arith.mulf %parallel_loop3A_34, %parallel_loop3A_717 : vector<16xf32>
      %parallel_loop3A_729 = arith.mulf %parallel_loop3A_35, %parallel_loop3A_724 : vector<16xf32>
      %parallel_loop3A_730 = arith.addf %parallel_loop3A_728, %parallel_loop3A_729 : vector<16xf32>
      %parallel_loop3A_731 = arith.index_cast %parallel_loop3A_32 : i32 to index
      %parallel_loop3A_732 = arith.constant 336 : index
      %parallel_loop3A_733 = tpu.vector_load %arg14[%parallel_loop3A_731, %parallel_loop3A_732] {strides = array<i32>} : memref<64x768xf32, #tpu.memory_space<vmem>>, vector<16xf32>,
      tpu.vector_store %arg14[%parallel_loop3A_731, %parallel_loop3A_732], %parallel_loop3A_730 {strides = array<i32>} : memref<64x768xf32, #tpu.memory_space<vmem>>, vector<16xf32>,
      %parallel_loop3A_734 = arith.mulf %parallel_loop3A_34, %parallel_loop3A_720 : vector<16xf32>
      %parallel_loop3A_735 = arith.mulf %parallel_loop3A_35, %parallel_loop3A_727 : vector<16xf32>
      %parallel_loop3A_736 = arith.addf %parallel_loop3A_734, %parallel_loop3A_735 : vector<16xf32>
      %parallel_loop3A_737 = arith.index_cast %parallel_loop3A_32 : i32 to index
      %parallel_loop3A_738 = arith.constant 720 : index
      %parallel_loop3A_739 = tpu.vector_load %arg14[%parallel_loop3A_737, %parallel_loop3A_738] {strides = array<i32>} : memref<64x768xf32, #tpu.memory_space<vmem>>, vector<16xf32>,
      tpu.vector_store %arg14[%parallel_loop3A_737, %parallel_loop3A_738], %parallel_loop3A_736 {strides = array<i32>} : memref<64x768xf32, #tpu.memory_space<vmem>>, vector<16xf32>,
      %parallel_loop3A_740 = arith.index_cast %parallel_loop3A_32 : i32 to index
      %parallel_loop3A_741 = arith.constant 352 : index
      %parallel_loop3A_742 = tpu.vector_load %arg12[%parallel_loop3A_740, %parallel_loop3A_741] {strides = array<i32>} : memref<64x384xi32, #tpu.memory_space<vmem>>, vector<16xi32>,
      %parallel_loop3A_743 = arith.index_cast %parallel_loop3A_32 : i32 to index
      %parallel_loop3A_744 = arith.constant 352 : index
      %parallel_loop3A_745 = tpu.vector_load %arg13[%parallel_loop3A_743, %parallel_loop3A_744] {strides = array<i32>} : memref<64x384xi32, #tpu.memory_space<vmem>>, vector<16xi32>,
      %parallel_loop3A_746 = arith.constant 16 : i32
      %parallel_loop3A_747 = vector.broadcast %parallel_loop3A_746 : i32 to vector<16xi32>
      %parallel_loop3A_748 = arith.shli %parallel_loop3A_742, %parallel_loop3A_747 : vector<16xi32>
      %parallel_loop3A_749 = vector.bitcast %parallel_loop3A_748 : vector<16xi32> to vector<16xf32>
      %parallel_loop3A_750 = vector.broadcast %parallel_loop3A_31 : i32 to vector<16xi32>
      %parallel_loop3A_751 = arith.andi %parallel_loop3A_742, %parallel_loop3A_750 : vector<16xi32>
      %parallel_loop3A_752 = vector.bitcast %parallel_loop3A_751 : vector<16xi32> to vector<16xf32>
      %parallel_loop3A_753 = arith.constant 16 : i32
      %parallel_loop3A_754 = vector.broadcast %parallel_loop3A_753 : i32 to vector<16xi32>
      %parallel_loop3A_755 = arith.shli %parallel_loop3A_745, %parallel_loop3A_754 : vector<16xi32>
      %parallel_loop3A_756 = vector.bitcast %parallel_loop3A_755 : vector<16xi32> to vector<16xf32>
      %parallel_loop3A_757 = vector.broadcast %parallel_loop3A_31 : i32 to vector<16xi32>
      %parallel_loop3A_758 = arith.andi %parallel_loop3A_745, %parallel_loop3A_757 : vector<16xi32>
      %parallel_loop3A_759 = vector.bitcast %parallel_loop3A_758 : vector<16xi32> to vector<16xf32>
      %parallel_loop3A_760 = arith.mulf %parallel_loop3A_34, %parallel_loop3A_749 : vector<16xf32>
      %parallel_loop3A_761 = arith.mulf %parallel_loop3A_35, %parallel_loop3A_756 : vector<16xf32>
      %parallel_loop3A_762 = arith.addf %parallel_loop3A_760, %parallel_loop3A_761 : vector<16xf32>
      %parallel_loop3A_763 = arith.index_cast %parallel_loop3A_32 : i32 to index
      %parallel_loop3A_764 = arith.constant 352 : index
      %parallel_loop3A_765 = tpu.vector_load %arg14[%parallel_loop3A_763, %parallel_loop3A_764] {strides = array<i32>} : memref<64x768xf32, #tpu.memory_space<vmem>>, vector<16xf32>,
      tpu.vector_store %arg14[%parallel_loop3A_763, %parallel_loop3A_764], %parallel_loop3A_762 {strides = array<i32>} : memref<64x768xf32, #tpu.memory_space<vmem>>, vector<16xf32>,
      %parallel_loop3A_766 = arith.mulf %parallel_loop3A_34, %parallel_loop3A_752 : vector<16xf32>
      %parallel_loop3A_767 = arith.mulf %parallel_loop3A_35, %parallel_loop3A_759 : vector<16xf32>
      %parallel_loop3A_768 = arith.addf %parallel_loop3A_766, %parallel_loop3A_767 : vector<16xf32>
      %parallel_loop3A_769 = arith.index_cast %parallel_loop3A_32 : i32 to index
      %parallel_loop3A_770 = arith.constant 736 : index
      %parallel_loop3A_771 = tpu.vector_load %arg14[%parallel_loop3A_769, %parallel_loop3A_770] {strides = array<i32>} : memref<64x768xf32, #tpu.memory_space<vmem>>, vector<16xf32>,
      tpu.vector_store %arg14[%parallel_loop3A_769, %parallel_loop3A_770], %parallel_loop3A_768 {strides = array<i32>} : memref<64x768xf32, #tpu.memory_space<vmem>>, vector<16xf32>,
      %parallel_loop3A_772 = arith.index_cast %parallel_loop3A_32 : i32 to index
      %parallel_loop3A_773 = arith.constant 368 : index
      %parallel_loop3A_774 = tpu.vector_load %arg12[%parallel_loop3A_772, %parallel_loop3A_773] {strides = array<i32>} : memref<64x384xi32, #tpu.memory_space<vmem>>, vector<16xi32>,
      %parallel_loop3A_775 = arith.index_cast %parallel_loop3A_32 : i32 to index
      %parallel_loop3A_776 = arith.constant 368 : index
      %parallel_loop3A_777 = tpu.vector_load %arg13[%parallel_loop3A_775, %parallel_loop3A_776] {strides = array<i32>} : memref<64x384xi32, #tpu.memory_space<vmem>>, vector<16xi32>,
      %parallel_loop3A_778 = arith.constant 16 : i32
      %parallel_loop3A_779 = vector.broadcast %parallel_loop3A_778 : i32 to vector<16xi32>
      %parallel_loop3A_780 = arith.shli %parallel_loop3A_774, %parallel_loop3A_779 : vector<16xi32>
      %parallel_loop3A_781 = vector.bitcast %parallel_loop3A_780 : vector<16xi32> to vector<16xf32>
      %parallel_loop3A_782 = vector.broadcast %parallel_loop3A_31 : i32 to vector<16xi32>
      %parallel_loop3A_783 = arith.andi %parallel_loop3A_774, %parallel_loop3A_782 : vector<16xi32>
      %parallel_loop3A_784 = vector.bitcast %parallel_loop3A_783 : vector<16xi32> to vector<16xf32>
      %parallel_loop3A_785 = arith.constant 16 : i32
      %parallel_loop3A_786 = vector.broadcast %parallel_loop3A_785 : i32 to vector<16xi32>
      %parallel_loop3A_787 = arith.shli %parallel_loop3A_777, %parallel_loop3A_786 : vector<16xi32>
      %parallel_loop3A_788 = vector.bitcast %parallel_loop3A_787 : vector<16xi32> to vector<16xf32>
      %parallel_loop3A_789 = vector.broadcast %parallel_loop3A_31 : i32 to vector<16xi32>
      %parallel_loop3A_790 = arith.andi %parallel_loop3A_777, %parallel_loop3A_789 : vector<16xi32>
      %parallel_loop3A_791 = vector.bitcast %parallel_loop3A_790 : vector<16xi32> to vector<16xf32>
      %parallel_loop3A_792 = arith.mulf %parallel_loop3A_34, %parallel_loop3A_781 : vector<16xf32>
      %parallel_loop3A_793 = arith.mulf %parallel_loop3A_35, %parallel_loop3A_788 : vector<16xf32>
      %parallel_loop3A_794 = arith.addf %parallel_loop3A_792, %parallel_loop3A_793 : vector<16xf32>
      %parallel_loop3A_795 = arith.index_cast %parallel_loop3A_32 : i32 to index
      %parallel_loop3A_796 = arith.constant 368 : index
      %parallel_loop3A_797 = tpu.vector_load %arg14[%parallel_loop3A_795, %parallel_loop3A_796] {strides = array<i32>} : memref<64x768xf32, #tpu.memory_space<vmem>>, vector<16xf32>,
      tpu.vector_store %arg14[%parallel_loop3A_795, %parallel_loop3A_796], %parallel_loop3A_794 {strides = array<i32>} : memref<64x768xf32, #tpu.memory_space<vmem>>, vector<16xf32>,
      %parallel_loop3A_798 = arith.mulf %parallel_loop3A_34, %parallel_loop3A_784 : vector<16xf32>
      %parallel_loop3A_799 = arith.mulf %parallel_loop3A_35, %parallel_loop3A_791 : vector<16xf32>
      %parallel_loop3A_800 = arith.addf %parallel_loop3A_798, %parallel_loop3A_799 : vector<16xf32>
      %parallel_loop3A_801 = arith.index_cast %parallel_loop3A_32 : i32 to index
      %parallel_loop3A_802 = arith.constant 752 : index
      %parallel_loop3A_803 = tpu.vector_load %arg14[%parallel_loop3A_801, %parallel_loop3A_802] {strides = array<i32>} : memref<64x768xf32, #tpu.memory_space<vmem>>, vector<16xf32>,
      tpu.vector_store %arg14[%parallel_loop3A_801, %parallel_loop3A_802], %parallel_loop3A_800 {strides = array<i32>} : memref<64x768xf32, #tpu.memory_space<vmem>>, vector<16xf32>,
    } {sc.loop_unroll_factor = 4 : i64, sc.parallel_access}
    "tpu.region"() ({
      %run_scoped3A = tpu.sem_alloc : memref<!tpu.dma_semaphore, #tpu.memory_space<semaphore_mem>>
      %dma_start3A_32 = arith.constant 0 : i32
      %dma_start3A_33 = tpu.memref_slice %arg7[%mul3A_2, %dma_start3A_32] : memref<2048x768xf32, #tpu.memory_space<hbm>> -> memref<64x768xf32, #tpu.memory_space<hbm>>
      %dma_start3A_34 = arith.constant 0 : i32
      %dma_start3A_35 = tpu.memref_slice %arg7[%mul3A_2, %dma_start3A_34] : memref<2048x768xf32, #tpu.memory_space<hbm>> -> memref<64x768xf32, #tpu.memory_space<hbm>>
      tpu.enqueue_dma source(%arg14 : memref<64x768xf32, #tpu.memory_space<vmem>>) target(%dma_start3A_35 : memref<64x768xf32, #tpu.memory_space<hbm>>) target_semaphore(%run_scoped3A : memref<!tpu.dma_semaphore, #tpu.memory_space<semaphore_mem>>)
      %dma_wait3A_36 = arith.constant 0 : i32
      %dma_wait3A_37 = tpu.memref_slice %arg7[%mul3A_2, %dma_wait3A_36] : memref<2048x768xf32, #tpu.memory_space<hbm>> -> memref<64x768xf32, #tpu.memory_space<hbm>>
      %dma_wait3A_38 = arith.constant 0 : i32
      %dma_wait3A_39 = tpu.memref_slice %arg7[%mul3A_2, %dma_wait3A_38] : memref<2048x768xf32, #tpu.memory_space<hbm>> -> memref<64x768xf32, #tpu.memory_space<hbm>>
      tpu.wait_dma2 semaphore(%run_scoped3A : memref<!tpu.dma_semaphore, #tpu.memory_space<semaphore_mem>>) src(%arg14 : memref<64x768xf32, #tpu.memory_space<vmem>>) dst(%dma_wait3A_39 : memref<64x768xf32, #tpu.memory_space<hbm>>)
      tpu.yield
    }) : () -> ()
    return
  }
}

module attributes {stable_mosaic.version = 14 : i64} {
  func.func @_expert_mm_body(%arg0: i32, %arg1: memref<24xi32, #tpu.memory_space<smem>>, %arg2: memref<2048x384xi32, #tpu.memory_space<vmem>>, %arg3: memref<8x768x768xf32, #tpu.memory_space<vmem>>, %arg4: memref<8x768xf32, #tpu.memory_space<vmem>>, %arg5: memref<2048x384xi32, #tpu.memory_space<vmem>>) attributes {dimension_semantics = [#tpu.dimension_semantics<arbitrary>], iteration_bounds = array<i64: 3>, scalar_prefetch = 1 : i64, scratch_operands = 0 : i64, tpu.core_type = #tpu.core_type<tc>, window_params = [{transform_indices = @transform_0, window_bounds = array<i64: 2048, 384>}, {pipeline_mode = #tpu.pipeline_mode<synchronous>, transform_indices = @transform_1, window_bounds = array<i64: 8, 768, 768>}, {pipeline_mode = #tpu.pipeline_mode<synchronous>, transform_indices = @transform_2, window_bounds = array<i64: 8, 768>}, {transform_indices = @transform_3, window_bounds = array<i64: 2048, 384>}]} {
    %get3A = arith.constant 0 : index
    %get3A_0 = arith.constant 0 : index
    %get3A_1 = vector.load %arg2[%get3A, %get3A_0] : memref<2048x384xi32, #tpu.memory_space<vmem>>, vector<2048x384xi32>
    %unpack_elementwise3A = tpu.unpack_elementwise %get3A_1, 0 {source_type = bf16} : vector<2048x384xi32> -> vector<2048x384xf32>
    %unpack_elementwise3A_2 = tpu.unpack_elementwise %get3A_1, 1 {source_type = bf16} : vector<2048x384xi32> -> vector<2048x384xf32>
    %concatenate3A = tpu.concatenate %unpack_elementwise3A, %unpack_elementwise3A_2 in 1 : vector<2048x384xf32>, vector<2048x384xf32> -> vector<2048x768xf32>
    %mul3A = arith.constant 8 : i32
    %mul3A_3 = arith.muli %mul3A, %arg0 : i32
    %add3A = arith.constant 0 : i32
    %add3A_4 = arith.addi %mul3A_3, %add3A : i32
    %get3A_5 = arith.index_cast %add3A_4 : i32 to index
    %get3A_6 = memref.load %arg1[%get3A_5] : memref<24xi32, #tpu.memory_space<smem>>
    %slice3A = vector.extract_strided_slice %concatenate3A {offsets = [0, 0], sizes = [256, 768], strides = [1, 1]} : vector<2048x768xf32> to vector<256x768xf32>
    %get3A_7 = arith.index_cast %get3A_6 : i32 to index
    %get3A_8 = arith.constant 0 : index
    %get3A_9 = arith.constant 0 : index
    %get3A_10 = vector.load %arg3[%get3A_7, %get3A_8, %get3A_9] : memref<8x768x768xf32, #tpu.memory_space<vmem>>, vector<1x768x768xf32>
    %get3A_11 = vector.shape_cast %get3A_10 : vector<1x768x768xf32> to vector<768x768xf32>
    %dot_general3A = arith.constant dense<0.000000e+00> : vector<256x768xf32>
    %dot_general3A_12 = tpu.matmul %slice3A, %get3A_11, %dot_general3A {dimension_numbers = #tpu.dot_dimension_numbers<[1], [1], [0], [0], [0, 0, 1, 0], [], []>, transpose_lhs_hint = false} : vector<256x768xf32>, vector<768x768xf32>, vector<256x768xf32> -> vector<256x768xf32>
    %get3A_13 = arith.index_cast %get3A_6 : i32 to index
    %get3A_14 = arith.constant 0 : index
    %get3A_15 = vector.load %arg4[%get3A_13, %get3A_14] : memref<8x768xf32, #tpu.memory_space<vmem>>, vector<1x768xf32>
    %add3A_16 = vector.broadcast %get3A_15 : vector<1x768xf32> to vector<256x768xf32>
    %add3A_17 = arith.addf %dot_general3A_12, %add3A_16 : vector<256x768xf32>
    %slice3A_18 = vector.extract_strided_slice %add3A_17 {offsets = [0, 0], sizes = [256, 384], strides = [1, 1]} : vector<256x768xf32> to vector<256x384xf32>
    %slice3A_19 = vector.extract_strided_slice %add3A_17 {offsets = [0, 384], sizes = [256, 384], strides = [1, 1]} : vector<256x768xf32> to vector<256x384xf32>
    %pack_elementwise3A = tpu.pack_elementwise %slice3A_18, %slice3A_19 {target_type = bf16} : vector<256x384xf32>, vector<256x384xf32> -> vector<256x384xi32>
    %swap3A = arith.constant 0 : index
    %swap3A_20 = arith.constant 0 : index
    %swap3A_21 = vector.load %arg5[%swap3A, %swap3A_20] : memref<2048x384xi32, #tpu.memory_space<vmem>>, vector<256x384xi32>
    tpu.vector_store %arg5[%swap3A, %swap3A_20], %pack_elementwise3A {strides = array<i32>} : memref<2048x384xi32, #tpu.memory_space<vmem>>, vector<256x384xi32>,
    %mul3A_22 = arith.constant 8 : i32
    %mul3A_23 = arith.muli %mul3A_22, %arg0 : i32
    %add3A_24 = arith.constant 1 : i32
    %add3A_25 = arith.addi %mul3A_23, %add3A_24 : i32
    %get3A_26 = arith.index_cast %add3A_25 : i32 to index
    %get3A_27 = memref.load %arg1[%get3A_26] : memref<24xi32, #tpu.memory_space<smem>>
    %slice3A_28 = vector.extract_strided_slice %concatenate3A {offsets = [256, 0], sizes = [256, 768], strides = [1, 1]} : vector<2048x768xf32> to vector<256x768xf32>
    %get3A_29 = arith.index_cast %get3A_27 : i32 to index
    %get3A_30 = arith.constant 0 : index
    %get3A_31 = arith.constant 0 : index
    %get3A_32 = vector.load %arg3[%get3A_29, %get3A_30, %get3A_31] : memref<8x768x768xf32, #tpu.memory_space<vmem>>, vector<1x768x768xf32>
    %get3A_33 = vector.shape_cast %get3A_32 : vector<1x768x768xf32> to vector<768x768xf32>
    %dot_general3A_34 = arith.constant dense<0.000000e+00> : vector<256x768xf32>
    %dot_general3A_35 = tpu.matmul %slice3A_28, %get3A_33, %dot_general3A_34 {dimension_numbers = #tpu.dot_dimension_numbers<[1], [1], [0], [0], [0, 0, 1, 0], [], []>, transpose_lhs_hint = false} : vector<256x768xf32>, vector<768x768xf32>, vector<256x768xf32> -> vector<256x768xf32>
    %get3A_36 = arith.index_cast %get3A_27 : i32 to index
    %get3A_37 = arith.constant 0 : index
    %get3A_38 = vector.load %arg4[%get3A_36, %get3A_37] : memref<8x768xf32, #tpu.memory_space<vmem>>, vector<1x768xf32>
    %add3A_39 = vector.broadcast %get3A_38 : vector<1x768xf32> to vector<256x768xf32>
    %add3A_40 = arith.addf %dot_general3A_35, %add3A_39 : vector<256x768xf32>
    %slice3A_41 = vector.extract_strided_slice %add3A_40 {offsets = [0, 0], sizes = [256, 384], strides = [1, 1]} : vector<256x768xf32> to vector<256x384xf32>
    %slice3A_42 = vector.extract_strided_slice %add3A_40 {offsets = [0, 384], sizes = [256, 384], strides = [1, 1]} : vector<256x768xf32> to vector<256x384xf32>
    %pack_elementwise3A_43 = tpu.pack_elementwise %slice3A_41, %slice3A_42 {target_type = bf16} : vector<256x384xf32>, vector<256x384xf32> -> vector<256x384xi32>
    %swap3A_44 = arith.constant 256 : index
    %swap3A_45 = arith.constant 0 : index
    %swap3A_46 = vector.load %arg5[%swap3A_44, %swap3A_45] : memref<2048x384xi32, #tpu.memory_space<vmem>>, vector<256x384xi32>
    tpu.vector_store %arg5[%swap3A_44, %swap3A_45], %pack_elementwise3A_43 {strides = array<i32>} : memref<2048x384xi32, #tpu.memory_space<vmem>>, vector<256x384xi32>,
    %mul3A_47 = arith.constant 8 : i32
    %mul3A_48 = arith.muli %mul3A_47, %arg0 : i32
    %add3A_49 = arith.constant 2 : i32
    %add3A_50 = arith.addi %mul3A_48, %add3A_49 : i32
    %get3A_51 = arith.index_cast %add3A_50 : i32 to index
    %get3A_52 = memref.load %arg1[%get3A_51] : memref<24xi32, #tpu.memory_space<smem>>
    %slice3A_53 = vector.extract_strided_slice %concatenate3A {offsets = [512, 0], sizes = [256, 768], strides = [1, 1]} : vector<2048x768xf32> to vector<256x768xf32>
    %get3A_54 = arith.index_cast %get3A_52 : i32 to index
    %get3A_55 = arith.constant 0 : index
    %get3A_56 = arith.constant 0 : index
    %get3A_57 = vector.load %arg3[%get3A_54, %get3A_55, %get3A_56] : memref<8x768x768xf32, #tpu.memory_space<vmem>>, vector<1x768x768xf32>
    %get3A_58 = vector.shape_cast %get3A_57 : vector<1x768x768xf32> to vector<768x768xf32>
    %dot_general3A_59 = arith.constant dense<0.000000e+00> : vector<256x768xf32>
    %dot_general3A_60 = tpu.matmul %slice3A_53, %get3A_58, %dot_general3A_59 {dimension_numbers = #tpu.dot_dimension_numbers<[1], [1], [0], [0], [0, 0, 1, 0], [], []>, transpose_lhs_hint = false} : vector<256x768xf32>, vector<768x768xf32>, vector<256x768xf32> -> vector<256x768xf32>
    %get3A_61 = arith.index_cast %get3A_52 : i32 to index
    %get3A_62 = arith.constant 0 : index
    %get3A_63 = vector.load %arg4[%get3A_61, %get3A_62] : memref<8x768xf32, #tpu.memory_space<vmem>>, vector<1x768xf32>
    %add3A_64 = vector.broadcast %get3A_63 : vector<1x768xf32> to vector<256x768xf32>
    %add3A_65 = arith.addf %dot_general3A_60, %add3A_64 : vector<256x768xf32>
    %slice3A_66 = vector.extract_strided_slice %add3A_65 {offsets = [0, 0], sizes = [256, 384], strides = [1, 1]} : vector<256x768xf32> to vector<256x384xf32>
    %slice3A_67 = vector.extract_strided_slice %add3A_65 {offsets = [0, 384], sizes = [256, 384], strides = [1, 1]} : vector<256x768xf32> to vector<256x384xf32>
    %pack_elementwise3A_68 = tpu.pack_elementwise %slice3A_66, %slice3A_67 {target_type = bf16} : vector<256x384xf32>, vector<256x384xf32> -> vector<256x384xi32>
    %swap3A_69 = arith.constant 512 : index
    %swap3A_70 = arith.constant 0 : index
    %swap3A_71 = vector.load %arg5[%swap3A_69, %swap3A_70] : memref<2048x384xi32, #tpu.memory_space<vmem>>, vector<256x384xi32>
    tpu.vector_store %arg5[%swap3A_69, %swap3A_70], %pack_elementwise3A_68 {strides = array<i32>} : memref<2048x384xi32, #tpu.memory_space<vmem>>, vector<256x384xi32>,
    %mul3A_72 = arith.constant 8 : i32
    %mul3A_73 = arith.muli %mul3A_72, %arg0 : i32
    %add3A_74 = arith.constant 3 : i32
    %add3A_75 = arith.addi %mul3A_73, %add3A_74 : i32
    %get3A_76 = arith.index_cast %add3A_75 : i32 to index
    %get3A_77 = memref.load %arg1[%get3A_76] : memref<24xi32, #tpu.memory_space<smem>>
    %slice3A_78 = vector.extract_strided_slice %concatenate3A {offsets = [768, 0], sizes = [256, 768], strides = [1, 1]} : vector<2048x768xf32> to vector<256x768xf32>
    %get3A_79 = arith.index_cast %get3A_77 : i32 to index
    %get3A_80 = arith.constant 0 : index
    %get3A_81 = arith.constant 0 : index
    %get3A_82 = vector.load %arg3[%get3A_79, %get3A_80, %get3A_81] : memref<8x768x768xf32, #tpu.memory_space<vmem>>, vector<1x768x768xf32>
    %get3A_83 = vector.shape_cast %get3A_82 : vector<1x768x768xf32> to vector<768x768xf32>
    %dot_general3A_84 = arith.constant dense<0.000000e+00> : vector<256x768xf32>
    %dot_general3A_85 = tpu.matmul %slice3A_78, %get3A_83, %dot_general3A_84 {dimension_numbers = #tpu.dot_dimension_numbers<[1], [1], [0], [0], [0, 0, 1, 0], [], []>, transpose_lhs_hint = false} : vector<256x768xf32>, vector<768x768xf32>, vector<256x768xf32> -> vector<256x768xf32>
    %get3A_86 = arith.index_cast %get3A_77 : i32 to index
    %get3A_87 = arith.constant 0 : index
    %get3A_88 = vector.load %arg4[%get3A_86, %get3A_87] : memref<8x768xf32, #tpu.memory_space<vmem>>, vector<1x768xf32>
    %add3A_89 = vector.broadcast %get3A_88 : vector<1x768xf32> to vector<256x768xf32>
    %add3A_90 = arith.addf %dot_general3A_85, %add3A_89 : vector<256x768xf32>
    %slice3A_91 = vector.extract_strided_slice %add3A_90 {offsets = [0, 0], sizes = [256, 384], strides = [1, 1]} : vector<256x768xf32> to vector<256x384xf32>
    %slice3A_92 = vector.extract_strided_slice %add3A_90 {offsets = [0, 384], sizes = [256, 384], strides = [1, 1]} : vector<256x768xf32> to vector<256x384xf32>
    %pack_elementwise3A_93 = tpu.pack_elementwise %slice3A_91, %slice3A_92 {target_type = bf16} : vector<256x384xf32>, vector<256x384xf32> -> vector<256x384xi32>
    %swap3A_94 = arith.constant 768 : index
    %swap3A_95 = arith.constant 0 : index
    %swap3A_96 = vector.load %arg5[%swap3A_94, %swap3A_95] : memref<2048x384xi32, #tpu.memory_space<vmem>>, vector<256x384xi32>
    tpu.vector_store %arg5[%swap3A_94, %swap3A_95], %pack_elementwise3A_93 {strides = array<i32>} : memref<2048x384xi32, #tpu.memory_space<vmem>>, vector<256x384xi32>,
    %mul3A_97 = arith.constant 8 : i32
    %mul3A_98 = arith.muli %mul3A_97, %arg0 : i32
    %add3A_99 = arith.constant 4 : i32
    %add3A_100 = arith.addi %mul3A_98, %add3A_99 : i32
    %get3A_101 = arith.index_cast %add3A_100 : i32 to index
    %get3A_102 = memref.load %arg1[%get3A_101] : memref<24xi32, #tpu.memory_space<smem>>
    %slice3A_103 = vector.extract_strided_slice %concatenate3A {offsets = [1024, 0], sizes = [256, 768], strides = [1, 1]} : vector<2048x768xf32> to vector<256x768xf32>
    %get3A_104 = arith.index_cast %get3A_102 : i32 to index
    %get3A_105 = arith.constant 0 : index
    %get3A_106 = arith.constant 0 : index
    %get3A_107 = vector.load %arg3[%get3A_104, %get3A_105, %get3A_106] : memref<8x768x768xf32, #tpu.memory_space<vmem>>, vector<1x768x768xf32>
    %get3A_108 = vector.shape_cast %get3A_107 : vector<1x768x768xf32> to vector<768x768xf32>
    %dot_general3A_109 = arith.constant dense<0.000000e+00> : vector<256x768xf32>
    %dot_general3A_110 = tpu.matmul %slice3A_103, %get3A_108, %dot_general3A_109 {dimension_numbers = #tpu.dot_dimension_numbers<[1], [1], [0], [0], [0, 0, 1, 0], [], []>, transpose_lhs_hint = false} : vector<256x768xf32>, vector<768x768xf32>, vector<256x768xf32> -> vector<256x768xf32>
    %get3A_111 = arith.index_cast %get3A_102 : i32 to index
    %get3A_112 = arith.constant 0 : index
    %get3A_113 = vector.load %arg4[%get3A_111, %get3A_112] : memref<8x768xf32, #tpu.memory_space<vmem>>, vector<1x768xf32>
    %add3A_114 = vector.broadcast %get3A_113 : vector<1x768xf32> to vector<256x768xf32>
    %add3A_115 = arith.addf %dot_general3A_110, %add3A_114 : vector<256x768xf32>
    %slice3A_116 = vector.extract_strided_slice %add3A_115 {offsets = [0, 0], sizes = [256, 384], strides = [1, 1]} : vector<256x768xf32> to vector<256x384xf32>
    %slice3A_117 = vector.extract_strided_slice %add3A_115 {offsets = [0, 384], sizes = [256, 384], strides = [1, 1]} : vector<256x768xf32> to vector<256x384xf32>
    %pack_elementwise3A_118 = tpu.pack_elementwise %slice3A_116, %slice3A_117 {target_type = bf16} : vector<256x384xf32>, vector<256x384xf32> -> vector<256x384xi32>
    %swap3A_119 = arith.constant 1024 : index
    %swap3A_120 = arith.constant 0 : index
    %swap3A_121 = vector.load %arg5[%swap3A_119, %swap3A_120] : memref<2048x384xi32, #tpu.memory_space<vmem>>, vector<256x384xi32>
    tpu.vector_store %arg5[%swap3A_119, %swap3A_120], %pack_elementwise3A_118 {strides = array<i32>} : memref<2048x384xi32, #tpu.memory_space<vmem>>, vector<256x384xi32>,
    %mul3A_122 = arith.constant 8 : i32
    %mul3A_123 = arith.muli %mul3A_122, %arg0 : i32
    %add3A_124 = arith.constant 5 : i32
    %add3A_125 = arith.addi %mul3A_123, %add3A_124 : i32
    %get3A_126 = arith.index_cast %add3A_125 : i32 to index
    %get3A_127 = memref.load %arg1[%get3A_126] : memref<24xi32, #tpu.memory_space<smem>>
    %slice3A_128 = vector.extract_strided_slice %concatenate3A {offsets = [1280, 0], sizes = [256, 768], strides = [1, 1]} : vector<2048x768xf32> to vector<256x768xf32>
    %get3A_129 = arith.index_cast %get3A_127 : i32 to index
    %get3A_130 = arith.constant 0 : index
    %get3A_131 = arith.constant 0 : index
    %get3A_132 = vector.load %arg3[%get3A_129, %get3A_130, %get3A_131] : memref<8x768x768xf32, #tpu.memory_space<vmem>>, vector<1x768x768xf32>
    %get3A_133 = vector.shape_cast %get3A_132 : vector<1x768x768xf32> to vector<768x768xf32>
    %dot_general3A_134 = arith.constant dense<0.000000e+00> : vector<256x768xf32>
    %dot_general3A_135 = tpu.matmul %slice3A_128, %get3A_133, %dot_general3A_134 {dimension_numbers = #tpu.dot_dimension_numbers<[1], [1], [0], [0], [0, 0, 1, 0], [], []>, transpose_lhs_hint = false} : vector<256x768xf32>, vector<768x768xf32>, vector<256x768xf32> -> vector<256x768xf32>
    %get3A_136 = arith.index_cast %get3A_127 : i32 to index
    %get3A_137 = arith.constant 0 : index
    %get3A_138 = vector.load %arg4[%get3A_136, %get3A_137] : memref<8x768xf32, #tpu.memory_space<vmem>>, vector<1x768xf32>
    %add3A_139 = vector.broadcast %get3A_138 : vector<1x768xf32> to vector<256x768xf32>
    %add3A_140 = arith.addf %dot_general3A_135, %add3A_139 : vector<256x768xf32>
    %slice3A_141 = vector.extract_strided_slice %add3A_140 {offsets = [0, 0], sizes = [256, 384], strides = [1, 1]} : vector<256x768xf32> to vector<256x384xf32>
    %slice3A_142 = vector.extract_strided_slice %add3A_140 {offsets = [0, 384], sizes = [256, 384], strides = [1, 1]} : vector<256x768xf32> to vector<256x384xf32>
    %pack_elementwise3A_143 = tpu.pack_elementwise %slice3A_141, %slice3A_142 {target_type = bf16} : vector<256x384xf32>, vector<256x384xf32> -> vector<256x384xi32>
    %swap3A_144 = arith.constant 1280 : index
    %swap3A_145 = arith.constant 0 : index
    %swap3A_146 = vector.load %arg5[%swap3A_144, %swap3A_145] : memref<2048x384xi32, #tpu.memory_space<vmem>>, vector<256x384xi32>
    tpu.vector_store %arg5[%swap3A_144, %swap3A_145], %pack_elementwise3A_143 {strides = array<i32>} : memref<2048x384xi32, #tpu.memory_space<vmem>>, vector<256x384xi32>,
    %mul3A_147 = arith.constant 8 : i32
    %mul3A_148 = arith.muli %mul3A_147, %arg0 : i32
    %add3A_149 = arith.constant 6 : i32
    %add3A_150 = arith.addi %mul3A_148, %add3A_149 : i32
    %get3A_151 = arith.index_cast %add3A_150 : i32 to index
    %get3A_152 = memref.load %arg1[%get3A_151] : memref<24xi32, #tpu.memory_space<smem>>
    %slice3A_153 = vector.extract_strided_slice %concatenate3A {offsets = [1536, 0], sizes = [256, 768], strides = [1, 1]} : vector<2048x768xf32> to vector<256x768xf32>
    %get3A_154 = arith.index_cast %get3A_152 : i32 to index
    %get3A_155 = arith.constant 0 : index
    %get3A_156 = arith.constant 0 : index
    %get3A_157 = vector.load %arg3[%get3A_154, %get3A_155, %get3A_156] : memref<8x768x768xf32, #tpu.memory_space<vmem>>, vector<1x768x768xf32>
    %get3A_158 = vector.shape_cast %get3A_157 : vector<1x768x768xf32> to vector<768x768xf32>
    %dot_general3A_159 = arith.constant dense<0.000000e+00> : vector<256x768xf32>
    %dot_general3A_160 = tpu.matmul %slice3A_153, %get3A_158, %dot_general3A_159 {dimension_numbers = #tpu.dot_dimension_numbers<[1], [1], [0], [0], [0, 0, 1, 0], [], []>, transpose_lhs_hint = false} : vector<256x768xf32>, vector<768x768xf32>, vector<256x768xf32> -> vector<256x768xf32>
    %get3A_161 = arith.index_cast %get3A_152 : i32 to index
    %get3A_162 = arith.constant 0 : index
    %get3A_163 = vector.load %arg4[%get3A_161, %get3A_162] : memref<8x768xf32, #tpu.memory_space<vmem>>, vector<1x768xf32>
    %add3A_164 = vector.broadcast %get3A_163 : vector<1x768xf32> to vector<256x768xf32>
    %add3A_165 = arith.addf %dot_general3A_160, %add3A_164 : vector<256x768xf32>
    %slice3A_166 = vector.extract_strided_slice %add3A_165 {offsets = [0, 0], sizes = [256, 384], strides = [1, 1]} : vector<256x768xf32> to vector<256x384xf32>
    %slice3A_167 = vector.extract_strided_slice %add3A_165 {offsets = [0, 384], sizes = [256, 384], strides = [1, 1]} : vector<256x768xf32> to vector<256x384xf32>
    %pack_elementwise3A_168 = tpu.pack_elementwise %slice3A_166, %slice3A_167 {target_type = bf16} : vector<256x384xf32>, vector<256x384xf32> -> vector<256x384xi32>
    %swap3A_169 = arith.constant 1536 : index
    %swap3A_170 = arith.constant 0 : index
    %swap3A_171 = vector.load %arg5[%swap3A_169, %swap3A_170] : memref<2048x384xi32, #tpu.memory_space<vmem>>, vector<256x384xi32>
    tpu.vector_store %arg5[%swap3A_169, %swap3A_170], %pack_elementwise3A_168 {strides = array<i32>} : memref<2048x384xi32, #tpu.memory_space<vmem>>, vector<256x384xi32>,
    %mul3A_172 = arith.constant 8 : i32
    %mul3A_173 = arith.muli %mul3A_172, %arg0 : i32
    %add3A_174 = arith.constant 7 : i32
    %add3A_175 = arith.addi %mul3A_173, %add3A_174 : i32
    %get3A_176 = arith.index_cast %add3A_175 : i32 to index
    %get3A_177 = memref.load %arg1[%get3A_176] : memref<24xi32, #tpu.memory_space<smem>>
    %slice3A_178 = vector.extract_strided_slice %concatenate3A {offsets = [1792, 0], sizes = [256, 768], strides = [1, 1]} : vector<2048x768xf32> to vector<256x768xf32>
    %get3A_179 = arith.index_cast %get3A_177 : i32 to index
    %get3A_180 = arith.constant 0 : index
    %get3A_181 = arith.constant 0 : index
    %get3A_182 = vector.load %arg3[%get3A_179, %get3A_180, %get3A_181] : memref<8x768x768xf32, #tpu.memory_space<vmem>>, vector<1x768x768xf32>
    %get3A_183 = vector.shape_cast %get3A_182 : vector<1x768x768xf32> to vector<768x768xf32>
    %dot_general3A_184 = arith.constant dense<0.000000e+00> : vector<256x768xf32>
    %dot_general3A_185 = tpu.matmul %slice3A_178, %get3A_183, %dot_general3A_184 {dimension_numbers = #tpu.dot_dimension_numbers<[1], [1], [0], [0], [0, 0, 1, 0], [], []>, transpose_lhs_hint = false} : vector<256x768xf32>, vector<768x768xf32>, vector<256x768xf32> -> vector<256x768xf32>
    %get3A_186 = arith.index_cast %get3A_177 : i32 to index
    %get3A_187 = arith.constant 0 : index
    %get3A_188 = vector.load %arg4[%get3A_186, %get3A_187] : memref<8x768xf32, #tpu.memory_space<vmem>>, vector<1x768xf32>
    %add3A_189 = vector.broadcast %get3A_188 : vector<1x768xf32> to vector<256x768xf32>
    %add3A_190 = arith.addf %dot_general3A_185, %add3A_189 : vector<256x768xf32>
    %slice3A_191 = vector.extract_strided_slice %add3A_190 {offsets = [0, 0], sizes = [256, 384], strides = [1, 1]} : vector<256x768xf32> to vector<256x384xf32>
    %slice3A_192 = vector.extract_strided_slice %add3A_190 {offsets = [0, 384], sizes = [256, 384], strides = [1, 1]} : vector<256x768xf32> to vector<256x384xf32>
    %pack_elementwise3A_193 = tpu.pack_elementwise %slice3A_191, %slice3A_192 {target_type = bf16} : vector<256x384xf32>, vector<256x384xf32> -> vector<256x384xi32>
    %swap3A_194 = arith.constant 1792 : index
    %swap3A_195 = arith.constant 0 : index
    %swap3A_196 = vector.load %arg5[%swap3A_194, %swap3A_195] : memref<2048x384xi32, #tpu.memory_space<vmem>>, vector<256x384xi32>
    tpu.vector_store %arg5[%swap3A_194, %swap3A_195], %pack_elementwise3A_193 {strides = array<i32>} : memref<2048x384xi32, #tpu.memory_space<vmem>>, vector<256x384xi32>,
    return
  }
  func.func @transform_0(%arg0: i32, %arg1: memref<24xi32, #tpu.memory_space<smem>>) -> (i32, i32) {
    %c0_i32 = arith.constant 0 : i32
    %c0_i32_0 = arith.constant 0 : i32
    return %arg0, %c0_i32 : i32, i32
  }
  func.func @transform_1(%arg0: i32, %arg1: memref<24xi32, #tpu.memory_space<smem>>) -> (i32, i32, i32) {
    %c0_i32 = arith.constant 0 : i32
    %c0_i32_0 = arith.constant 0 : i32
    %c0_i32_1 = arith.constant 0 : i32
    %c0_i32_2 = arith.constant 0 : i32
    return %c0_i32, %c0_i32_0, %c0_i32_1 : i32, i32, i32
  }
  func.func @transform_2(%arg0: i32, %arg1: memref<24xi32, #tpu.memory_space<smem>>) -> (i32, i32) {
    %c0_i32 = arith.constant 0 : i32
    %c0_i32_0 = arith.constant 0 : i32
    %c0_i32_1 = arith.constant 0 : i32
    return %c0_i32, %c0_i32_0 : i32, i32
  }
  func.func @transform_3(%arg0: i32, %arg1: memref<24xi32, #tpu.memory_space<smem>>) -> (i32, i32) {
    %c0_i32 = arith.constant 0 : i32
    %c0_i32_0 = arith.constant 0 : i32
    return %arg0, %c0_i32 : i32, i32
  }
}

module attributes {stable_mosaic.version = 14 : i64} {
  func.func @_route_body(%arg0: i32, %arg1: memref<512x768xf32, #tpu.memory_space<vmem>>, %arg2: memref<8x768xf32, #tpu.memory_space<vmem>>, %arg3: memref<512x384xi32, #tpu.memory_space<vmem>>, %arg4: memref<1x1x512xi32, #tpu.memory_space<vmem>>, %arg5: memref<1x1x512xi32, #tpu.memory_space<vmem>>, %arg6: memref<1x1x512xf32, #tpu.memory_space<vmem>>, %arg7: memref<1x1x512xf32, #tpu.memory_space<vmem>>, %arg8: memref<1x1x512xi32, #tpu.memory_space<vmem>>, %arg9: memref<1x1x512xi32, #tpu.memory_space<vmem>>, %arg10: memref<1x1x16xi32, #tpu.memory_space<vmem>>, %arg11: memref<16x1xf32, #tpu.memory_space<vmem>>) attributes {dimension_semantics = [#tpu.dimension_semantics<arbitrary>], iteration_bounds = array<i64: 4>, scalar_prefetch = 0 : i64, scratch_operands = 1 : i64, tpu.core_type = #tpu.core_type<tc>, window_params = [{transform_indices = @transform_0, window_bounds = array<i64: 512, 768>}, {pipeline_mode = #tpu.pipeline_mode<synchronous>, transform_indices = @transform_1, window_bounds = array<i64: 8, 768>}, {transform_indices = @transform_2, window_bounds = array<i64: 512, 384>}, {transform_indices = @transform_3, window_bounds = array<i64: 1, 1, 512>}, {transform_indices = @transform_4, window_bounds = array<i64: 1, 1, 512>}, {transform_indices = @transform_5, window_bounds = array<i64: 1, 1, 512>}, {transform_indices = @transform_6, window_bounds = array<i64: 1, 1, 512>}, {transform_indices = @transform_7, window_bounds = array<i64: 1, 1, 512>}, {transform_indices = @transform_8, window_bounds = array<i64: 1, 1, 512>}, {pipeline_mode = #tpu.pipeline_mode<synchronous>, transform_indices = @transform_9, window_bounds = array<i64: 1, 1, 16>}]} {
    %get3A = arith.constant 0 : index
    %get3A_0 = arith.constant 0 : index
    %get3A_1 = vector.load %arg1[%get3A, %get3A_0] : memref<512x768xf32, #tpu.memory_space<vmem>>, vector<512x768xf32>
    %slice3A = vector.extract_strided_slice %get3A_1 {offsets = [0, 0], sizes = [512, 384], strides = [1, 1]} : vector<512x768xf32> to vector<512x384xf32>
    %slice3A_2 = vector.extract_strided_slice %get3A_1 {offsets = [0, 384], sizes = [512, 384], strides = [1, 1]} : vector<512x768xf32> to vector<512x384xf32>
    %pack_elementwise3A = tpu.pack_elementwise %slice3A, %slice3A_2 {target_type = bf16} : vector<512x384xf32>, vector<512x384xf32> -> vector<512x384xi32>
    %swap3A = arith.constant 0 : index
    %swap3A_3 = arith.constant 0 : index
    %swap3A_4 = vector.load %arg3[%swap3A, %swap3A_3] : memref<512x384xi32, #tpu.memory_space<vmem>>, vector<512x384xi32>
    tpu.vector_store %arg3[%swap3A, %swap3A_3], %pack_elementwise3A {strides = array<i32>} : memref<512x384xi32, #tpu.memory_space<vmem>>, vector<512x384xi32>,
    %get3A_5 = arith.constant 0 : index
    %get3A_6 = arith.constant 0 : index
    %get3A_7 = vector.load %arg2[%get3A_5, %get3A_6] : memref<8x768xf32, #tpu.memory_space<vmem>>, vector<8x768xf32>
    %dot_general3A = arith.constant dense<0.000000e+00> : vector<8x512xf32>
    %dot_general3A_8 = tpu.matmul %get3A_7, %get3A_1, %dot_general3A {dimension_numbers = #tpu.dot_dimension_numbers<[1], [1], [0], [0], [0, 0, 1, 0], [], []>, transpose_lhs_hint = false} : vector<8x768xf32>, vector<512x768xf32>, vector<8x512xf32> -> vector<8x512xf32>
    %iota3A = tpu.iota {dimensions = array<i32: 0>} : vector<8x512xi32>
    %reduce_max3A = arith.constant dense<0xFF800000> : vector<512xf32>
    %reduce_max3A_9 = vector.multi_reduction <maximumf>, %dot_general3A_8, %reduce_max3A [0] : vector<8x512xf32> to vector<512xf32>
    %broadcast_in_dim3A = vector.shape_cast %reduce_max3A_9 : vector<512xf32> to vector<1x512xf32>
    %ge3A = vector.broadcast %broadcast_in_dim3A : vector<1x512xf32> to vector<8x512xf32>
    %ge3A_10 = arith.cmpf oge, %dot_general3A_8, %ge3A : vector<8x512xf32>
    %jit3A = arith.constant 8 : i32
    %broadcast_in_dim3A_11 = vector.broadcast %jit3A : i32 to vector<8x512xi32>
    %select_n3A = arith.select %ge3A_10, %iota3A, %broadcast_in_dim3A_11 : vector<8x512xi1>, vector<8x512xi32>
    %reduce_min3A = arith.constant dense<2147483647> : vector<512xi32>
    %reduce_min3A_12 = vector.multi_reduction <minsi>, %select_n3A, %reduce_min3A [0] : vector<8x512xi32> to vector<512xi32>
    %broadcast_in_dim3A_13 = vector.shape_cast %reduce_min3A_12 : vector<512xi32> to vector<1x512xi32>
    %eq3A = vector.broadcast %broadcast_in_dim3A_13 : vector<1x512xi32> to vector<8x512xi32>
    %eq3A_14 = arith.cmpi eq, %iota3A, %eq3A : vector<8x512xi32>
    %jit3A_15 = arith.constant 0xFF800000 : f32
    %broadcast_in_dim3A_16 = vector.broadcast %jit3A_15 : f32 to vector<8x512xf32>
    %select_n3A_17 = arith.select %eq3A_14, %broadcast_in_dim3A_16, %dot_general3A_8 : vector<8x512xi1>, vector<8x512xf32>
    %reduce_max3A_18 = arith.constant dense<0xFF800000> : vector<512xf32>
    %reduce_max3A_19 = vector.multi_reduction <maximumf>, %select_n3A_17, %reduce_max3A_18 [0] : vector<8x512xf32> to vector<512xf32>
    %broadcast_in_dim3A_20 = vector.shape_cast %reduce_max3A_19 : vector<512xf32> to vector<1x512xf32>
    %ge3A_21 = vector.broadcast %broadcast_in_dim3A_20 : vector<1x512xf32> to vector<8x512xf32>
    %ge3A_22 = arith.cmpf oge, %select_n3A_17, %ge3A_21 : vector<8x512xf32>
    %jit3A_23 = arith.constant 8 : i32
    %broadcast_in_dim3A_24 = vector.broadcast %jit3A_23 : i32 to vector<8x512xi32>
    %select_n3A_25 = arith.select %ge3A_22, %iota3A, %broadcast_in_dim3A_24 : vector<8x512xi1>, vector<8x512xi32>
    %reduce_min3A_26 = arith.constant dense<2147483647> : vector<512xi32>
    %reduce_min3A_27 = vector.multi_reduction <minsi>, %select_n3A_25, %reduce_min3A_26 [0] : vector<8x512xi32> to vector<512xi32>
    %broadcast_in_dim3A_28 = vector.shape_cast %reduce_min3A_27 : vector<512xi32> to vector<1x512xi32>
    %sub3A = arith.subf %broadcast_in_dim3A_20, %broadcast_in_dim3A : vector<1x512xf32>
    %exp3A = math.exp %sub3A : vector<1x512xf32>
    %add3A = arith.constant 1.000000e+00 : f32
    %add3A_29 = vector.broadcast %add3A : f32 to vector<1x512xf32>
    %add3A_30 = arith.addf %add3A_29, %exp3A : vector<1x512xf32>
    %div3A = arith.constant 1.000000e+00 : f32
    %div3A_31 = vector.broadcast %div3A : f32 to vector<1x512xf32>
    %div3A_32 = arith.divf %div3A_31, %add3A_30 : vector<1x512xf32>
    %sub3A_33 = arith.constant 1.000000e+00 : f32
    %sub3A_34 = vector.broadcast %sub3A_33 : f32 to vector<1x512xf32>
    %sub3A_35 = arith.subf %sub3A_34, %div3A_32 : vector<1x512xf32>
    %iota3A_36 = tpu.iota {dimensions = array<i32: 0>} : vector<16x512xi32>
    %eq3A_37 = vector.broadcast %broadcast_in_dim3A_13 : vector<1x512xi32> to vector<16x512xi32>
    %eq3A_38 = arith.cmpi eq, %iota3A_36, %eq3A_37 : vector<16x512xi32>
    %convert_element_type3A = arith.extui %eq3A_38 : vector<16x512xi1> to vector<16x512xi32>
    %convert_element_type3A_39 = arith.sitofp %convert_element_type3A : vector<16x512xi32> to vector<16x512xf32>
    %eq3A_40 = vector.broadcast %broadcast_in_dim3A_28 : vector<1x512xi32> to vector<16x512xi32>
    %eq3A_41 = arith.cmpi eq, %iota3A_36, %eq3A_40 : vector<16x512xi32>
    %convert_element_type3A_42 = arith.extui %eq3A_41 : vector<16x512xi1> to vector<16x512xi32>
    %convert_element_type3A_43 = arith.sitofp %convert_element_type3A_42 : vector<16x512xi32> to vector<16x512xf32>
    %add3A_44 = arith.addf %convert_element_type3A_39, %convert_element_type3A_43 : vector<16x512xf32>
    %iota3A_45 = tpu.iota {dimensions = array<i32: 0>} : vector<512x512xi32>
    %iota3A_46 = tpu.iota {dimensions = array<i32: 1>} : vector<512x512xi32>
    %lt3A = arith.cmpi slt, %iota3A_45, %iota3A_46 : vector<512x512xi32>
    %convert_element_type3A_47 = arith.extui %lt3A : vector<512x512xi1> to vector<512x512xi32>
    %convert_element_type3A_48 = arith.sitofp %convert_element_type3A_47 : vector<512x512xi32> to vector<512x512xf32>
    %dot_general3A_49 = arith.constant dense<0.000000e+00> : vector<16x512xf32>
    %dot_general3A_50 = tpu.matmul %add3A_44, %convert_element_type3A_48, %dot_general3A_49 {dimension_numbers = #tpu.dot_dimension_numbers<[1], [0], [0], [1], [0, 0, 1, 1], [], []>, transpose_lhs_hint = false} : vector<16x512xf32>, vector<512x512xf32>, vector<16x512xf32> -> vector<16x512xf32>
    %eq3A_51 = arith.constant 0 : i32
    %eq3A_52 = arith.cmpi eq, %arg0, %eq3A_51 : i32
    %convert_element_type3A_53 = arith.extui %eq3A_52 : i1 to i32
    %cond3A = arith.constant 0 : i32
    %cond3A_54 = arith.cmpi ne, %convert_element_type3A_53, %cond3A : i32
    scf.if %cond3A_54 {
      %broadcast_in_dim3A_126 = arith.constant 0.000000e+00 : f32
      %broadcast_in_dim3A_127 = vector.broadcast %broadcast_in_dim3A_126 : f32 to vector<16x1xf32>
      %swap3A_128 = arith.constant 0 : index
      %swap3A_129 = arith.constant 0 : index
      %swap3A_130 = vector.load %arg11[%swap3A_128, %swap3A_129] : memref<16x1xf32, #tpu.memory_space<vmem>>, vector<16x1xf32>
      tpu.vector_store %arg11[%swap3A_128, %swap3A_129], %broadcast_in_dim3A_127 {strides = array<i32>} : memref<16x1xf32, #tpu.memory_space<vmem>>, vector<16x1xf32>,
    } else {
    }
    %get3A_55 = arith.constant 0 : index
    %get3A_56 = arith.constant 0 : index
    %get3A_57 = vector.load %arg11[%get3A_55, %get3A_56] : memref<16x1xf32, #tpu.memory_space<vmem>>, vector<16x1xf32>
    %add3A_58 = vector.broadcast %get3A_57 : vector<16x1xf32> to vector<16x512xf32>
    %add3A_59 = arith.addf %add3A_58, %dot_general3A_50 : vector<16x512xf32>
    %mul3A = arith.mulf %convert_element_type3A_39, %add3A_59 : vector<16x512xf32>
    %reduce_sum3A = arith.constant dense<0.000000e+00> : vector<512xf32>
    %reduce_sum3A_60 = vector.multi_reduction <add>, %mul3A, %reduce_sum3A [0] : vector<16x512xf32> to vector<512xf32>
    %broadcast_in_dim3A_61 = vector.shape_cast %reduce_sum3A_60 : vector<512xf32> to vector<1x512xf32>
    %add3A_62 = vector.broadcast %get3A_57 : vector<16x1xf32> to vector<16x512xf32>
    %add3A_63 = arith.addf %add3A_62, %dot_general3A_50 : vector<16x512xf32>
    %mul3A_64 = arith.mulf %convert_element_type3A_43, %add3A_63 : vector<16x512xf32>
    %reduce_sum3A_65 = arith.constant dense<0.000000e+00> : vector<512xf32>
    %reduce_sum3A_66 = vector.multi_reduction <add>, %mul3A_64, %reduce_sum3A_65 [0] : vector<16x512xf32> to vector<512xf32>
    %broadcast_in_dim3A_67 = vector.shape_cast %reduce_sum3A_66 : vector<512xf32> to vector<1x512xf32>
    %reduce_sum3A_68 = arith.constant dense<0.000000e+00> : vector<16xf32>
    %reduce_sum3A_69 = vector.multi_reduction <add>, %add3A_44, %reduce_sum3A_68 [1] : vector<16x512xf32> to vector<16xf32>
    %broadcast_in_dim3A_70 = vector.shape_cast %reduce_sum3A_69 : vector<16xf32> to vector<16x1xf32>
    %add3A_71 = arith.addf %get3A_57, %broadcast_in_dim3A_70 : vector<16x1xf32>
    %swap3A_72 = arith.constant 0 : index
    %swap3A_73 = arith.constant 0 : index
    %swap3A_74 = vector.load %arg11[%swap3A_72, %swap3A_73] : memref<16x1xf32, #tpu.memory_space<vmem>>, vector<16x1xf32>
    tpu.vector_store %arg11[%swap3A_72, %swap3A_73], %add3A_71 {strides = array<i32>} : memref<16x1xf32, #tpu.memory_space<vmem>>, vector<16x1xf32>,
    %reshape3A = vector.shape_cast %broadcast_in_dim3A_13 : vector<1x512xi32> to vector<1x1x512xi32>
    %swap3A_75 = arith.constant 0 : index
    %swap3A_76 = arith.constant 0 : index
    %swap3A_77 = arith.constant 0 : index
    %swap3A_78 = vector.load %arg4[%swap3A_75, %swap3A_76, %swap3A_77] : memref<1x1x512xi32, #tpu.memory_space<vmem>>, vector<1x1x512xi32>
    tpu.vector_store %arg4[%swap3A_75, %swap3A_76, %swap3A_77], %reshape3A {strides = array<i32>} : memref<1x1x512xi32, #tpu.memory_space<vmem>>, vector<1x1x512xi32>,
    %reshape3A_79 = vector.shape_cast %broadcast_in_dim3A_28 : vector<1x512xi32> to vector<1x1x512xi32>
    %swap3A_80 = arith.constant 0 : index
    %swap3A_81 = arith.constant 0 : index
    %swap3A_82 = arith.constant 0 : index
    %swap3A_83 = vector.load %arg5[%swap3A_80, %swap3A_81, %swap3A_82] : memref<1x1x512xi32, #tpu.memory_space<vmem>>, vector<1x1x512xi32>
    tpu.vector_store %arg5[%swap3A_80, %swap3A_81, %swap3A_82], %reshape3A_79 {strides = array<i32>} : memref<1x1x512xi32, #tpu.memory_space<vmem>>, vector<1x1x512xi32>,
    %reshape3A_84 = vector.shape_cast %div3A_32 : vector<1x512xf32> to vector<1x1x512xf32>
    %swap3A_85 = arith.constant 0 : index
    %swap3A_86 = arith.constant 0 : index
    %swap3A_87 = arith.constant 0 : index
    %swap3A_88 = vector.load %arg6[%swap3A_85, %swap3A_86, %swap3A_87] : memref<1x1x512xf32, #tpu.memory_space<vmem>>, vector<1x1x512xf32>
    tpu.vector_store %arg6[%swap3A_85, %swap3A_86, %swap3A_87], %reshape3A_84 {strides = array<i32>} : memref<1x1x512xf32, #tpu.memory_space<vmem>>, vector<1x1x512xf32>,
    %reshape3A_89 = vector.shape_cast %sub3A_35 : vector<1x512xf32> to vector<1x1x512xf32>
    %swap3A_90 = arith.constant 0 : index
    %swap3A_91 = arith.constant 0 : index
    %swap3A_92 = arith.constant 0 : index
    %swap3A_93 = vector.load %arg7[%swap3A_90, %swap3A_91, %swap3A_92] : memref<1x1x512xf32, #tpu.memory_space<vmem>>, vector<1x1x512xf32>
    tpu.vector_store %arg7[%swap3A_90, %swap3A_91, %swap3A_92], %reshape3A_89 {strides = array<i32>} : memref<1x1x512xf32, #tpu.memory_space<vmem>>, vector<1x1x512xf32>,
    %convert_element_type3A_94 = arith.fptosi %broadcast_in_dim3A_61 : vector<1x512xf32> to vector<1x512xi32>
    %reshape3A_95 = vector.shape_cast %convert_element_type3A_94 : vector<1x512xi32> to vector<1x1x512xi32>
    %swap3A_96 = arith.constant 0 : index
    %swap3A_97 = arith.constant 0 : index
    %swap3A_98 = arith.constant 0 : index
    %swap3A_99 = vector.load %arg8[%swap3A_96, %swap3A_97, %swap3A_98] : memref<1x1x512xi32, #tpu.memory_space<vmem>>, vector<1x1x512xi32>
    tpu.vector_store %arg8[%swap3A_96, %swap3A_97, %swap3A_98], %reshape3A_95 {strides = array<i32>} : memref<1x1x512xi32, #tpu.memory_space<vmem>>, vector<1x1x512xi32>,
    %convert_element_type3A_100 = arith.fptosi %broadcast_in_dim3A_67 : vector<1x512xf32> to vector<1x512xi32>
    %reshape3A_101 = vector.shape_cast %convert_element_type3A_100 : vector<1x512xi32> to vector<1x1x512xi32>
    %swap3A_102 = arith.constant 0 : index
    %swap3A_103 = arith.constant 0 : index
    %swap3A_104 = arith.constant 0 : index
    %swap3A_105 = vector.load %arg9[%swap3A_102, %swap3A_103, %swap3A_104] : memref<1x1x512xi32, #tpu.memory_space<vmem>>, vector<1x1x512xi32>
    tpu.vector_store %arg9[%swap3A_102, %swap3A_103, %swap3A_104], %reshape3A_101 {strides = array<i32>} : memref<1x1x512xi32, #tpu.memory_space<vmem>>, vector<1x1x512xi32>,
    %broadcast_in_dim3A_106 = arith.constant 1.000000e+00 : f32
    %broadcast_in_dim3A_107 = vector.broadcast %broadcast_in_dim3A_106 : f32 to vector<1x512xf32>
    %dot_general3A_108 = arith.constant dense<0.000000e+00> : vector<1x16xf32>
    %dot_general3A_109 = tpu.matmul %broadcast_in_dim3A_107, %add3A_44, %dot_general3A_108 {dimension_numbers = #tpu.dot_dimension_numbers<[1], [1], [0], [0], [0, 0, 1, 0], [], []>, transpose_lhs_hint = false} : vector<1x512xf32>, vector<16x512xf32>, vector<1x16xf32> -> vector<1x16xf32>
    %eq3A_110 = arith.constant 0 : i32
    %eq3A_111 = arith.cmpi eq, %arg0, %eq3A_110 : i32
    %convert_element_type3A_112 = arith.extui %eq3A_111 : i1 to i32
    %cond3A_113 = arith.constant 0 : i32
    %cond3A_114 = arith.cmpi ne, %convert_element_type3A_112, %cond3A_113 : i32
    scf.if %cond3A_114 {
      %broadcast_in_dim3A_126 = arith.constant 0 : i32
      %broadcast_in_dim3A_127 = vector.broadcast %broadcast_in_dim3A_126 : i32 to vector<1x1x16xi32>
      %swap3A_128 = arith.constant 0 : index
      %swap3A_129 = arith.constant 0 : index
      %swap3A_130 = arith.constant 0 : index
      %swap3A_131 = vector.load %arg10[%swap3A_128, %swap3A_129, %swap3A_130] : memref<1x1x16xi32, #tpu.memory_space<vmem>>, vector<1x1x16xi32>
      tpu.vector_store %arg10[%swap3A_128, %swap3A_129, %swap3A_130], %broadcast_in_dim3A_127 {strides = array<i32>} : memref<1x1x16xi32, #tpu.memory_space<vmem>>, vector<1x1x16xi32>,
    } else {
    }
    %get3A_115 = arith.constant 0 : index
    %get3A_116 = arith.constant 0 : index
    %get3A_117 = arith.constant 0 : index
    %get3A_118 = vector.load %arg10[%get3A_115, %get3A_116, %get3A_117] : memref<1x1x16xi32, #tpu.memory_space<vmem>>, vector<1x1x16xi32>
    %convert_element_type3A_119 = arith.fptosi %dot_general3A_109 : vector<1x16xf32> to vector<1x16xi32>
    %reshape3A_120 = vector.shape_cast %convert_element_type3A_119 : vector<1x16xi32> to vector<1x1x16xi32>
    %add3A_121 = arith.addi %get3A_118, %reshape3A_120 : vector<1x1x16xi32>
    %swap3A_122 = arith.constant 0 : index
    %swap3A_123 = arith.constant 0 : index
    %swap3A_124 = arith.constant 0 : index
    %swap3A_125 = vector.load %arg10[%swap3A_122, %swap3A_123, %swap3A_124] : memref<1x1x16xi32, #tpu.memory_space<vmem>>, vector<1x1x16xi32>
    tpu.vector_store %arg10[%swap3A_122, %swap3A_123, %swap3A_124], %add3A_121 {strides = array<i32>} : memref<1x1x16xi32, #tpu.memory_space<vmem>>, vector<1x1x16xi32>,
    return
  }
  func.func @transform_0(%arg0: i32) -> (i32, i32) {
    %c0_i32 = arith.constant 0 : i32
    %c0_i32_0 = arith.constant 0 : i32
    return %arg0, %c0_i32 : i32, i32
  }
  func.func @transform_1(%arg0: i32) -> (i32, i32) {
    %c0_i32 = arith.constant 0 : i32
    %c0_i32_0 = arith.constant 0 : i32
    %c0_i32_1 = arith.constant 0 : i32
    return %c0_i32, %c0_i32_0 : i32, i32
  }
  func.func @transform_2(%arg0: i32) -> (i32, i32) {
    %c0_i32 = arith.constant 0 : i32
    %c0_i32_0 = arith.constant 0 : i32
    return %arg0, %c0_i32 : i32, i32
  }
  func.func @transform_3(%arg0: i32) -> (i32, i32, i32) {
    %c0_i32 = arith.constant 0 : i32
    %c0_i32_0 = arith.constant 0 : i32
    %c0_i32_1 = arith.constant 0 : i32
    return %arg0, %c0_i32, %c0_i32_0 : i32, i32, i32
  }
  func.func @transform_4(%arg0: i32) -> (i32, i32, i32) {
    %c0_i32 = arith.constant 0 : i32
    %c0_i32_0 = arith.constant 0 : i32
    %c0_i32_1 = arith.constant 0 : i32
    return %arg0, %c0_i32, %c0_i32_0 : i32, i32, i32
  }
  func.func @transform_5(%arg0: i32) -> (i32, i32, i32) {
    %c0_i32 = arith.constant 0 : i32
    %c0_i32_0 = arith.constant 0 : i32
    %c0_i32_1 = arith.constant 0 : i32
    return %arg0, %c0_i32, %c0_i32_0 : i32, i32, i32
  }
  func.func @transform_6(%arg0: i32) -> (i32, i32, i32) {
    %c0_i32 = arith.constant 0 : i32
    %c0_i32_0 = arith.constant 0 : i32
    %c0_i32_1 = arith.constant 0 : i32
    return %arg0, %c0_i32, %c0_i32_0 : i32, i32, i32
  }
  func.func @transform_7(%arg0: i32) -> (i32, i32, i32) {
    %c0_i32 = arith.constant 0 : i32
    %c0_i32_0 = arith.constant 0 : i32
    %c0_i32_1 = arith.constant 0 : i32
    return %arg0, %c0_i32, %c0_i32_0 : i32, i32, i32
  }
  func.func @transform_8(%arg0: i32) -> (i32, i32, i32) {
    %c0_i32 = arith.constant 0 : i32
    %c0_i32_0 = arith.constant 0 : i32
    %c0_i32_1 = arith.constant 0 : i32
    return %arg0, %c0_i32, %c0_i32_0 : i32, i32, i32
  }
  func.func @transform_9(%arg0: i32) -> (i32, i32, i32) {
    %c0_i32 = arith.constant 0 : i32
    %c0_i32_0 = arith.constant 0 : i32
    %c0_i32_1 = arith.constant 0 : i32
    %c0_i32_2 = arith.constant 0 : i32
    return %c0_i32, %c0_i32_0, %c0_i32_1 : i32, i32, i32
  }
}

</mosaic_0001>

<sc_bundles>
// kernel: _moe.6.cloned.1.call-start
scs
__scs_entry_jumppad:
0x0: {  	(pc) =	sbr.rel $0x88, $3  }
0x1: {  	(tag) =	ssettag $0x0;
	lr =	simm.s32 $0x1  }
0x2: {  	[smem:$0x3F9D] =	sst lr;
	_ =	strace $0xD0000000  }
0x3: {  	_ = 	snop  }
0x4: {  	_ = 	snop  }
0x5: {  	_ = 	snop  }
0x6: {  	_ = 	snop  }
0x7: {  	_ = 	snop  }
__scs_overlays_trampoline_lowered:
0x8: {  	[smem:$0x3FAC] =	sst s0  }
0x9: {  	[smem:$0x3FAD] =	sst s1  }
0xa: {  	[smem:$0x3FAE] =	sst s2  }
0xb: {  	[smem:$0x3FAF] =	sst s3  }
0xc: {  	[smem:$0x3FB0] =	sst s4  }
0xd: {  	[smem:$0x3FB1] =	sst s5  }
0xe: {  	[smem:$0x3FB2] =	sst s6  }
0xf: {  	[smem:$0x3FB3] =	sst s7  }
0x10: {  	[smem:$0x3FB4] =	sst s8  }
0x11: {  	[smem:$0x3FB5] =	sst s9;
	s0 =	simm.s32 @!p0 $0x0  }
0x12: {  	s1 =	sld [smem:$0x3F9B];
	s0 =	simm.s32 @p0 $0x1  }
0x13: {  	[smem:$0x3FB6] =	sst s0;
	s0 =	simm.s32 @!p1 $0x0  }
0x14: {  	s2 =	sld [smem:$0x3F9A];
	s0 =	simm.s32 @p1 $0x1  }
0x15: {  	[smem:$0x3FB7] =	sst s0;
	s0 =	simm.s32 @!p2 $0x0  }
0x16: {  	s3 =	sld [smem:$0x3FDB];
	s0 =	simm.s32 @p2 $0x1  }
0x17: {  	s4 =	simm.s32 $0x1BF5;
	[smem:$0x3FB9] =	sst s0  }
0x18: {  	s0 =	sld [smem:$0x3F9C];
	_ =	swait.ge [sflag:s4], $0x0  }
0x19: {  	s7 =	sld [smem:$0x3F9D]  }
0x1a: {  	s8 =	sadd.s32 $0xFFFFE003, lr  }
0x1b: {  	s9 =	sadd.s32 $0xFFFFFEF7, lr;
	s5 =	simm.s32 $0xFFFFFFFF;
	p2 =	slt.u32 s8, $0xFFFFF086  }
0x1c: {  	p1 =	slt.u32 s9, $0xF7A;
	s5 =	simm.s32 @!p2 $0x0  }
0x1d: {  	s5 =	simm.s32 @p1 $0x1;
	p0 =	seq.s32 s7, s2  }
0x1e: {  	s7 =	smul.u32 @!p0 $0xF7A, s2;
	p2 =	seq.s32 @!p0 s5, $0x0  }
0x1f: {  	s9 =	smul.u32 $0xF7A, s1;
	s8 =	simm.s32 @!p0 $0x1BF5;
	p2 =	por !p2, p0  }
0x20: {  	[sflag:s8] =	ssyncset.s32 @!p0 $0xFFFFF086;
	s6 =	sadd.s32 @!p0 s3, s7;
	s7 =	simm.s32 @!p0 $0x108  }
0x21: {  	s3 =	sadd.s32 s3, s9;
	s6 =	sadd.s32 @!p0 $0x88, s6;
	s7 =	simm.s32 @p2 $0x1082  }
0x22: {  	[simem:s7], [sflag:s8] =	dma.local @!p0 [hbm:s6], $0xF7A  }
0x23: {  	s9 =	sor.u32 $0xD0000000, s2;
	s6 =	simm.s32 $0x108;
	_ =	swait.ge @!p0 [sflag:s8], $0x0  }
0x24: {  	s3 =	sadd.s32 $0x88, s3;
	s6 =	simm.s32 @!p1 $0x1082;
	[sflag:s4] =	ssyncset.s32 $0xFFFFF086  }
0x25: {  	[simem:s6], [sflag:s4] =	dma.local [hbm:s3], $0xF7A  }
0x26: {  	[smem:$0x3F9D] =	sst s1;
	(tag) =	ssettag s2;
	_ =	strace s9  }
0x27: {  	s1 =	sld [smem:$0x3FAD]  }
0x28: {  	s2 =	sld [smem:$0x3FAE]  }
0x29: {  	s4 =	sld [smem:$0x3FB0]  }
0x2a: {  	p0 =	seq.s32 s5, $0x0;
	s5 =	sld [smem:$0x3FB1]  }
0x2b: {  	s6 =	sld [smem:$0x3FB2]  }
0x2c: {  	s7 =	sld [smem:$0x3FB3]  }
0x2d: {  	s3 =	simm.s32 $0x108;
	s8 =	sld [smem:$0x3FB4]  }
0x2e: {  	s3 =	simm.s32 @!p0 $0x1082;
	s9 =	sld [smem:$0x3FB5]  }
0x2f: {  	lr =	sadd.s32 s0, s3;
	s0 =	sld [smem:$0x3FAC]  }
0x30: {  	s3 =	sld [smem:$0x3FAF]  }
0x31: {  	[smem:$0x3FB8] =	sst s10  }
0x32: {  	s10 =	sld [smem:$0x3FB6];
	_ =	sdelay $0x3  }
0x33: {  	p0 =	seq.s32 s10, $0x1;
	s10 =	sld [smem:$0x3FB8];
	_ =	sdelay $0x3  }
0x34: {  	[smem:$0x3FB8] =	sst s10  }
0x35: {  	s10 =	sld [smem:$0x3FB7];
	_ =	sdelay $0x3  }
0x36: {  	p1 =	seq.s32 s10, $0x1;
	s10 =	sld [smem:$0x3FB8];
	_ =	sdelay $0x3  }
0x37: {  	[smem:$0x3FB8] =	sst s10  }
0x38: {  	s10 =	sld [smem:$0x3FB9]  }
0x39: {  	_ = 	snop;
	(pc) =	sbr.ind lr, $3  }
0x3a: {  	_ = 	snop  }
0x3b: {  	_ = 	snop  }
0x3c: {  	p2 =	seq.s32 s10, $0x1;
	s10 =	sld [smem:$0x3FB8]  }
0x3d: {  	_ =	shalt  }
0x3e: {  	_ =	shalt  }
0x3f: {  	_ =	shalt  }
0x40: {  	_ =	shalt  }
0x41: {  	_ =	shalt  }
0x42: {  	_ =	shalt  }
0x43: {  	_ =	shalt  }
0x44: {  	_ =	shalt  }
0x45: {  	_ =	shalt  }
0x46: {  	_ =	shalt  }
0x47: {  	_ =	shalt  }
0x48: {  	_ =	shalt  }
0x49: {  	_ =	shalt  }
0x4a: {  	_ =	shalt  }
0x4b: {  	_ =	shalt  }
0x4c: {  	_ =	shalt  }
0x4d: {  	_ =	shalt  }
0x4e: {  	_ =	shalt  }
0x4f: {  	_ =	shalt  }
0x50: {  	_ =	shalt  }
0x51: {  	_ =	shalt  }
0x52: {  	_ =	shalt  }
0x53: {  	_ =	shalt  }
0x54: {  	_ =	shalt  }
0x55: {  	_ =	shalt  }
0x56: {  	_ =	shalt  }
0x57: {  	_ =	shalt  }
0x58: {  	_ =	shalt  }
0x59: {  	_ =	shalt  }
0x5a: {  	_ =	shalt  }
0x5b: {  	_ =	shalt  }
0x5c: {  	_ =	shalt  }
0x5d: {  	_ =	shalt  }
0x5e: {  	_ =	shalt  }
0x5f: {  	_ =	shalt  }
0x60: {  	_ =	shalt  }
0x61: {  	_ =	shalt  }
0x62: {  	_ =	shalt  }
0x63: {  	_ =	shalt  }
0x64: {  	_ =	shalt  }
0x65: {  	_ =	shalt  }
0x66: {  	_ =	shalt  }
0x67: {  	_ =	shalt  }
0x68: {  	_ =	shalt  }
0x69: {  	_ =	shalt  }
0x6a: {  	_ =	shalt  }
0x6b: {  	_ =	shalt  }
0x6c: {  	_ =	shalt  }
0x6d: {  	_ =	shalt  }
0x6e: {  	_ =	shalt  }
0x6f: {  	_ =	shalt  }
0x70: {  	_ =	shalt  }
0x71: {  	_ =	shalt  }
0x72: {  	_ =	shalt  }
0x73: {  	_ =	shalt  }
0x74: {  	_ =	shalt  }
0x75: {  	_ =	shalt  }
0x76: {  	_ =	shalt  }
0x77: {  	_ =	shalt  }
0x78: {  	_ =	shalt  }
0x79: {  	_ =	shalt  }
0x7a: {  	_ =	shalt  }
0x7b: {  	_ =	shalt  }
0x7c: {  	_ =	shalt  }
0x7d: {  	_ =	shalt  }
0x7e: {  	_ =	shalt  }
0x7f: {  	_ =	shalt  }
0x80: {  	_ =	shalt  }
0x81: {  	_ =	shalt  }
0x82: {  	_ =	shalt  }
0x83: {  	_ =	shalt  }
0x84: {  	_ =	shalt  }
0x85: {  	_ =	shalt  }
0x86: {  	_ =	shalt  }
0x87: {  	_ =	shalt  }
.Lfunc_end0:
.L_simem_size_0:
called_computation_lowered:
.L_overlay_start_0:
0x88: {  	s2 =	sld [smem:$0x3FD9]  }
0x89: {  	s3 =	sld [smem:$0x3FFE];
	_ =	sdelay $0x1  }
0x8a: {  	s1 =	srdreg.scid  }
0x8b: {  	s0 =	sand.u32 $0x1, s1  }
0x8c: {  	s17 =	sshll.u32 s0, $0xA;
	s2 =	sadd.s32 s3, s2  }
0x8d: {  	s2 =	sadd.s32 s2, s17  }
0x8e: {  	[smem:$0x3FC4] =	sst s2  }
0x8f: {  	_ = 	snop  }
0x90: {  	s2 =	sld [smem:$0x3FD0];
	(tm) =	ssettm $0x1  }
0x91: {  	s18 =	sld [smem:$0x3FFB];
	_ =	sdelay $0x3  }
0x92: {  	_ =	strace s18  }
0x93: {  	s3 =	sld [smem:$0x3FFC];
	_ =	sdelay $0x3  }
0x94: {  	_ =	strace s3  }
0x95: {  	s3 =	sld [smem:$0x3FFD];
	_ =	sdelay $0x3  }
0x96: {  	_ =	strace s3  }
0x97: {  	_ =	strace $0x8FFFFFFF  }
0x98: {  	s19 =	sld [smem:$0x3FDB];
	_ =	sdelay $0x1  }
0x99: {  	s4 =	simm.s32 $_scs_section_size  }
0x9a: {  	s5 =	simm.s32 $_size__tile_overlayer_lowered;
	s6 =	simm.s32 $_tile_overlayer_lowered  }
0x9b: {  	s22 =	simm.s32 $0x1BFF;
	s21 =	sshll.u32 s6, $0x1;
	s3 =	sadd.s32 s4, s19  }
0x9c: {  	s7 =	simm.s32 $0x0;
	s20 =	sshll.u32 s5, $0x1;
	s5 =	sadd.s32 s21, s3  }
0x9d: {  	[timem:s7], [sflag:s22] =	dma.local [hbm:s5], s20  }
0x9e: {  	_ =	swait.ge [sflag:s22], s20  }
0x9f: {  	s4 =	ssub.s32 $0x0, s20;
	[sflag:s22] =	ssyncset.done $0x0  }
0xa0: {  	[sflag:s22] =	ssyncadd.s32 s4;
	_ =	sdelay $0x1  }
0xa1: {  	s23 =	simm.s32 $0x1B8B  }
0xa2: {  	_ =	swait.ge [sflag:s23], $0x1  }
0xa3: {  	[sflag:s23] =	ssyncset.done $0x0  }
0xa4: {  	s25 =	simm.s32 $0x1B8E;
	s24 =	sld [smem:$0x3FFE];
	[sflag:s23] =	ssyncadd.s32 $0xFFFFFFFF  }
0xa5: {  	s26 =	simm.s32 $execute0_lowered;
	[smem:$0x3FD2] =	sst s25  }
0xa6: {  	s5 =	sshll.u32 s26, $0x1;
	_ =	strace $0x80000046;
	[dreg:$0x1] =	wrdreg $0xFFFFFFFF  }
0xa7: {  	s28 =	simm.s32 $_size_execute0_lowered;
	s3 =	sadd.s32 s3, s5;
	[dreg:$0x0] =	wrdreg $0x0  }
0xa8: {  	s5 =	sshll.u32 s28, $0x1;
	[dreg:$0x2] =	wrdreg s3  }
0xa9: {  	[dreg:$0x3] =	wrdreg s5  }
0xaa: {  	[dreg:$0x4] =	wrdreg $0xC0  }
0xab: {  	_ =	task [dreg:s7], $0x5FFFF  }
0xac: {  	[dreg:$0x1] =	wrdreg $0xFFFFFFFF  }
0xad: {  	[dreg:$0x0] =	wrdreg $0x60  }
0xae: {  	[dreg:$0x2] =	wrdreg s2  }
0xaf: {  	[dreg:$0x3] =	wrdreg s24  }
0xb0: {  	[dreg:$0x4] =	wrdreg $0x9  }
0xb1: {  	_ =	task.clear_ibuf [dreg:s7], $0x5FFFF;
	_ =	strace $0x90000046  }
0xb2: {  	s29 =	simm.s32 $0x9;
	_ =	strace $0x80000048  }
0xb3: {  	_ =	swait.ge [sflag:s29], $0x1  }
0xb4: {  	[sflag:s29] =	ssyncadd.s32 $0xFFFFFFFF  }
0xb5: {  	_ =	strace $0x90000048  }
0xb6: {  	_ =	sfence  }
0xb7: {  	s30 =	sld [smem:$0x0];
	_ =	sdelay $0x2  }
0xb8: {  	s31 =	sshll.u32 s1, $0xD;
	s1 =	sshrl.u32 s1, $0x2  }
0xb9: {  	s3 =	sand.u32 $0x4000, s31;
	s1 =	sadd.s32 s1, s30  }
0xba: {  	s0 =	sor.u32 s3, s0;
	s1 =	sshll.u32 s1, $0x11  }
0xbb: {  	s0 =	sor.u32 s1, s0  }
0xbc: {  	s0 =	sadd.s32 $0x8F2B, s0  }
0xbd: {  	[sflag:s0] =	ssyncadd.remote.s32 $0x1  }
0xbe: {  	_ =	sfence.sel $0xFFFF  }
0xbf: {  	[dreg:$0x0] =	wrdreg $0xFFFFFFFF;
	(pc) =	sbr.abs _section_cstart, $3  }
0xc0: {  	[dreg:$0x1] =	wrdreg $0xFFFFFFFF  }
0xc1: {  	_ =	task.clear_ibuf [dreg:s7], $0x2FFFF;
	_ =	strace $0x9FFFFFFF  }
0xc2: {  	(tm) =	ssettm $0x7FFFFFFF  }
0xc3: {  	_ =	shalt  }
tec
execute0_lowered:
.L_overlay_start_1:
0x0: {  	(tag) =	ssettag $0x1  }
0x1: {  	s3 =	rddreg [dreg:$0x0]  }
0x2: {  	s4 =	rddreg [dreg:$0x1]  }
0x3: {  	s5 =	srdreg.scid;
	s1 =	stileid.u32;
	s2 =	simm.s32 $0x0  }
0x4: {  	s26 =	simm.s32 $0x80;
	s29 =	simm.s32 $0x100;
	s30 =	simm.s32 $0x180  }
0x5: {  	s31 =	simm.s32 $0x200;
	s10 =	simm.s32 $0x3;
	s11 =	simm.s32 $0x380  }
0x6: {  	s12 =	simm.s32 $0x2;
	s13 =	simm.s32 $0xD00;
	s14 =	simm.s32 $0x1100  }
0x7: {  	s15 =	simm.s32 $0x1900;
	[smem:$0x7FF] =	sst s2;
	s7 =	sadd.s32 $0x3200, s4  }
0x8: {  	s9 =	sadd.s32 $0x4B800, s4;
	_ =	strace $0x80000047;
	[dreg:$0x3] =	wrdreg s7  }
0x9: {  	s16 =	simm.s32 $0x1D00;
	s17 =	simm.s32 $0x2500;
	[dreg:$0x4] =	wrdreg s9  }
0xa: {  	s18 =	simm.s32 $0x2900;
	s28 =	simm.s32 $0x6100;
	[dreg:$0xc] =	wrdreg s26  }
0xb: {  	s5 =	sand.u32 $0x1, s5;
	s6 =	sshll.u32 s1, $0x1;
	[dreg:$0xd] =	wrdreg s29  }
0xc: {  	s6 =	sor.u32 s5, s6;
	s5 =	ssub.s32 $0x2, s5;
	[dreg:$0xe] =	wrdreg s30  }
0xd: {  	[dreg:$0xf] =	wrdreg s31;
	s9 =	simm.s32 $0x300;
	s8 =	smul.u32 $0xC00, s6  }
0xe: {  	s26 =	simm.s32 $0x5900;
	s19 =	sshll.u32 s6, $0x3;
	s25 =	sshrl.u32 s5, $0x1  }
0xf: {  	p0 =	sne.s32 s6, $0x0;
	s7 =	sadd.s32 s19, s4;
	s3 =	sadd.s32 s3, s8  }
0x10: {  	s6 =	simm.s32 $0x500;
	s20 =	sadd.s32 $0x2A00, s7;
	[dreg:$0x5] =	wrdreg s3  }
0x11: {  	s5 =	ssub.s32 s5, s25;
	s21 =	sadd.s32 $0x2C00, s7;
	[dreg:$0x6] =	wrdreg s20  }
0x12: {  	s19 =	simm.s32 $0x3100;
	s22 =	sadd.s32 $0x2E00, s7;
	[dreg:$0x7] =	wrdreg s21  }
0x13: {  	s25 =	simm.s32 $0x5500;
	s23 =	sadd.s32 $0x3000, s7;
	[dreg:$0x8] =	wrdreg s22  }
0x14: {  	s24 =	sadd.s32 $0x4BA00, s7;
	s7 =	sadd.s32 $0x4BC00, s7;
	[dreg:$0x9] =	wrdreg s23  }
0x15: {  	s5 =	smax.u32 s5, $0x1;
	s8 =	simm.s32 $0x280;
	[dreg:$0xa] =	wrdreg s24  }
0x16: {  	v2 =	vlaneseq.u32;
	vm1 =	vmmov $0xffff;
	s3 =	sadd.s32 $0x3800, s4;
	[dreg:$0xb] =	wrdreg s7;
	s4 =	sadd.s32 $0x3900, s4  }
0x17: {  	vm2 =	vmmov $0xff;
	v1 =	vshrl.u32 v2, $0x3;
	v0 =	vand.u32 $0x7, v2;
	s7 =	simm.s32 $0x1;
	s20 =	simm.s32 $0x3500;
	s21 =	simm.s32 $0x3D00  }
0x18: {  	v2 =	vor.u32 $0x8, v2;
	v1 =	vmul.u32 $0x8, v1;
	vm0 =	vcmask @!p0 $0x1F04;
	s22 =	simm.s32 $0x4100;
	s23 =	simm.s32 $0x4900;
	s24 =	simm.s32 $0x4D00  }
.LBB2_1:
0x19: {  	s29 =	rddreg [dreg:$0x5]  }
0x1a: {  	s30 =	rddreg [dreg:$0x6]  }
0x1b: {  	s31 =	rddreg [dreg:$0x8]  }
0x1c: {  	s0 =	rddreg [dreg:$0xd]  }
0x1d: {  	[tilespmem:s6], [sflag:$0x2] =	stream.linear.gather [hbm4b:s29+s2], $0x6000, $0x38;
	[tilespmem:$0x6500] =	vst v63  }
0x1e: {  	s29 =	rddreg [dreg:$0x7]  }
0x1f: {  	[tilespmem:s2], [sflag:$0x1] =	stream.linear.gather [hbm4b:s30+s2], $0x40, $0x38;
	[tilespmem:$0x6500] =	vst v63  }
0x20: {  	s30 =	rddreg [dreg:$0xc]  }
0x21: {  	[tilespmem:s30], [sflag:$0x1] =	stream.linear.gather [hbm4b:s29+s2], $0x40, $0x38;
	[tilespmem:$0x6500] =	vst v63  }
0x22: {  	s29 =	rddreg [dreg:$0xe]  }
0x23: {  	s30 =	rddreg [dreg:$0x3]  }
0x24: {  	[tilespmem:s0], [sflag:$0x1] =	stream.linear.gather [hbm4b:s31+s2], $0x40, $0x38;
	[tilespmem:$0x6500] =	vst v63  }
0x25: {  	s0 =	rddreg [dreg:$0x9]  }
0x26: {  	[tilespmem:s29], [sflag:$0x1] =	stream.linear.gather [hbm4b:s0+s2], $0x40, $0x38;
	[tilespmem:$0x6500] =	vst v63  }
0x27: {  	s31 =	rddreg [dreg:$0xf]  }
0x28: {  	[tilespmem:s31], [sflag:$0x1] =	stream.linear.gather [hbm4b:s30+s2], $0x80, $0x38;
	[tilespmem:$0x6500] =	vst v63  }
0x29: {  	_ =	swait.ge [sflag:s7], $0x40  }
0x2a: {  	[sflag:s7] =	ssyncset.done $0x0  }
0x2b: {  	[sflag:s7] =	ssyncadd.s32 $0xFFFFFFC0  }
0x2c: {  	_ =	swait.ge [sflag:s7], $0x40  }
0x2d: {  	[sflag:s7] =	ssyncset.done $0x0  }
0x2e: {  	[sflag:s7] =	ssyncadd.s32 $0xFFFFFFC0  }
0x2f: {  	_ =	swait.ge [sflag:s7], $0x40  }
0x30: {  	[sflag:s7] =	ssyncset.done $0x0  }
0x31: {  	[sflag:s7] =	ssyncadd.s32 $0xFFFFFFC0  }
0x32: {  	_ =	swait.ge [sflag:s7], $0x40  }
0x33: {  	[sflag:s7] =	ssyncset.done $0x0  }
0x34: {  	[sflag:s7] =	ssyncadd.s32 $0xFFFFFFC0  }
0x35: {  	_ =	swait.ge [sflag:s7], $0x80  }
0x36: {  	[sflag:s7] =	ssyncset.done $0x0  }
0x37: {  	[sflag:s7] =	ssyncadd.s32 $0xFFFFFF80  }
0x38: {  	v3 =	vld [tilespmem:$0x200];
	_ =	sdelay $0x4  }
0x39: {  	v3 =	vadd.s32 $0xFF, v3  }
0x3a: {  	v3 =	vand.u32 $0xFFFFFF00, v3  }
0x3b: {  	(xrf0) =	vadd.scan.msk.s32 $0xffff, v3  }
0x3c: {  	v4 =	vld [tilespmem:$0x0];
	_ =	sdelay $0x4  }
0x3d: {  	v5, _, _ =	vpop (xrf0)  }
0x3e: {  	v42 =	vld [tilespmem:$0x80];
	v3 =	vsub.s32 v5, v3  }
0x3f: {  	v6 =	vld [tilespmem:$0x100];
	[tilespmem:$0x280] =	vst v3  }
0x40: {  	v4 =	vld.idx.msk [tilespmem:v4+s8+$0x0], $0xffff;
	_ =	sdelay $0x4  }
0x41: {  	v43 =	vld [tilespmem:$0x10];
	v4 =	vadd.s32 v4, v6  }
0x42: {  	v44 =	vld [tilespmem:$0x180];
	[tilespmem:$0x300] =	vst v4  }
0x43: {  	v4 =	vld.idx.msk [tilespmem:v42+s8+$0x0], $0xffff;
	_ =	sdelay $0x4  }
0x44: {  	v45 =	vld [tilespmem:$0x90];
	v4 =	vadd.s32 v4, v44  }
0x45: {  	v46 =	vld [tilespmem:$0x110];
	[tilespmem:$0x380] =	vst v4  }
0x46: {  	v4 =	vld.idx.msk [tilespmem:v43+s8+$0x0], $0xffff;
	_ =	sdelay $0x4  }
0x47: {  	v47 =	vld [tilespmem:$0x20];
	v4 =	vadd.s32 v4, v46  }
0x48: {  	v48 =	vld [tilespmem:$0x190];
	[tilespmem:$0x310] =	vst v4  }
0x49: {  	v4 =	vld.idx.msk [tilespmem:v45+s8+$0x0], $0xffff;
	_ =	sdelay $0x4  }
0x4a: {  	v49 =	vld [tilespmem:$0xA0];
	v4 =	vadd.s32 v4, v48  }
0x4b: {  	v50 =	vld [tilespmem:$0x120];
	[tilespmem:$0x390] =	vst v4  }
0x4c: {  	v4 =	vld.idx.msk [tilespmem:v47+s8+$0x0], $0xffff;
	_ =	sdelay $0x4  }
0x4d: {  	v51 =	vld [tilespmem:$0x30];
	v4 =	vadd.s32 v4, v50  }
0x4e: {  	v52 =	vld [tilespmem:$0x1A0];
	[tilespmem:$0x320] =	vst v4  }
0x4f: {  	v4 =	vld.idx.msk [tilespmem:v49+s8+$0x0], $0xffff;
	_ =	sdelay $0x4  }
0x50: {  	v53 =	vld [tilespmem:$0xB0];
	v4 =	vadd.s32 v4, v52  }
0x51: {  	v54 =	vld [tilespmem:$0x130];
	[tilespmem:$0x3A0] =	vst v4  }
0x52: {  	v4 =	vld.idx.msk [tilespmem:v51+s8+$0x0], $0xffff;
	_ =	sdelay $0x4  }
0x53: {  	v4 =	vadd.s32 v4, v54  }
0x54: {  	v55 =	vld [tilespmem:$0x1B0];
	[tilespmem:$0x330] =	vst v4  }
0x55: {  	v4 =	vld.idx.msk [tilespmem:v53+s8+$0x0], $0xffff;
	_ =	sdelay $0x4  }
0x56: {  	v4 =	vadd.s32 v4, v55  }
0x57: {  	s30 =	rddreg [dreg:$0xa];
	[tilespmem:$0x3B0] =	vst v4  }
0x58: {  	[hbm4b:s30+s2] =	stream.linear.scatter [tilespmem:s9], [sflag:$0x3], $0x40, $0x38;
	[tilespmem:$0x6500] =	vst v63  }
0x59: {  	_ =	swait.ge [sflag:s10], $0x40  }
0x5a: {  	[sflag:s10] =	ssyncset.done $0x0  }
0x5b: {  	s31 =	rddreg [dreg:$0xb];
	[sflag:s10] =	ssyncadd.s32 $0xFFFFFFC0  }
0x5c: {  	[hbm4b:s31+s2] =	stream.linear.scatter [tilespmem:s11], [sflag:$0x3], $0x40, $0x38;
	[tilespmem:$0x6500] =	vst v63  }
0x5d: {  	v3 =	vshra.s32 @!p0 v3, $0x8;
	_ =	swait.ge [sflag:s10], $0x40  }
0x5e: {  	[sflag:s10] =	ssyncset.done $0x0  }
0x5f: {  	v4 =	vimm.s32 @!p0 $0x0;
	[sflag:s10] =	ssyncadd.s32 $0xFFFFFFC0  }
0x60: {  	[tilespmem:$0x400] =	vst @!p0 v4  }
0x61: {  	s0 =	simm.s32 @!p0 $0x400;
	[tilespmem:$0x410] =	vst @!p0 v4;
	v4 =	vimm.s32 @!p0 $0x1  }
0x62: {  	[tilespmem:v3+s0+$0x0] =	vst.idx.add.s32.msk @!p0 vm0, v4  }
0x63: {  	v3 =	vld @!p0 [tilespmem:$0x400];
	_ =	sdelay $0x1  }
0x64: {  	v4 =	vld @!p0 [tilespmem:$0x410];
	_ =	sdelay $0x2  }
0x65: {  	(xrf0) =	vadd.scan.msk.s32 @!p0 $0xffff, v3;
	_ =	sdelay $0x1  }
0x66: {  	(xrf0) =	vadd.scan.msk.s32 @!p0 $0xffff, v4;
	_ =	sdelay $0x3  }
0x67: {  	v3, _, _ =	vpop @!p0 (xrf0)  }
0x68: {  	v4 =	vbroadcast @!p0 v3, $0xF  }
0x69: {  	v5, _, _ =	vpop @!p0 (xrf0)  }
0x6a: {  	[tilespmem:$0x480] =	vst @!p0 v3;
	v4 =	vadd.s32 @!p0 v4, v5  }
0x6b: {  	s29 =	simm.s32 @!p0 $0x0;
	s30 =	simm.s32 @!p0 $0x480;
	s0 =	rddreg [dreg:$0x4];
	[tilespmem:$0x490] =	vst @!p0 v4  }
0x6c: {  	[hbm4b:s0+s29] =	stream.linear.scatter @!p0 [tilespmem:s30], [sflag:$0x3], $0x80, $0x38;
	[tilespmem:$0x6500] =	vst v63  }
0x6d: {  	s0 =	simm.s32 @!p0 $0x3  }
0x6e: {  	_ =	swait.ge @!p0 [sflag:s0], $0x80  }
0x6f: {  	[sflag:s0] =	ssyncset.done @!p0 $0x0  }
0x70: {  	[sflag:s0] =	ssyncadd.s32 @!p0 $0xFFFFFF80  }
0x71: {  	_ =	swait.ge [sflag:s12], $0x6000  }
0x72: {  	[sflag:s12] =	ssyncset.done $0x0  }
0x73: {  	[sflag:s12] =	ssyncadd.s32 $0xFFFFA000  }
0x74: {  	v3 =	vld [tilespmem:$0x300];
	_ =	sdelay $0x4  }
0x75: {  	v56 =	vshrl.u32 v3, $0x3  }
0x76: {  	v4 =	vmul.u32 $0x18, v56  }
0x77: {  	v3 =	vand.u32 $0x7, v3  }
0x78: {  	v3 =	vor.u32 v3, v4  }
0x79: {  	v4 =	vperm.xlane v3, v0;
	_ =	sdelay $0x1  }
0x7a: {  	v4 =	vadd.s32 v1, v4;
	_ =	sdelay $0x1  }
0x7b: {  	v3 =	vperm.xlane v3, v2;
	_ =	sdelay $0x1  }
0x7c: {  	v3 =	vadd.s32 v1, v3  }
0x7d: {  	[hbm4b:s3+s2] =	stream.indirect_vreg.scatter [tilespmem:s6], [sflag:$0x1], $0x80, v4, vm1, $0xb8;
	[tilespmem:$0x6500] =	vst v63  }
0x7e: {  	_ = 	snop  }
0x7f: {  	[hbm4b:s4+s2] =	stream.indirect_vreg.scatter [tilespmem:s13], [sflag:$0x1], $0x80, v4, vm2, $0xb8;
	[tilespmem:$0x6500] =	vst v63  }
0x80: {  	_ = 	snop  }
0x81: {  	[hbm4b:s3+s2] =	stream.indirect_vreg.scatter [tilespmem:s14], [sflag:$0x1], $0x80, v3, vm1, $0xb8;
	[tilespmem:$0x6500] =	vst v63  }
0x82: {  	_ = 	snop  }
0x83: {  	[hbm4b:s4+s2] =	stream.indirect_vreg.scatter [tilespmem:s15], [sflag:$0x1], $0x80, v3, vm2, $0xb8;
	[tilespmem:$0x6500] =	vst v63  }
0x84: {  	v3 =	vld [tilespmem:$0x310];
	_ =	sdelay $0x4  }
0x85: {  	v57 =	vshrl.u32 v3, $0x3  }
0x86: {  	v4 =	vmul.u32 $0x18, v57  }
0x87: {  	v3 =	vand.u32 $0x7, v3  }
0x88: {  	v3 =	vor.u32 v3, v4  }
0x89: {  	v4 =	vperm.xlane v3, v0;
	_ =	sdelay $0x1  }
0x8a: {  	v4 =	vadd.s32 v1, v4;
	_ =	sdelay $0x1  }
0x8b: {  	v3 =	vperm.xlane v3, v2;
	_ =	sdelay $0x1  }
0x8c: {  	v3 =	vadd.s32 v1, v3  }
0x8d: {  	[hbm4b:s3+s2] =	stream.indirect_vreg.scatter [tilespmem:s16], [sflag:$0x1], $0x80, v4, vm1, $0xb8;
	[tilespmem:$0x6500] =	vst v63  }
0x8e: {  	_ = 	snop  }
0x8f: {  	[hbm4b:s4+s2] =	stream.indirect_vreg.scatter [tilespmem:s17], [sflag:$0x1], $0x80, v4, vm2, $0xb8;
	[tilespmem:$0x6500] =	vst v63  }
0x90: {  	_ = 	snop  }
0x91: {  	[hbm4b:s3+s2] =	stream.indirect_vreg.scatter [tilespmem:s18], [sflag:$0x1], $0x80, v3, vm1, $0xb8;
	[tilespmem:$0x6500] =	vst v63  }
0x92: {  	_ = 	snop  }
0x93: {  	[hbm4b:s4+s2] =	stream.indirect_vreg.scatter [tilespmem:s19], [sflag:$0x1], $0x80, v3, vm2, $0xb8;
	[tilespmem:$0x6500] =	vst v63  }
0x94: {  	v3 =	vld [tilespmem:$0x320];
	_ =	sdelay $0x4  }
0x95: {  	v58 =	vshrl.u32 v3, $0x3  }
0x96: {  	v4 =	vmul.u32 $0x18, v58  }
0x97: {  	v3 =	vand.u32 $0x7, v3  }
0x98: {  	v3 =	vor.u32 v3, v4  }
0x99: {  	v4 =	vperm.xlane v3, v0;
	_ =	sdelay $0x1  }
0x9a: {  	v4 =	vadd.s32 v1, v4;
	_ =	sdelay $0x1  }
0x9b: {  	v3 =	vperm.xlane v3, v2;
	_ =	sdelay $0x1  }
0x9c: {  	v3 =	vadd.s32 v1, v3  }
0x9d: {  	[hbm4b:s3+s2] =	stream.indirect_vreg.scatter [tilespmem:s20], [sflag:$0x1], $0x80, v4, vm1, $0xb8;
	[tilespmem:$0x6500] =	vst v63  }
0x9e: {  	_ = 	snop  }
0x9f: {  	[hbm4b:s4+s2] =	stream.indirect_vreg.scatter [tilespmem:s21], [sflag:$0x1], $0x80, v4, vm2, $0xb8;
	[tilespmem:$0x6500] =	vst v63  }
0xa0: {  	_ = 	snop  }
0xa1: {  	[hbm4b:s3+s2] =	stream.indirect_vreg.scatter [tilespmem:s22], [sflag:$0x1], $0x80, v3, vm1, $0xb8;
	[tilespmem:$0x6500] =	vst v63  }
0xa2: {  	_ = 	snop  }
0xa3: {  	[hbm4b:s4+s2] =	stream.indirect_vreg.scatter [tilespmem:s23], [sflag:$0x1], $0x80, v3, vm2, $0xb8;
	[tilespmem:$0x6500] =	vst v63  }
0xa4: {  	v3 =	vld [tilespmem:$0x330];
	_ =	sdelay $0x4  }
0xa5: {  	v59 =	vshrl.u32 v3, $0x3  }
0xa6: {  	v4 =	vmul.u32 $0x18, v59  }
0xa7: {  	v3 =	vand.u32 $0x7, v3  }
0xa8: {  	v3 =	vor.u32 v3, v4  }
0xa9: {  	v4 =	vperm.xlane v3, v0;
	_ =	sdelay $0x1  }
0xaa: {  	v4 =	vadd.s32 v1, v4;
	_ =	sdelay $0x1  }
0xab: {  	v3 =	vperm.xlane v3, v2;
	_ =	sdelay $0x1  }
0xac: {  	v3 =	vadd.s32 v1, v3  }
0xad: {  	[hbm4b:s3+s2] =	stream.indirect_vreg.scatter [tilespmem:s24], [sflag:$0x1], $0x80, v4, vm1, $0xb8;
	[tilespmem:$0x6500] =	vst v63  }
0xae: {  	_ = 	snop  }
0xaf: {  	[hbm4b:s4+s2] =	stream.indirect_vreg.scatter [tilespmem:s25], [sflag:$0x1], $0x80, v4, vm2, $0xb8;
	[tilespmem:$0x6500] =	vst v63  }
0xb0: {  	_ = 	snop  }
0xb1: {  	[hbm4b:s3+s2] =	stream.indirect_vreg.scatter [tilespmem:s26], [sflag:$0x1], $0x80, v3, vm1, $0xb8;
	[tilespmem:$0x6500] =	vst v63  }
0xb2: {  	_ = 	snop  }
0xb3: {  	[hbm4b:s4+s2] =	stream.indirect_vreg.scatter [tilespmem:s28], [sflag:$0x1], $0x80, v3, vm2, $0xb8;
	[tilespmem:$0x6500] =	vst v63  }
0xb4: {  	v3 =	vld [tilespmem:$0x380];
	_ =	sdelay $0x4  }
0xb5: {  	v60 =	vshrl.u32 v3, $0x3  }
0xb6: {  	v4 =	vmul.u32 $0x18, v60  }
0xb7: {  	v3 =	vand.u32 $0x7, v3  }
0xb8: {  	v3 =	vor.u32 v3, v4  }
0xb9: {  	v4 =	vperm.xlane v3, v0;
	_ =	sdelay $0x1  }
0xba: {  	v4 =	vadd.s32 v1, v4;
	_ =	sdelay $0x1  }
0xbb: {  	v3 =	vperm.xlane v3, v2;
	_ =	sdelay $0x1  }
0xbc: {  	v3 =	vadd.s32 v1, v3  }
0xbd: {  	[hbm4b:s3+s2] =	stream.indirect_vreg.scatter [tilespmem:s6], [sflag:$0x1], $0x80, v4, vm1, $0xb8;
	[tilespmem:$0x6500] =	vst v63  }
0xbe: {  	_ = 	snop  }
0xbf: {  	[hbm4b:s4+s2] =	stream.indirect_vreg.scatter [tilespmem:s13], [sflag:$0x1], $0x80, v4, vm2, $0xb8;
	[tilespmem:$0x6500] =	vst v63  }
0xc0: {  	_ = 	snop  }
0xc1: {  	[hbm4b:s3+s2] =	stream.indirect_vreg.scatter [tilespmem:s14], [sflag:$0x1], $0x80, v3, vm1, $0xb8;
	[tilespmem:$0x6500] =	vst v63  }
0xc2: {  	_ = 	snop  }
0xc3: {  	[hbm4b:s4+s2] =	stream.indirect_vreg.scatter [tilespmem:s15], [sflag:$0x1], $0x80, v3, vm2, $0xb8;
	[tilespmem:$0x6500] =	vst v63  }
0xc4: {  	v3 =	vld [tilespmem:$0x390];
	_ =	sdelay $0x4  }
0xc5: {  	v61 =	vshrl.u32 v3, $0x3  }
0xc6: {  	v4 =	vmul.u32 $0x18, v61  }
0xc7: {  	v3 =	vand.u32 $0x7, v3  }
0xc8: {  	v3 =	vor.u32 v3, v4  }
0xc9: {  	v4 =	vperm.xlane v3, v0;
	_ =	sdelay $0x1  }
0xca: {  	v4 =	vadd.s32 v1, v4;
	_ =	sdelay $0x1  }
0xcb: {  	v3 =	vperm.xlane v3, v2;
	_ =	sdelay $0x1  }
0xcc: {  	v3 =	vadd.s32 v1, v3  }
0xcd: {  	[hbm4b:s3+s2] =	stream.indirect_vreg.scatter [tilespmem:s16], [sflag:$0x1], $0x80, v4, vm1, $0xb8;
	[tilespmem:$0x6500] =	vst v63  }
0xce: {  	_ = 	snop  }
0xcf: {  	[hbm4b:s4+s2] =	stream.indirect_vreg.scatter [tilespmem:s17], [sflag:$0x1], $0x80, v4, vm2, $0xb8;
	[tilespmem:$0x6500] =	vst v63  }
0xd0: {  	_ = 	snop  }
0xd1: {  	[hbm4b:s3+s2] =	stream.indirect_vreg.scatter [tilespmem:s18], [sflag:$0x1], $0x80, v3, vm1, $0xb8;
	[tilespmem:$0x6500] =	vst v63  }
0xd2: {  	_ = 	snop  }
0xd3: {  	[hbm4b:s4+s2] =	stream.indirect_vreg.scatter [tilespmem:s19], [sflag:$0x1], $0x80, v3, vm2, $0xb8;
	[tilespmem:$0x6500] =	vst v63  }
0xd4: {  	v3 =	vld [tilespmem:$0x3A0];
	_ =	sdelay $0x4  }
0xd5: {  	v62 =	vshrl.u32 v3, $0x3  }
0xd6: {  	v4 =	vmul.u32 $0x18, v62  }
0xd7: {  	v3 =	vand.u32 $0x7, v3  }
0xd8: {  	v3 =	vor.u32 v3, v4  }
0xd9: {  	v4 =	vperm.xlane v3, v0;
	_ =	sdelay $0x1  }
0xda: {  	v4 =	vadd.s32 v1, v4;
	_ =	sdelay $0x1  }
0xdb: {  	v3 =	vperm.xlane v3, v2;
	_ =	sdelay $0x1  }
0xdc: {  	v3 =	vadd.s32 v1, v3  }
0xdd: {  	[hbm4b:s3+s2] =	stream.indirect_vreg.scatter [tilespmem:s20], [sflag:$0x1], $0x80, v4, vm1, $0xb8;
	[tilespmem:$0x6500] =	vst v63  }
0xde: {  	_ = 	snop  }
0xdf: {  	[hbm4b:s4+s2] =	stream.indirect_vreg.scatter [tilespmem:s21], [sflag:$0x1], $0x80, v4, vm2, $0xb8;
	[tilespmem:$0x6500] =	vst v63  }
0xe0: {  	_ = 	snop  }
0xe1: {  	[hbm4b:s3+s2] =	stream.indirect_vreg.scatter [tilespmem:s22], [sflag:$0x1], $0x80, v3, vm1, $0xb8;
	[tilespmem:$0x6500] =	vst v63  }
0xe2: {  	_ = 	snop  }
0xe3: {  	[hbm4b:s4+s2] =	stream.indirect_vreg.scatter [tilespmem:s23], [sflag:$0x1], $0x80, v3, vm2, $0xb8;
	[tilespmem:$0x6500] =	vst v63  }
0xe4: {  	v3 =	vld [tilespmem:$0x3B0];
	_ =	sdelay $0x4  }
0xe5: {  	v63 =	vshrl.u32 v3, $0x3  }
0xe6: {  	v4 =	vmul.u32 $0x18, v63  }
0xe7: {  	v3 =	vand.u32 $0x7, v3  }
0xe8: {  	v3 =	vor.u32 v3, v4  }
0xe9: {  	v4 =	vperm.xlane v3, v0;
	_ =	sdelay $0x1  }
0xea: {  	v4 =	vadd.s32 v1, v4;
	_ =	sdelay $0x1  }
0xeb: {  	v3 =	vperm.xlane v3, v2;
	_ =	sdelay $0x1  }
0xec: {  	v3 =	vadd.s32 v1, v3  }
0xed: {  	[hbm4b:s3+s2] =	stream.indirect_vreg.scatter [tilespmem:s24], [sflag:$0x1], $0x80, v4, vm1, $0xb8;
	[tilespmem:$0x6500] =	vst v63  }
0xee: {  	_ = 	snop  }
0xef: {  	[hbm4b:s4+s2] =	stream.indirect_vreg.scatter [tilespmem:s25], [sflag:$0x1], $0x80, v4, vm2, $0xb8;
	[tilespmem:$0x6500] =	vst v63  }
0xf0: {  	_ = 	snop  }
0xf1: {  	[hbm4b:s3+s2] =	stream.indirect_vreg.scatter [tilespmem:s26], [sflag:$0x1], $0x80, v3, vm1, $0xb8;
	[tilespmem:$0x6500] =	vst v63  }
0xf2: {  	s5 =	sadd.s32 $0xFFFFFFFF, s5  }
0xf3: {  	[hbm4b:s4+s2] =	stream.indirect_vreg.scatter [tilespmem:s28], [sflag:$0x1], $0x80, v3, vm2, $0xb8;
	[tilespmem:$0x6500] =	vst v63  }
0xf4: {  	p1 =	sne.s32 s5, $0x0;
	_ =	swait.ge [sflag:s7], $0x6000  }
.Ltmp0:
0xf5: {  	[sflag:s7] =	ssyncset.done $0x0;
	(pc) =	sbr.rel @p1 .LBB2_1-.Ltmp0, $4  }
0xf6: {  	[sflag:s7] =	ssyncadd.s32 $0xFFFFA000  }
0xf7: {  	_ =	swait.ge [sflag:s7], $0x6000  }
0xf8: {  	[sflag:s7] =	ssyncset.done $0x0  }
0xf9: {  	[sflag:s7] =	ssyncadd.s32 $0xFFFFA000  }
0xfa: {  	_ =	sfence.sel $0x180000  }
0xfb: {  	[bflag:$0x0] =	sbarrier.arrive $0xFFFF  }
0xfc: {  	_ =	strace $0x90000047  }
0xfd: {  	[bflag:$0x2] =	sbarrier.arrive $0xFFFF  }
0xfe: {  	p0 =	sne.s32 s1, $0x0;
	s0 =	rddreg [dreg:$0x2]  }
0xff: {  	s0 =	sadd.s32 @!p0 $0x100000, s0  }
0x100: {  	[sflag:s0] =	ssyncadd.tile.s32 @!p0 $0x1;
	_ =	shalt  }
.Lfunc_end2:
_tile_overlayer_lowered:
.L_overlay_start_2:
0x101: {  	(tag) =	ssettag $0x2  }
0x102: {  	s0 =	rddreg [dreg:$0x0];
	s2 =	stileid.u32  }
0x103: {  	s1 =	rddreg [dreg:$0x1];
	p0 =	sne.s32 s2, $0x0  }
0x104: {  	s3 =	rddreg [dreg:$0x2];
	[bflag:$0x3] =	sbarrier.arrive $0xFFFF;
	s2 =	simm.s32 @!p0 $0x1C03  }
0x105: {  	[timem:s3], [sflag:s2] =	dma.local @!p0 [hbm:s0], s1  }
0x106: {  	s0 =	simm.s32 @!p0 $0x3  }
0x107: {  	_ =	swait.ge @!p0 [sflag:s0], s1  }
0x108: {  	s1 =	ssub.s32 @!p0 $0x0, s1;
	[sflag:s0] =	ssyncset.done @!p0 $0x0  }
0x109: {  	[sflag:s0] =	ssyncadd.s32 @!p0 s1  }
0x10a: {  	[bflag:$0x3] =	sbarrier.arrive $0xFFFF  }
0x10b: {  	_ =	shalt  }

// kernel: _moe.9.cloned.1.call-start
scs
__scs_entry_jumppad:
0x0: {  	(pc) =	sbr.rel $0x88, $3  }
0x1: {  	(tag) =	ssettag $0x0;
	lr =	simm.s32 $0x1  }
0x2: {  	[smem:$0x3F9D] =	sst lr;
	_ =	strace $0xD0000000  }
0x3: {  	_ = 	snop  }
0x4: {  	_ = 	snop  }
0x5: {  	_ = 	snop  }
0x6: {  	_ = 	snop  }
0x7: {  	_ = 	snop  }
__scs_overlays_trampoline_lowered:
0x8: {  	[smem:$0x3FAC] =	sst s0  }
0x9: {  	[smem:$0x3FAD] =	sst s1  }
0xa: {  	[smem:$0x3FAE] =	sst s2  }
0xb: {  	[smem:$0x3FAF] =	sst s3  }
0xc: {  	[smem:$0x3FB0] =	sst s4  }
0xd: {  	[smem:$0x3FB1] =	sst s5  }
0xe: {  	[smem:$0x3FB2] =	sst s6  }
0xf: {  	[smem:$0x3FB3] =	sst s7  }
0x10: {  	[smem:$0x3FB4] =	sst s8  }
0x11: {  	[smem:$0x3FB5] =	sst s9;
	s0 =	simm.s32 @!p0 $0x0  }
0x12: {  	s1 =	sld [smem:$0x3F9B];
	s0 =	simm.s32 @p0 $0x1  }
0x13: {  	[smem:$0x3FB6] =	sst s0;
	s0 =	simm.s32 @!p1 $0x0  }
0x14: {  	s2 =	sld [smem:$0x3F9A];
	s0 =	simm.s32 @p1 $0x1  }
0x15: {  	[smem:$0x3FB7] =	sst s0;
	s0 =	simm.s32 @!p2 $0x0  }
0x16: {  	s3 =	sld [smem:$0x3FDB];
	s0 =	simm.s32 @p2 $0x1  }
0x17: {  	s4 =	simm.s32 $0x1BF5;
	[smem:$0x3FB9] =	sst s0  }
0x18: {  	s0 =	sld [smem:$0x3F9C];
	_ =	swait.ge [sflag:s4], $0x0  }
0x19: {  	s7 =	sld [smem:$0x3F9D]  }
0x1a: {  	s8 =	sadd.s32 $0xFFFFE003, lr  }
0x1b: {  	s9 =	sadd.s32 $0xFFFFFEF7, lr;
	s5 =	simm.s32 $0xFFFFFFFF;
	p2 =	slt.u32 s8, $0xFFFFF086  }
0x1c: {  	p1 =	slt.u32 s9, $0xF7A;
	s5 =	simm.s32 @!p2 $0x0  }
0x1d: {  	s5 =	simm.s32 @p1 $0x1;
	p0 =	seq.s32 s7, s2  }
0x1e: {  	s7 =	smul.u32 @!p0 $0xF7A, s2;
	p2 =	seq.s32 @!p0 s5, $0x0  }
0x1f: {  	s9 =	smul.u32 $0xF7A, s1;
	s8 =	simm.s32 @!p0 $0x1BF5;
	p2 =	por !p2, p0  }
0x20: {  	[sflag:s8] =	ssyncset.s32 @!p0 $0xFFFFF086;
	s6 =	sadd.s32 @!p0 s3, s7;
	s7 =	simm.s32 @!p0 $0x108  }
0x21: {  	s3 =	sadd.s32 s3, s9;
	s6 =	sadd.s32 @!p0 $0x88, s6;
	s7 =	simm.s32 @p2 $0x1082  }
0x22: {  	[simem:s7], [sflag:s8] =	dma.local @!p0 [hbm:s6], $0xF7A  }
0x23: {  	s9 =	sor.u32 $0xD0000000, s2;
	s6 =	simm.s32 $0x108;
	_ =	swait.ge @!p0 [sflag:s8], $0x0  }
0x24: {  	s3 =	sadd.s32 $0x88, s3;
	s6 =	simm.s32 @!p1 $0x1082;
	[sflag:s4] =	ssyncset.s32 $0xFFFFF086  }
0x25: {  	[simem:s6], [sflag:s4] =	dma.local [hbm:s3], $0xF7A  }
0x26: {  	[smem:$0x3F9D] =	sst s1;
	(tag) =	ssettag s2;
	_ =	strace s9  }
0x27: {  	s1 =	sld [smem:$0x3FAD]  }
0x28: {  	s2 =	sld [smem:$0x3FAE]  }
0x29: {  	s4 =	sld [smem:$0x3FB0]  }
0x2a: {  	p0 =	seq.s32 s5, $0x0;
	s5 =	sld [smem:$0x3FB1]  }
0x2b: {  	s6 =	sld [smem:$0x3FB2]  }
0x2c: {  	s7 =	sld [smem:$0x3FB3]  }
0x2d: {  	s3 =	simm.s32 $0x108;
	s8 =	sld [smem:$0x3FB4]  }
0x2e: {  	s3 =	simm.s32 @!p0 $0x1082;
	s9 =	sld [smem:$0x3FB5]  }
0x2f: {  	lr =	sadd.s32 s0, s3;
	s0 =	sld [smem:$0x3FAC]  }
0x30: {  	s3 =	sld [smem:$0x3FAF]  }
0x31: {  	[smem:$0x3FB8] =	sst s10  }
0x32: {  	s10 =	sld [smem:$0x3FB6];
	_ =	sdelay $0x3  }
0x33: {  	p0 =	seq.s32 s10, $0x1;
	s10 =	sld [smem:$0x3FB8];
	_ =	sdelay $0x3  }
0x34: {  	[smem:$0x3FB8] =	sst s10  }
0x35: {  	s10 =	sld [smem:$0x3FB7];
	_ =	sdelay $0x3  }
0x36: {  	p1 =	seq.s32 s10, $0x1;
	s10 =	sld [smem:$0x3FB8];
	_ =	sdelay $0x3  }
0x37: {  	[smem:$0x3FB8] =	sst s10  }
0x38: {  	s10 =	sld [smem:$0x3FB9]  }
0x39: {  	_ = 	snop;
	(pc) =	sbr.ind lr, $3  }
0x3a: {  	_ = 	snop  }
0x3b: {  	_ = 	snop  }
0x3c: {  	p2 =	seq.s32 s10, $0x1;
	s10 =	sld [smem:$0x3FB8]  }
0x3d: {  	_ =	shalt  }
0x3e: {  	_ =	shalt  }
0x3f: {  	_ =	shalt  }
0x40: {  	_ =	shalt  }
0x41: {  	_ =	shalt  }
0x42: {  	_ =	shalt  }
0x43: {  	_ =	shalt  }
0x44: {  	_ =	shalt  }
0x45: {  	_ =	shalt  }
0x46: {  	_ =	shalt  }
0x47: {  	_ =	shalt  }
0x48: {  	_ =	shalt  }
0x49: {  	_ =	shalt  }
0x4a: {  	_ =	shalt  }
0x4b: {  	_ =	shalt  }
0x4c: {  	_ =	shalt  }
0x4d: {  	_ =	shalt  }
0x4e: {  	_ =	shalt  }
0x4f: {  	_ =	shalt  }
0x50: {  	_ =	shalt  }
0x51: {  	_ =	shalt  }
0x52: {  	_ =	shalt  }
0x53: {  	_ =	shalt  }
0x54: {  	_ =	shalt  }
0x55: {  	_ =	shalt  }
0x56: {  	_ =	shalt  }
0x57: {  	_ =	shalt  }
0x58: {  	_ =	shalt  }
0x59: {  	_ =	shalt  }
0x5a: {  	_ =	shalt  }
0x5b: {  	_ =	shalt  }
0x5c: {  	_ =	shalt  }
0x5d: {  	_ =	shalt  }
0x5e: {  	_ =	shalt  }
0x5f: {  	_ =	shalt  }
0x60: {  	_ =	shalt  }
0x61: {  	_ =	shalt  }
0x62: {  	_ =	shalt  }
0x63: {  	_ =	shalt  }
0x64: {  	_ =	shalt  }
0x65: {  	_ =	shalt  }
0x66: {  	_ =	shalt  }
0x67: {  	_ =	shalt  }
0x68: {  	_ =	shalt  }
0x69: {  	_ =	shalt  }
0x6a: {  	_ =	shalt  }
0x6b: {  	_ =	shalt  }
0x6c: {  	_ =	shalt  }
0x6d: {  	_ =	shalt  }
0x6e: {  	_ =	shalt  }
0x6f: {  	_ =	shalt  }
0x70: {  	_ =	shalt  }
0x71: {  	_ =	shalt  }
0x72: {  	_ =	shalt  }
0x73: {  	_ =	shalt  }
0x74: {  	_ =	shalt  }
0x75: {  	_ =	shalt  }
0x76: {  	_ =	shalt  }
0x77: {  	_ =	shalt  }
0x78: {  	_ =	shalt  }
0x79: {  	_ =	shalt  }
0x7a: {  	_ =	shalt  }
0x7b: {  	_ =	shalt  }
0x7c: {  	_ =	shalt  }
0x7d: {  	_ =	shalt  }
0x7e: {  	_ =	shalt  }
0x7f: {  	_ =	shalt  }
0x80: {  	_ =	shalt  }
0x81: {  	_ =	shalt  }
0x82: {  	_ =	shalt  }
0x83: {  	_ =	shalt  }
0x84: {  	_ =	shalt  }
0x85: {  	_ =	shalt  }
0x86: {  	_ =	shalt  }
0x87: {  	_ =	shalt  }
.Lfunc_end0:
.L_simem_size_0:
called_computation.1_lowered:
.L_overlay_start_0:
0x88: {  	s2 =	sld [smem:$0x3FD9]  }
0x89: {  	s3 =	sld [smem:$0x3FFE];
	_ =	sdelay $0x1  }
0x8a: {  	s1 =	srdreg.scid  }
0x8b: {  	s0 =	sand.u32 $0x1, s1  }
0x8c: {  	s17 =	sshll.u32 s0, $0xA;
	s2 =	sadd.s32 s3, s2  }
0x8d: {  	s2 =	sadd.s32 s2, s17  }
0x8e: {  	[smem:$0x3FC4] =	sst s2  }
0x8f: {  	_ = 	snop  }
0x90: {  	s2 =	sld [smem:$0x3FD0];
	(tm) =	ssettm $0x1  }
0x91: {  	s18 =	sld [smem:$0x3FFB];
	_ =	sdelay $0x3  }
0x92: {  	_ =	strace s18  }
0x93: {  	s3 =	sld [smem:$0x3FFC];
	_ =	sdelay $0x3  }
0x94: {  	_ =	strace s3  }
0x95: {  	s3 =	sld [smem:$0x3FFD];
	_ =	sdelay $0x3  }
0x96: {  	_ =	strace s3  }
0x97: {  	_ =	strace $0x8FFFFFFF  }
0x98: {  	s19 =	sld [smem:$0x3FDB];
	_ =	sdelay $0x1  }
0x99: {  	s4 =	simm.s32 $_scs_section_size  }
0x9a: {  	s5 =	simm.s32 $_size__tile_overlayer_lowered;
	s6 =	simm.s32 $_tile_overlayer_lowered  }
0x9b: {  	s22 =	simm.s32 $0x1BFF;
	s21 =	sshll.u32 s6, $0x1;
	s3 =	sadd.s32 s4, s19  }
0x9c: {  	s7 =	simm.s32 $0x0;
	s20 =	sshll.u32 s5, $0x1;
	s5 =	sadd.s32 s21, s3  }
0x9d: {  	[timem:s7], [sflag:s22] =	dma.local [hbm:s5], s20  }
0x9e: {  	_ =	swait.ge [sflag:s22], s20  }
0x9f: {  	s4 =	ssub.s32 $0x0, s20;
	[sflag:s22] =	ssyncset.done $0x0  }
0xa0: {  	[sflag:s22] =	ssyncadd.s32 s4;
	_ =	sdelay $0x1  }
0xa1: {  	s23 =	simm.s32 $0x1B8B  }
0xa2: {  	_ =	swait.ge [sflag:s23], $0x1  }
0xa3: {  	[sflag:s23] =	ssyncset.done $0x0  }
0xa4: {  	s25 =	simm.s32 $0x1B8E;
	s24 =	sld [smem:$0x3FFE];
	[sflag:s23] =	ssyncadd.s32 $0xFFFFFFFF  }
0xa5: {  	s26 =	simm.s32 $execute0_lowered;
	[smem:$0x3FD2] =	sst s25  }
0xa6: {  	s5 =	sshll.u32 s26, $0x1;
	_ =	strace $0x80000049;
	[dreg:$0x1] =	wrdreg $0xFFFFFFFF  }
0xa7: {  	s28 =	simm.s32 $_size_execute0_lowered;
	s3 =	sadd.s32 s3, s5;
	[dreg:$0x0] =	wrdreg $0x0  }
0xa8: {  	s5 =	sshll.u32 s28, $0x1;
	[dreg:$0x2] =	wrdreg s3  }
0xa9: {  	[dreg:$0x3] =	wrdreg s5  }
0xaa: {  	[dreg:$0x4] =	wrdreg $0xC0  }
0xab: {  	_ =	task [dreg:s7], $0x5FFFF  }
0xac: {  	[dreg:$0x1] =	wrdreg $0xFFFFFFFF  }
0xad: {  	[dreg:$0x0] =	wrdreg $0x60  }
0xae: {  	[dreg:$0x2] =	wrdreg s24  }
0xaf: {  	[dreg:$0x3] =	wrdreg s2  }
0xb0: {  	[dreg:$0x4] =	wrdreg $0x9  }
0xb1: {  	_ =	task.clear_ibuf [dreg:s7], $0x5FFFF;
	_ =	strace $0x90000049  }
0xb2: {  	s29 =	simm.s32 $0x9;
	_ =	strace $0x8000004B  }
0xb3: {  	_ =	swait.ge [sflag:s29], $0x1  }
0xb4: {  	[sflag:s29] =	ssyncadd.s32 $0xFFFFFFFF  }
0xb5: {  	_ =	strace $0x9000004B  }
0xb6: {  	_ =	sfence  }
0xb7: {  	s30 =	sld [smem:$0x0];
	_ =	sdelay $0x2  }
0xb8: {  	s31 =	sshll.u32 s1, $0xD;
	s1 =	sshrl.u32 s1, $0x2  }
0xb9: {  	s3 =	sand.u32 $0x4000, s31;
	s1 =	sadd.s32 s1, s30  }
0xba: {  	s0 =	sor.u32 s3, s0;
	s1 =	sshll.u32 s1, $0x11  }
0xbb: {  	s0 =	sor.u32 s1, s0  }
0xbc: {  	s0 =	sadd.s32 $0x8F2B, s0  }
0xbd: {  	[sflag:s0] =	ssyncadd.remote.s32 $0x1  }
0xbe: {  	_ =	sfence.sel $0xFFFF  }
0xbf: {  	[dreg:$0x0] =	wrdreg $0xFFFFFFFF;
	(pc) =	sbr.abs _section_cstart, $3  }
0xc0: {  	[dreg:$0x1] =	wrdreg $0xFFFFFFFF  }
0xc1: {  	_ =	task.clear_ibuf [dreg:s7], $0x2FFFF;
	_ =	strace $0x9FFFFFFF  }
0xc2: {  	(tm) =	ssettm $0x7FFFFFFF  }
0xc3: {  	_ =	shalt  }
tec
execute0_lowered:
.L_overlay_start_1:
0x0: {  	(tag) =	ssettag $0x1  }
0x1: {  	s0 =	rddreg [dreg:$0x0]  }
0x2: {  	s1 =	rddreg [dreg:$0x1];
	s3 =	srdreg.scid  }
0x3: {  	s2 =	simm.s32 $0x0;
	s4 =	stileid.u32;
	s3 =	sand.u32 $0x1, s3  }
0x4: {  	s12 =	simm.s32 $0x100;
	s4 =	sshll.u32 s4, $0x4;
	s5 =	sshll.u32 s3, $0x3  }
0x5: {  	s13 =	simm.s32 $0x1;
	s28 =	simm.s32 $0x180;
	s4 =	sor.u32 s5, s4  }
0x6: {  	s30 =	simm.s32 $0x3;
	[smem:$0x7FF] =	sst s2;
	s7 =	sadd.s32 s4, s0  }
0x7: {  	s6 =	ssub.s32 $0x2, s3;
	_ =	strace $0x8000004A;
	s22 =	sadd.s32 $0x4BA00, s7  }
0x8: {  	s21 =	sshrl.u32 s6, $0x1;
	s23 =	sadd.s32 $0x4BC00, s7;
	[dreg:$0x3] =	wrdreg s22  }
0x9: {  	s5 =	ssub.s32 s6, s21;
	s24 =	sadd.s32 $0x3400, s7;
	[dreg:$0x4] =	wrdreg s23  }
0xa: {  	s4 =	smul.u32 $0x300, s4;
	s25 =	sadd.s32 $0x3600, s7;
	[dreg:$0x5] =	wrdreg s24  }
0xb: {  	v2 =	vlaneseq.u32;
	s31 =	simm.s32 $0x0;
	s29 =	smax.u32 s5, $0x1;
	[dreg:$0x6] =	wrdreg s25  }
0xc: {  	vm0 =	vmmov $0xffff;
	vm1 =	vmmov $0xff;
	s8 =	sadd.s32 $0x3900, s0;
	v1 =	vshrl.u32 v2, $0x3;
	s26 =	sadd.s32 s1, s4;
	[dreg:$0x8] =	wrdreg s29  }
0xd: {  	v0 =	vand.u32 $0x7, v2;
	v2 =	vor.u32 $0x8, v2;
	s3 =	sadd.s32 $0x3800, s0;
	v1 =	vmul.u32 $0x8, v1;
	[dreg:$0x7] =	wrdreg s26;
	s26 =	simm.s32 $0x2  }
.LBB2_1:
0xe: {  	s0 =	rddreg [dreg:$0x3]  }
0xf: {  	[tilespmem:s2], [sflag:$0x1] =	stream.linear.gather [hbm4b:s0+s2], $0x40, $0x38;
	[tilespmem:$0x18200] =	vst v63  }
0x10: {  	s11 =	rddreg [dreg:$0x4];
	s1 =	simm.s32 $0x80  }
0x11: {  	[tilespmem:s1], [sflag:$0x1] =	stream.linear.gather [hbm4b:s11+s2], $0x40, $0x38;
	[tilespmem:$0x18200] =	vst v63  }
0x12: {  	s14 =	rddreg [dreg:$0x5]  }
0x13: {  	[tilespmem:s12], [sflag:$0x1] =	stream.linear.gather [hbm4b:s14+s2], $0x40, $0x38;
	[tilespmem:$0x18200] =	vst v63  }
0x14: {  	s15 =	rddreg [dreg:$0x6]  }
0x15: {  	[tilespmem:s28], [sflag:$0x1] =	stream.linear.gather [hbm4b:s15+s2], $0x40, $0x38;
	[tilespmem:$0x18200] =	vst v63  }
0x16: {  	_ =	swait.ge [sflag:s13], $0x40  }
0x17: {  	[sflag:s13] =	ssyncset.done $0x0  }
0x18: {  	[sflag:s13] =	ssyncadd.s32 $0xFFFFFFC0  }
0x19: {  	_ =	swait.ge [sflag:s13], $0x40  }
0x1a: {  	[sflag:s13] =	ssyncset.done $0x0  }
0x1b: {  	[sflag:s13] =	ssyncadd.s32 $0xFFFFFFC0  }
0x1c: {  	_ =	swait.ge [sflag:s13], $0x40  }
0x1d: {  	[sflag:s13] =	ssyncset.done $0x0  }
0x1e: {  	[sflag:s13] =	ssyncadd.s32 $0xFFFFFFC0  }
0x1f: {  	_ =	swait.ge [sflag:s13], $0x40  }
0x20: {  	[sflag:s13] =	ssyncset.done $0x0  }
0x21: {  	[sflag:s13] =	ssyncadd.s32 $0xFFFFFFC0  }
0x22: {  	v3 =	vld [tilespmem:$0x0];
	_ =	sdelay $0x4  }
0x23: {  	v4 =	vshrl.u32 v3, $0x3  }
0x24: {  	v4 =	vmul.u32 $0x18, v4  }
0x25: {  	v3 =	vand.u32 $0x7, v3  }
0x26: {  	v3 =	vor.u32 v3, v4  }
0x27: {  	v4 =	vperm.xlane v3, v0;
	_ =	sdelay $0x1  }
0x28: {  	v4 =	vadd.s32 v1, v4;
	_ =	sdelay $0x1  }
0x29: {  	v3 =	vperm.xlane v3, v2;
	_ =	sdelay $0x1  }
0x2a: {  	s16 =	simm.s32 $0x200;
	v3 =	vadd.s32 v1, v3  }
0x2b: {  	[tilespmem:s16], [sflag:$0x1] =	stream.indirect_vreg.gather [hbm4b:s3+s2], $0x80, v4, vm0, $0xb8;
	[tilespmem:$0x18200] =	vst v63  }
0x2c: {  	s17 =	simm.s32 $0xA00  }
0x2d: {  	[tilespmem:s17], [sflag:$0x1] =	stream.indirect_vreg.gather [hbm4b:s8+s2], $0x80, v4, vm1, $0xb8;
	[tilespmem:$0x18200] =	vst v63  }
0x2e: {  	s18 =	simm.s32 $0xE00  }
0x2f: {  	[tilespmem:s18], [sflag:$0x1] =	stream.indirect_vreg.gather [hbm4b:s3+s2], $0x80, v3, vm0, $0xb8;
	[tilespmem:$0x18200] =	vst v63  }
0x30: {  	s19 =	simm.s32 $0x1600  }
0x31: {  	[tilespmem:s19], [sflag:$0x1] =	stream.indirect_vreg.gather [hbm4b:s8+s2], $0x80, v3, vm1, $0xb8;
	[tilespmem:$0x18200] =	vst v63  }
0x32: {  	v3 =	vld [tilespmem:$0x10];
	_ =	sdelay $0x4  }
0x33: {  	v57 =	vshrl.u32 v3, $0x3  }
0x34: {  	v4 =	vmul.u32 $0x18, v57  }
0x35: {  	v3 =	vand.u32 $0x7, v3  }
0x36: {  	v3 =	vor.u32 v3, v4  }
0x37: {  	v4 =	vperm.xlane v3, v0;
	_ =	sdelay $0x1  }
0x38: {  	v4 =	vadd.s32 v1, v4;
	_ =	sdelay $0x1  }
0x39: {  	v3 =	vperm.xlane v3, v2;
	_ =	sdelay $0x1  }
0x3a: {  	s20 =	simm.s32 $0x1A00;
	v3 =	vadd.s32 v1, v3  }
0x3b: {  	[tilespmem:s20], [sflag:$0x1] =	stream.indirect_vreg.gather [hbm4b:s3+s2], $0x80, v4, vm0, $0xb8;
	[tilespmem:$0x18200] =	vst v63  }
0x3c: {  	s21 =	simm.s32 $0x2200  }
0x3d: {  	[tilespmem:s21], [sflag:$0x1] =	stream.indirect_vreg.gather [hbm4b:s8+s2], $0x80, v4, vm1, $0xb8;
	[tilespmem:$0x18200] =	vst v63  }
0x3e: {  	s22 =	simm.s32 $0x2600  }
0x3f: {  	[tilespmem:s22], [sflag:$0x1] =	stream.indirect_vreg.gather [hbm4b:s3+s2], $0x80, v3, vm0, $0xb8;
	[tilespmem:$0x18200] =	vst v63  }
0x40: {  	s23 =	simm.s32 $0x2E00  }
0x41: {  	[tilespmem:s23], [sflag:$0x1] =	stream.indirect_vreg.gather [hbm4b:s8+s2], $0x80, v3, vm1, $0xb8;
	[tilespmem:$0x18200] =	vst v63  }
0x42: {  	v3 =	vld [tilespmem:$0x20];
	_ =	sdelay $0x4  }
0x43: {  	v58 =	vshrl.u32 v3, $0x3  }
0x44: {  	v4 =	vmul.u32 $0x18, v58  }
0x45: {  	v3 =	vand.u32 $0x7, v3  }
0x46: {  	v3 =	vor.u32 v3, v4  }
0x47: {  	v4 =	vperm.xlane v3, v0;
	_ =	sdelay $0x1  }
0x48: {  	v4 =	vadd.s32 v1, v4;
	_ =	sdelay $0x1  }
0x49: {  	v3 =	vperm.xlane v3, v2;
	_ =	sdelay $0x1  }
0x4a: {  	s24 =	simm.s32 $0x3200;
	v3 =	vadd.s32 v1, v3  }
0x4b: {  	[tilespmem:s24], [sflag:$0x1] =	stream.indirect_vreg.gather [hbm4b:s3+s2], $0x80, v4, vm0, $0xb8;
	[tilespmem:$0x18200] =	vst v63  }
0x4c: {  	s25 =	simm.s32 $0x3A00  }
0x4d: {  	[tilespmem:s25], [sflag:$0x1] =	stream.indirect_vreg.gather [hbm4b:s8+s2], $0x80, v4, vm1, $0xb8;
	[tilespmem:$0x18200] =	vst v63  }
0x4e: {  	s29 =	simm.s32 $0x3E00  }
0x4f: {  	[tilespmem:s29], [sflag:$0x1] =	stream.indirect_vreg.gather [hbm4b:s3+s2], $0x80, v3, vm0, $0xb8;
	[tilespmem:$0x18200] =	vst v63  }
0x50: {  	s1 =	simm.s32 $0x4600  }
0x51: {  	[tilespmem:s1], [sflag:$0x1] =	stream.indirect_vreg.gather [hbm4b:s8+s2], $0x80, v3, vm1, $0xb8;
	[tilespmem:$0x18200] =	vst v63  }
0x52: {  	v3 =	vld [tilespmem:$0x30];
	_ =	sdelay $0x4  }
0x53: {  	v59 =	vshrl.u32 v3, $0x3  }
0x54: {  	v4 =	vmul.u32 $0x18, v59  }
0x55: {  	v3 =	vand.u32 $0x7, v3  }
0x56: {  	v3 =	vor.u32 v3, v4  }
0x57: {  	v4 =	vperm.xlane v3, v0;
	_ =	sdelay $0x1  }
0x58: {  	v4 =	vadd.s32 v1, v4;
	_ =	sdelay $0x1  }
0x59: {  	v3 =	vperm.xlane v3, v2;
	_ =	sdelay $0x1  }
0x5a: {  	s4 =	simm.s32 $0x4A00;
	v3 =	vadd.s32 v1, v3  }
0x5b: {  	[tilespmem:s4], [sflag:$0x1] =	stream.indirect_vreg.gather [hbm4b:s3+s2], $0x80, v4, vm0, $0xb8;
	[tilespmem:$0x18200] =	vst v63  }
0x5c: {  	s5 =	simm.s32 $0x5200  }
0x5d: {  	[tilespmem:s5], [sflag:$0x1] =	stream.indirect_vreg.gather [hbm4b:s8+s2], $0x80, v4, vm1, $0xb8;
	[tilespmem:$0x18200] =	vst v63  }
0x5e: {  	s6 =	simm.s32 $0x5600  }
0x5f: {  	[tilespmem:s6], [sflag:$0x1] =	stream.indirect_vreg.gather [hbm4b:s3+s2], $0x80, v3, vm0, $0xb8;
	[tilespmem:$0x18200] =	vst v63  }
0x60: {  	s7 =	simm.s32 $0x5E00  }
0x61: {  	[tilespmem:s7], [sflag:$0x1] =	stream.indirect_vreg.gather [hbm4b:s8+s2], $0x80, v3, vm1, $0xb8;
	[tilespmem:$0x18200] =	vst v63  }
0x62: {  	v3 =	vld [tilespmem:$0x80];
	_ =	sdelay $0x4  }
0x63: {  	v60 =	vshrl.u32 v3, $0x3  }
0x64: {  	v4 =	vmul.u32 $0x18, v60  }
0x65: {  	v3 =	vand.u32 $0x7, v3  }
0x66: {  	v3 =	vor.u32 v3, v4  }
0x67: {  	v4 =	vperm.xlane v3, v0;
	_ =	sdelay $0x1  }
0x68: {  	v4 =	vadd.s32 v1, v4;
	_ =	sdelay $0x1  }
0x69: {  	v3 =	vperm.xlane v3, v2;
	_ =	sdelay $0x1  }
0x6a: {  	s9 =	simm.s32 $0x6200;
	v3 =	vadd.s32 v1, v3  }
0x6b: {  	[tilespmem:s9], [sflag:$0x2] =	stream.indirect_vreg.gather [hbm4b:s3+s2], $0x80, v4, vm0, $0xb8;
	[tilespmem:$0x18200] =	vst v63  }
0x6c: {  	s10 =	simm.s32 $0x6A00  }
0x6d: {  	[tilespmem:s10], [sflag:$0x2] =	stream.indirect_vreg.gather [hbm4b:s8+s2], $0x80, v4, vm1, $0xb8;
	[tilespmem:$0x18200] =	vst v63  }
0x6e: {  	s11 =	simm.s32 $0x6E00  }
0x6f: {  	[tilespmem:s11], [sflag:$0x2] =	stream.indirect_vreg.gather [hbm4b:s3+s2], $0x80, v3, vm0, $0xb8;
	[tilespmem:$0x18200] =	vst v63  }
0x70: {  	s14 =	simm.s32 $0x7600  }
0x71: {  	[tilespmem:s14], [sflag:$0x2] =	stream.indirect_vreg.gather [hbm4b:s8+s2], $0x80, v3, vm1, $0xb8;
	[tilespmem:$0x18200] =	vst v63  }
0x72: {  	v3 =	vld [tilespmem:$0x90];
	_ =	sdelay $0x4  }
0x73: {  	v61 =	vshrl.u32 v3, $0x3  }
0x74: {  	v4 =	vmul.u32 $0x18, v61  }
0x75: {  	v3 =	vand.u32 $0x7, v3  }
0x76: {  	v3 =	vor.u32 v3, v4  }
0x77: {  	v4 =	vperm.xlane v3, v0;
	_ =	sdelay $0x1  }
0x78: {  	v4 =	vadd.s32 v1, v4;
	_ =	sdelay $0x1  }
0x79: {  	v3 =	vperm.xlane v3, v2;
	_ =	sdelay $0x1  }
0x7a: {  	s15 =	simm.s32 $0x7A00;
	v3 =	vadd.s32 v1, v3  }
0x7b: {  	[tilespmem:s15], [sflag:$0x2] =	stream.indirect_vreg.gather [hbm4b:s3+s2], $0x80, v4, vm0, $0xb8;
	[tilespmem:$0x18200] =	vst v63  }
0x7c: {  	s16 =	simm.s32 $0x8200  }
0x7d: {  	[tilespmem:s16], [sflag:$0x2] =	stream.indirect_vreg.gather [hbm4b:s8+s2], $0x80, v4, vm1, $0xb8;
	[tilespmem:$0x18200] =	vst v63  }
0x7e: {  	s17 =	simm.s32 $0x8600  }
0x7f: {  	[tilespmem:s17], [sflag:$0x2] =	stream.indirect_vreg.gather [hbm4b:s3+s2], $0x80, v3, vm0, $0xb8;
	[tilespmem:$0x18200] =	vst v63  }
0x80: {  	s18 =	simm.s32 $0x8E00  }
0x81: {  	[tilespmem:s18], [sflag:$0x2] =	stream.indirect_vreg.gather [hbm4b:s8+s2], $0x80, v3, vm1, $0xb8;
	[tilespmem:$0x18200] =	vst v63  }
0x82: {  	v3 =	vld [tilespmem:$0xA0];
	_ =	sdelay $0x4  }
0x83: {  	v62 =	vshrl.u32 v3, $0x3  }
0x84: {  	v4 =	vmul.u32 $0x18, v62  }
0x85: {  	v3 =	vand.u32 $0x7, v3  }
0x86: {  	v3 =	vor.u32 v3, v4  }
0x87: {  	v4 =	vperm.xlane v3, v0;
	_ =	sdelay $0x1  }
0x88: {  	v4 =	vadd.s32 v1, v4;
	_ =	sdelay $0x1  }
0x89: {  	v3 =	vperm.xlane v3, v2;
	_ =	sdelay $0x1  }
0x8a: {  	s19 =	simm.s32 $0x9200;
	v3 =	vadd.s32 v1, v3  }
0x8b: {  	[tilespmem:s19], [sflag:$0x2] =	stream.indirect_vreg.gather [hbm4b:s3+s2], $0x80, v4, vm0, $0xb8;
	[tilespmem:$0x18200] =	vst v63  }
0x8c: {  	s20 =	simm.s32 $0x9A00  }
0x8d: {  	[tilespmem:s20], [sflag:$0x2] =	stream.indirect_vreg.gather [hbm4b:s8+s2], $0x80, v4, vm1, $0xb8;
	[tilespmem:$0x18200] =	vst v63  }
0x8e: {  	s21 =	simm.s32 $0x9E00  }
0x8f: {  	[tilespmem:s21], [sflag:$0x2] =	stream.indirect_vreg.gather [hbm4b:s3+s2], $0x80, v3, vm0, $0xb8;
	[tilespmem:$0x18200] =	vst v63  }
0x90: {  	s22 =	simm.s32 $0xA600  }
0x91: {  	[tilespmem:s22], [sflag:$0x2] =	stream.indirect_vreg.gather [hbm4b:s8+s2], $0x80, v3, vm1, $0xb8;
	[tilespmem:$0x18200] =	vst v63  }
0x92: {  	v3 =	vld [tilespmem:$0xB0];
	_ =	sdelay $0x4  }
0x93: {  	v63 =	vshrl.u32 v3, $0x3  }
0x94: {  	v4 =	vmul.u32 $0x18, v63  }
0x95: {  	v3 =	vand.u32 $0x7, v3  }
0x96: {  	v3 =	vor.u32 v3, v4  }
0x97: {  	v4 =	vperm.xlane v3, v0;
	_ =	sdelay $0x1  }
0x98: {  	v4 =	vadd.s32 v1, v4;
	_ =	sdelay $0x1  }
0x99: {  	v3 =	vperm.xlane v3, v2;
	_ =	sdelay $0x1  }
0x9a: {  	s23 =	simm.s32 $0xAA00;
	v3 =	vadd.s32 v1, v3  }
0x9b: {  	[tilespmem:s23], [sflag:$0x2] =	stream.indirect_vreg.gather [hbm4b:s3+s2], $0x80, v4, vm0, $0xb8;
	[tilespmem:$0x18200] =	vst v63  }
0x9c: {  	s24 =	simm.s32 $0xB200  }
0x9d: {  	[tilespmem:s24], [sflag:$0x2] =	stream.indirect_vreg.gather [hbm4b:s8+s2], $0x80, v4, vm1, $0xb8;
	[tilespmem:$0x18200] =	vst v63  }
0x9e: {  	s25 =	simm.s32 $0xB600  }
0x9f: {  	[tilespmem:s25], [sflag:$0x2] =	stream.indirect_vreg.gather [hbm4b:s3+s2], $0x80, v3, vm0, $0xb8;
	[tilespmem:$0x18200] =	vst v63  }
0xa0: {  	s29 =	simm.s32 $0xBE00  }
0xa1: {  	[tilespmem:s29], [sflag:$0x2] =	stream.indirect_vreg.gather [hbm4b:s8+s2], $0x80, v3, vm1, $0xb8;
	[tilespmem:$0x18200] =	vst v63  }
0xa2: {  	_ =	swait.ge [sflag:s13], $0x6000  }
0xa3: {  	[sflag:s13] =	ssyncset.done $0x0  }
0xa4: {  	[sflag:s13] =	ssyncadd.s32 $0xFFFFA000  }
0xa5: {  	_ =	swait.ge [sflag:s26], $0x6000  }
0xa6: {  	[sflag:s26] =	ssyncset.done $0x0  }
0xa7: {  	s0 =	simm.s32 $0x180;
	s1 =	simm.s32 $0x0;
	[sflag:s26] =	ssyncadd.s32 $0xFFFFA000  }
.LBB2_2:
0xa8: {  	v3 =	vmov s1  }
0xa9: {  	v3 =	vand.u32 $0xFFFFFFFC, v3  }
0xaa: {  	s4 =	sshrl.u32 s1, $0x3;
	v3 =	vbroadcast v3, $0x0  }
0xab: {  	s5 =	sadd.s32 $0xFFFFFE80, s0;
	s18 =	smul.u32 $0xC00, s4  }
0xac: {  	s14 =	sand.u32 $0x200, s5  }
0xad: {  	s7 =	sor.u32 s14, s18  }
0xae: {  	s6 =	sadd.s32 $0x1, s1;
	v5 =	vld [tilespmem:s7+$0x200]  }
0xaf: {  	v4 =	vmov s6;
	v8 =	vld [tilespmem:s7+$0x6200]  }
0xb0: {  	v4 =	vand.u32 $0xFFFFFFFD, v4;
	v6 =	vld.idx.msk [tilespmem:v3+s12+$0x0], $0xffff  }
0xb1: {  	v7 =	vbroadcast v4, $0x0;
	v4 =	vld.idx.msk [tilespmem:v3+s28+$0x0], $0xffff;
	_ =	sdelay $0x1  }
0xb2: {  	s20 =	sadd.s32 $0xFFFFFF00, s0  }
0xb3: {  	s11 =	sand.u32 $0x280, s20  }
0xb4: {  	s4 =	smul.u32 $0x6000, s4;
	s23 =	sor.u32 s18, s11;
	v9 =	vshll.u32 v5, $0x10;
	v5 =	vand.u32 $0xFFFF0000, v5;
	v10 =	vshll.u32 v8, $0x10  }
0xb5: {  	v11 =	vld [tilespmem:s23+$0x200];
	v8 =	vand.u32 $0xFFFF0000, v8;
	v9 =	vmul.f32 v9, v6;
	v10 =	vmul.f32 v10, v4  }
0xb6: {  	s15 =	sshra.s32 s4, $0x2;
	v13 =	vld [tilespmem:s23+$0x6200];
	v12 =	vmul.f32 v5, v6;
	v8 =	vmul.f32 v8, v4  }
0xb7: {  	s22 =	sadd.s32 $0xC200, s15;
	v3 =	vld.idx.msk [tilespmem:v7+s12+$0x0], $0xffff;
	v9 =	vadd.f32 v10, v9  }
0xb8: {  	s24 =	sadd.s32 $0xCE00, s15;
	s20 =	sadd.s32 s14, s22;
	v5 =	vld.idx.msk [tilespmem:v7+s28+$0x0], $0xffff;
	v34 =	vadd.f32 v8, v12  }
0xb9: {  	s9 =	sadd.s32 s14, s24;
	[tilespmem:s20+$0x0] =	vst v9  }
0xba: {  	[tilespmem:s9+$0x0] =	vst v34  }
0xbb: {  	v7 =	vld [tilespmem:s7+$0x210]  }
0xbc: {  	v35 =	vshll.u32 v11, $0x10;
	v36 =	vand.u32 $0xFFFF0000, v11;
	v37 =	vshll.u32 v13, $0x10;
	v38 =	vld [tilespmem:s7+$0x6210]  }
0xbd: {  	v39 =	vand.u32 $0xFFFF0000, v13;
	v8 =	vmul.f32 v35, v3;
	v10 =	vmul.f32 v37, v5  }
0xbe: {  	v9 =	vmul.f32 v36, v3;
	v12 =	vmul.f32 v39, v5  }
0xbf: {  	v8 =	vadd.f32 v10, v8  }
0xc0: {  	s19 =	sadd.s32 s11, s22;
	v9 =	vadd.f32 v12, v9  }
0xc1: {  	s10 =	sadd.s32 s11, s24;
	[tilespmem:s19+$0x0] =	vst v8;
	v40 =	vshll.u32 v7, $0x10;
	v7 =	vand.u32 $0xFFFF0000, v7;
	v41 =	vshll.u32 v38, $0x10  }
0xc2: {  	[tilespmem:s10+$0x0] =	vst v9;
	v42 =	vand.u32 $0xFFFF0000, v38;
	v8 =	vmul.f32 v40, v6;
	v10 =	vmul.f32 v41, v4  }
0xc3: {  	v43 =	vld [tilespmem:s23+$0x210];
	v7 =	vmul.f32 v7, v6;
	v9 =	vmul.f32 v42, v4  }
0xc4: {  	v44 =	vld [tilespmem:s23+$0x6210];
	v8 =	vadd.f32 v10, v8  }
0xc5: {  	v7 =	vadd.f32 v9, v7  }
0xc6: {  	[tilespmem:s20+$0x10] =	vst v8  }
0xc7: {  	[tilespmem:s9+$0x10] =	vst v7  }
0xc8: {  	v7 =	vld [tilespmem:s7+$0x220]  }
0xc9: {  	v45 =	vshll.u32 v43, $0x10;
	v46 =	vand.u32 $0xFFFF0000, v43;
	v47 =	vshll.u32 v44, $0x10;
	v48 =	vld [tilespmem:s7+$0x6220]  }
0xca: {  	v12 =	vand.u32 $0xFFFF0000, v44;
	v8 =	vmul.f32 v45, v3;
	v10 =	vmul.f32 v47, v5  }
0xcb: {  	v9 =	vmul.f32 v46, v3;
	v12 =	vmul.f32 v12, v5  }
0xcc: {  	v8 =	vadd.f32 v10, v8  }
0xcd: {  	v9 =	vadd.f32 v12, v9  }
0xce: {  	[tilespmem:s19+$0x10] =	vst v8;
	v49 =	vshll.u32 v7, $0x10;
	v7 =	vand.u32 $0xFFFF0000, v7;
	v50 =	vshll.u32 v48, $0x10  }
0xcf: {  	[tilespmem:s10+$0x10] =	vst v9;
	v51 =	vand.u32 $0xFFFF0000, v48;
	v8 =	vmul.f32 v49, v6;
	v10 =	vmul.f32 v50, v4  }
0xd0: {  	v52 =	vld [tilespmem:s23+$0x220];
	v7 =	vmul.f32 v7, v6;
	v9 =	vmul.f32 v51, v4  }
0xd1: {  	v53 =	vld [tilespmem:s23+$0x6220];
	v8 =	vadd.f32 v10, v8  }
0xd2: {  	v7 =	vadd.f32 v9, v7  }
0xd3: {  	[tilespmem:s20+$0x20] =	vst v8  }
0xd4: {  	[tilespmem:s9+$0x20] =	vst v7  }
0xd5: {  	v7 =	vld [tilespmem:s7+$0x230]  }
0xd6: {  	v54 =	vshll.u32 v52, $0x10;
	v55 =	vand.u32 $0xFFFF0000, v52;
	v56 =	vshll.u32 v53, $0x10;
	v57 =	vld [tilespmem:s7+$0x6230]  }
0xd7: {  	v12 =	vand.u32 $0xFFFF0000, v53;
	v8 =	vmul.f32 v54, v3;
	v10 =	vmul.f32 v56, v5  }
0xd8: {  	v9 =	vmul.f32 v55, v3;
	v12 =	vmul.f32 v12, v5  }
0xd9: {  	v8 =	vadd.f32 v10, v8  }
0xda: {  	v9 =	vadd.f32 v12, v9  }
0xdb: {  	[tilespmem:s19+$0x20] =	vst v8;
	v58 =	vshll.u32 v7, $0x10;
	v7 =	vand.u32 $0xFFFF0000, v7;
	v59 =	vshll.u32 v57, $0x10  }
0xdc: {  	[tilespmem:s10+$0x20] =	vst v9;
	v60 =	vand.u32 $0xFFFF0000, v57;
	v8 =	vmul.f32 v58, v6;
	v10 =	vmul.f32 v59, v4  }
0xdd: {  	v61 =	vld [tilespmem:s23+$0x230];
	v7 =	vmul.f32 v7, v6;
	v9 =	vmul.f32 v60, v4  }
0xde: {  	v62 =	vld [tilespmem:s23+$0x6230];
	v8 =	vadd.f32 v10, v8  }
0xdf: {  	v7 =	vadd.f32 v9, v7  }
0xe0: {  	[tilespmem:s20+$0x30] =	vst v8  }
0xe1: {  	[tilespmem:s9+$0x30] =	vst v7  }
0xe2: {  	v7 =	vld [tilespmem:s7+$0x240]  }
0xe3: {  	v63 =	vshll.u32 v61, $0x10;
	v16 =	vand.u32 $0xFFFF0000, v61;
	v17 =	vshll.u32 v62, $0x10;
	v18 =	vld [tilespmem:s7+$0x6240]  }
0xe4: {  	v12 =	vand.u32 $0xFFFF0000, v62;
	v8 =	vmul.f32 v63, v3;
	v10 =	vmul.f32 v17, v5  }
0xe5: {  	v9 =	vmul.f32 v16, v3;
	v12 =	vmul.f32 v12, v5  }
0xe6: {  	v8 =	vadd.f32 v10, v8  }
0xe7: {  	v9 =	vadd.f32 v12, v9  }
0xe8: {  	[tilespmem:s19+$0x30] =	vst v8;
	v19 =	vshll.u32 v7, $0x10;
	v7 =	vand.u32 $0xFFFF0000, v7;
	v20 =	vshll.u32 v18, $0x10  }
0xe9: {  	[tilespmem:s10+$0x30] =	vst v9;
	v21 =	vand.u32 $0xFFFF0000, v18;
	v8 =	vmul.f32 v19, v6;
	v10 =	vmul.f32 v20, v4  }
0xea: {  	v22 =	vld [tilespmem:s23+$0x240];
	v7 =	vmul.f32 v7, v6;
	v9 =	vmul.f32 v21, v4  }
0xeb: {  	v23 =	vld [tilespmem:s23+$0x6240];
	v8 =	vadd.f32 v10, v8  }
0xec: {  	v7 =	vadd.f32 v9, v7  }
0xed: {  	[tilespmem:s20+$0x40] =	vst v8  }
0xee: {  	[tilespmem:s9+$0x40] =	vst v7  }
0xef: {  	v7 =	vld [tilespmem:s7+$0x250]  }
0xf0: {  	v24 =	vshll.u32 v22, $0x10;
	v25 =	vand.u32 $0xFFFF0000, v22;
	v26 =	vshll.u32 v23, $0x10;
	v27 =	vld [tilespmem:s7+$0x6250]  }
0xf1: {  	s21 =	sadd.s32 $0x2, s1;
	v12 =	vand.u32 $0xFFFF0000, v23;
	v8 =	vmul.f32 v24, v3;
	v10 =	vmul.f32 v26, v5  }
0xf2: {  	v33 =	vmov s21;
	v9 =	vmul.f32 v25, v3;
	v12 =	vmul.f32 v12, v5  }
0xf3: {  	v34 =	vand.u32 $0xFFFFFFFE, v33;
	v8 =	vadd.f32 v10, v8  }
0xf4: {  	v35 =	vbroadcast v34, $0x0;
	v9 =	vadd.f32 v12, v9  }
0xf5: {  	[tilespmem:s19+$0x40] =	vst v8;
	v28 =	vshll.u32 v7, $0x10;
	v7 =	vand.u32 $0xFFFF0000, v7;
	v29 =	vshll.u32 v27, $0x10  }
0xf6: {  	s25 =	sadd.s32 $0xFFFFFF80, s0;
	[tilespmem:s10+$0x40] =	vst v9;
	v30 =	vand.u32 $0xFFFF0000, v27;
	v8 =	vmul.f32 v28, v6;
	v10 =	vmul.f32 v29, v4  }
0xf7: {  	s17 =	sand.u32 $0x300, s25;
	v31 =	vld [tilespmem:s23+$0x250];
	v7 =	vmul.f32 v7, v6;
	v9 =	vmul.f32 v30, v4  }
0xf8: {  	s5 =	sor.u32 s18, s17;
	v32 =	vld [tilespmem:s23+$0x6250];
	v8 =	vadd.f32 v10, v8  }
0xf9: {  	v40 =	vld [tilespmem:s5+$0x200];
	v7 =	vadd.f32 v9, v7  }
0xfa: {  	v41 =	vld [tilespmem:s5+$0x6200];
	[tilespmem:s20+$0x50] =	vst v8  }
0xfb: {  	s29 =	sadd.s32 $0x3, s1;
	v9 =	vld.idx.msk [tilespmem:v35+s28+$0x0], $0xffff;
	[tilespmem:s9+$0x50] =	vst v7  }
0xfc: {  	v14 =	vmov s29;
	v8 =	vld [tilespmem:s7+$0x260]  }
0xfd: {  	v36 =	vshll.u32 v31, $0x10;
	v37 =	vand.u32 $0xFFFF0000, v31;
	v38 =	vshll.u32 v32, $0x10;
	v39 =	vld [tilespmem:s7+$0x6260]  }
0xfe: {  	v12 =	vand.u32 $0xFFFF0000, v32;
	v7 =	vmul.f32 v36, v3;
	v11 =	vmul.f32 v38, v5  }
0xff: {  	s16 =	sand.u32 $0x380, s0;
	v10 =	vmul.f32 v37, v3;
	v12 =	vmul.f32 v12, v5  }
0x100: {  	s4 =	sor.u32 s18, s16;
	v19 =	vshll.u32 v41, $0x10;
	v11 =	vadd.f32 v11, v7;
	v7 =	vld.idx.msk [tilespmem:v35+s12+$0x0], $0xffff  }
0x101: {  	v45 =	vshll.u32 v40, $0x10;
	v18 =	vld [tilespmem:s4+$0x200];
	v10 =	vadd.f32 v12, v10;
	v19 =	vmul.f32 v19, v9  }
0x102: {  	v20 =	vld [tilespmem:s4+$0x6200];
	[tilespmem:s19+$0x50] =	vst v11;
	v15 =	vshll.u32 v8, $0x10;
	v16 =	vshll.u32 v39, $0x10;
	v17 =	vand.u32 $0xFFFF0000, v8  }
0x103: {  	[tilespmem:s10+$0x50] =	vst v10;
	v10 =	vld.idx.msk [tilespmem:v14+s28+$0x0], $0xffff;
	v13 =	vand.u32 $0xFFFF0000, v39;
	v42 =	vmul.f32 v15, v6;
	v43 =	vmul.f32 v16, v4  }
0x104: {  	v12 =	vand.u32 $0xFFFF0000, v40;
	v44 =	vld [tilespmem:s23+$0x260];
	v17 =	vmul.f32 v17, v6;
	v13 =	vmul.f32 v13, v4  }
0x105: {  	v11 =	vand.u32 $0xFFFF0000, v41;
	v8 =	vld.idx.msk [tilespmem:v14+s12+$0x0], $0xffff;
	v21 =	vmul.f32 v45, v7;
	v15 =	vadd.f32 v43, v42  }
0x106: {  	v11 =	vmul.f32 v11, v9;
	v46 =	vld [tilespmem:s23+$0x6260];
	v12 =	vmul.f32 v12, v7;
	v13 =	vadd.f32 v13, v17  }
0x107: {  	v50 =	vshll.u32 v18, $0x10;
	v47 =	vadd.f32 v19, v21;
	[tilespmem:s20+$0x60] =	vst v15  }
0x108: {  	s21 =	sadd.s32 s17, s22;
	v51 =	vand.u32 $0xFFFF0000, v18;
	v52 =	vshll.u32 v20, $0x10;
	v11 =	vadd.f32 v11, v12;
	[tilespmem:s9+$0x60] =	vst v13  }
0x109: {  	s6 =	sadd.s32 s17, s24;
	v54 =	vand.u32 $0xFFFF0000, v20;
	v18 =	vmul.f32 v52, v10;
	v48 =	vshll.u32 v44, $0x10;
	[tilespmem:s21+$0x0] =	vst v47;
	v49 =	vld [tilespmem:s7+$0x270]  }
0x10a: {  	v15 =	vmul.f32 v50, v8;
	v16 =	vand.u32 $0xFFFF0000, v44;
	v17 =	vmul.f32 v51, v8;
	[tilespmem:s6+$0x0] =	vst v11;
	v53 =	vld [tilespmem:s7+$0x6270]  }
0x10b: {  	v56 =	vshll.u32 v46, $0x10;
	v14 =	vand.u32 $0xFFFF0000, v46;
	v11 =	vmul.f32 v54, v10;
	v55 =	vld [tilespmem:s5+$0x210]  }
0x10c: {  	v13 =	vmul.f32 v48, v3;
	v57 =	vmul.f32 v56, v5;
	v22 =	vld [tilespmem:s5+$0x6210];
	v15 =	vadd.f32 v18, v15  }
0x10d: {  	s22 =	sadd.s32 s16, s22;
	v16 =	vmul.f32 v16, v3;
	v14 =	vmul.f32 v14, v5;
	v11 =	vadd.f32 v11, v17  }
0x10e: {  	s7 =	sadd.s32 s16, s24;
	[tilespmem:s22+$0x0] =	vst v15  }
0x10f: {  	v13 =	vadd.f32 v57, v13;
	v14 =	vadd.f32 v14, v16;
	[tilespmem:s7+$0x0] =	vst v11;
	v58 =	vshll.u32 v49, $0x10  }
0x110: {  	v61 =	vld [tilespmem:s4+$0x210];
	v59 =	vshll.u32 v53, $0x10;
	v62 =	vshll.u32 v55, $0x10;
	v63 =	vand.u32 $0xFFFF0000, v55  }
0x111: {  	v25 =	vld [tilespmem:s4+$0x6210];
	v24 =	vshll.u32 v22, $0x10;
	v17 =	vmul.f32 v58, v6;
	v60 =	vmul.f32 v59, v4  }
0x112: {  	[tilespmem:s19+$0x60] =	vst v13;
	v26 =	vand.u32 $0xFFFF0000, v22;
	v16 =	vmul.f32 v62, v7;
	v20 =	vmul.f32 v24, v9  }
0x113: {  	[tilespmem:s10+$0x60] =	vst v14;
	v12 =	vand.u32 $0xFFFF0000, v49;
	v27 =	vmul.f32 v63, v7;
	v13 =	vmul.f32 v26, v9  }
0x114: {  	v28 =	vand.u32 $0xFFFF0000, v53;
	v29 =	vld [tilespmem:s23+$0x270];
	v12 =	vmul.f32 v12, v6;
	v16 =	vadd.f32 v20, v16  }
0x115: {  	v30 =	vld [tilespmem:s23+$0x6270];
	v18 =	vmul.f32 v28, v4;
	v11 =	vadd.f32 v60, v17;
	v13 =	vadd.f32 v13, v27  }
0x116: {  	v31 =	vshll.u32 v61, $0x10;
	v15 =	vand.u32 $0xFFFF0000, v61;
	v32 =	vshll.u32 v25, $0x10;
	[tilespmem:s21+$0x10] =	vst v16  }
0x117: {  	v33 =	vand.u32 $0xFFFF0000, v25;
	v14 =	vmul.f32 v31, v8;
	v16 =	vmul.f32 v32, v10;
	[tilespmem:s6+$0x10] =	vst v13  }
0x118: {  	v12 =	vadd.f32 v18, v12;
	v15 =	vmul.f32 v15, v8;
	v13 =	vmul.f32 v33, v10;
	v34 =	vld [tilespmem:s5+$0x220]  }
0x119: {  	[tilespmem:s20+$0x70] =	vst v11;
	v35 =	vld [tilespmem:s5+$0x6220];
	v14 =	vadd.f32 v16, v14  }
0x11a: {  	v36 =	vshll.u32 v29, $0x10;
	v37 =	vshll.u32 v30, $0x10;
	[tilespmem:s9+$0x70] =	vst v12;
	s9 =	sadd.s32 $0x400, s18;
	v13 =	vadd.f32 v13, v15  }
0x11b: {  	v12 =	vmul.f32 v36, v3;
	v38 =	vmul.f32 v37, v5;
	s24 =	sor.u32 s14, s9;
	[tilespmem:s22+$0x10] =	vst v14  }
0x11c: {  	v40 =	vand.u32 $0xFFFF0000, v29;
	v41 =	vand.u32 $0xFFFF0000, v30;
	v39 =	vld [tilespmem:s24+$0x200];
	[tilespmem:s7+$0x10] =	vst v13  }
0x11d: {  	v42 =	vmul.f32 v40, v3;
	v43 =	vmul.f32 v41, v5;
	v12 =	vadd.f32 v38, v12;
	v44 =	vld [tilespmem:s4+$0x220]  }
0x11e: {  	v47 =	vld [tilespmem:s4+$0x6220];
	v45 =	vshll.u32 v34, $0x10;
	v18 =	vand.u32 $0xFFFF0000, v34;
	v46 =	vshll.u32 v35, $0x10  }
0x11f: {  	v11 =	vand.u32 $0xFFFF0000, v35;
	v17 =	vmul.f32 v45, v7;
	v19 =	vmul.f32 v46, v9  }
0x120: {  	v13 =	vadd.f32 v43, v42;
	v48 =	vmul.f32 v18, v7;
	v11 =	vmul.f32 v11, v9  }
0x121: {  	v49 =	vld [tilespmem:s24+$0x6200];
	[tilespmem:s19+$0x70] =	vst v12;
	v50 =	vadd.f32 v19, v17  }
0x122: {  	s23 =	sor.u32 s11, s9;
	[tilespmem:s10+$0x70] =	vst v13;
	v51 =	vshll.u32 v39, $0x10;
	v11 =	vadd.f32 v11, v48  }
0x123: {  	v13 =	vld [tilespmem:s23+$0x200];
	v52 =	vshll.u32 v44, $0x10;
	v53 =	vand.u32 $0xFFFF0000, v44;
	v54 =	vshll.u32 v47, $0x10;
	[tilespmem:s21+$0x20] =	vst v50  }
0x124: {  	v55 =	vld [tilespmem:s23+$0x6200];
	v56 =	vand.u32 $0xFFFF0000, v47;
	v12 =	vmul.f32 v52, v8;
	v16 =	vmul.f32 v54, v10;
	[tilespmem:s6+$0x20] =	vst v11  }
0x125: {  	v14 =	vand.u32 $0xFFFF0000, v39;
	v15 =	vmul.f32 v53, v8;
	v11 =	vmul.f32 v56, v10;
	v57 =	vld [tilespmem:s5+$0x230]  }
0x126: {  	v58 =	vshll.u32 v49, $0x10;
	v18 =	vand.u32 $0xFFFF0000, v49;
	v59 =	vld [tilespmem:s5+$0x6230];
	v12 =	vadd.f32 v16, v12  }
0x127: {  	v60 =	vmul.f32 v51, v6;
	v61 =	vmul.f32 v58, v4;
	v11 =	vadd.f32 v11, v15  }
0x128: {  	v14 =	vmul.f32 v14, v6;
	v62 =	vmul.f32 v18, v4;
	[tilespmem:s22+$0x20] =	vst v12  }
0x129: {  	v63 =	vadd.f32 v61, v60;
	v21 =	vshll.u32 v13, $0x10;
	v23 =	vshll.u32 v55, $0x10;
	[tilespmem:s7+$0x20] =	vst v11  }
0x12a: {  	v24 =	vadd.f32 v62, v14;
	v25 =	vmul.f32 v21, v3;
	v26 =	vmul.f32 v23, v5;
	v27 =	vld [tilespmem:s4+$0x230]  }
0x12b: {  	s10 =	sadd.s32 $0xD200, s15;
	v31 =	vld [tilespmem:s4+$0x6230];
	v28 =	vshll.u32 v57, $0x10;
	v29 =	vand.u32 $0xFFFF0000, v57;
	v30 =	vshll.u32 v59, $0x10  }
0x12c: {  	s25 =	sadd.s32 s14, s10;
	[tilespmem:s20+$0x400] =	vst v63;
	v32 =	vand.u32 $0xFFFF0000, v59;
	v17 =	vmul.f32 v28, v7;
	v20 =	vmul.f32 v30, v9  }
0x12d: {  	v19 =	vand.u32 $0xFFFF0000, v55;
	[tilespmem:s25+$0x0] =	vst v24;
	v34 =	vmul.f32 v29, v7;
	v12 =	vmul.f32 v32, v9  }
0x12e: {  	v33 =	vand.u32 $0xFFFF0000, v13;
	v19 =	vmul.f32 v19, v5;
	v35 =	vld [tilespmem:s24+$0x210];
	v36 =	vadd.f32 v20, v17  }
0x12f: {  	v37 =	vld [tilespmem:s24+$0x6210];
	v14 =	vadd.f32 v26, v25;
	v11 =	vmul.f32 v33, v3;
	v12 =	vadd.f32 v12, v34  }
0x130: {  	v38 =	vshll.u32 v27, $0x10;
	v39 =	vand.u32 $0xFFFF0000, v27;
	v40 =	vshll.u32 v31, $0x10;
	[tilespmem:s21+$0x30] =	vst v36  }
0x131: {  	v41 =	vand.u32 $0xFFFF0000, v31;
	v13 =	vmul.f32 v38, v8;
	v16 =	vmul.f32 v40, v10;
	[tilespmem:s6+$0x30] =	vst v12  }
0x132: {  	v11 =	vadd.f32 v19, v11;
	v15 =	vmul.f32 v39, v8;
	v12 =	vmul.f32 v41, v10;
	v42 =	vld [tilespmem:s5+$0x240]  }
0x133: {  	s29 =	sadd.s32 s11, s10;
	[tilespmem:s19+$0x400] =	vst v14;
	v43 =	vld [tilespmem:s5+$0x6240];
	v13 =	vadd.f32 v16, v13  }
0x134: {  	v44 =	vshll.u32 v35, $0x10;
	v45 =	vshll.u32 v37, $0x10;
	[tilespmem:s29+$0x0] =	vst v11;
	v46 =	vadd.f32 v12, v15  }
0x135: {  	v47 =	vmul.f32 v44, v6;
	v48 =	vmul.f32 v45, v4;
	[tilespmem:s22+$0x30] =	vst v13  }
0x136: {  	v49 =	vand.u32 $0xFFFF0000, v35;
	v50 =	vand.u32 $0xFFFF0000, v37;
	v51 =	vld [tilespmem:s23+$0x210];
	[tilespmem:s7+$0x30] =	vst v46  }
0x137: {  	v53 =	vmul.f32 v49, v6;
	v54 =	vmul.f32 v50, v4;
	v52 =	vadd.f32 v48, v47;
	v55 =	vld [tilespmem:s4+$0x240]  }
0x138: {  	v59 =	vld [tilespmem:s4+$0x6240];
	v56 =	vshll.u32 v42, $0x10;
	v57 =	vand.u32 $0xFFFF0000, v42;
	v58 =	vshll.u32 v43, $0x10  }
0x139: {  	v14 =	vand.u32 $0xFFFF0000, v43;
	v16 =	vmul.f32 v56, v7;
	v19 =	vmul.f32 v58, v9  }
0x13a: {  	v12 =	vadd.f32 v54, v53;
	v60 =	vmul.f32 v57, v7;
	v14 =	vmul.f32 v14, v9  }
0x13b: {  	v61 =	vld [tilespmem:s23+$0x6210];
	[tilespmem:s20+$0x410] =	vst v52;
	v16 =	vadd.f32 v19, v16  }
0x13c: {  	v62 =	vshll.u32 v51, $0x10;
	[tilespmem:s25+$0x10] =	vst v12;
	v13 =	vadd.f32 v14, v60  }
0x13d: {  	v63 =	vld [tilespmem:s24+$0x220];
	v22 =	vshll.u32 v55, $0x10;
	v15 =	vand.u32 $0xFFFF0000, v55;
	v23 =	vshll.u32 v59, $0x10;
	[tilespmem:s21+$0x40] =	vst v16  }
0x13e: {  	v24 =	vld [tilespmem:s24+$0x6220];
	v25 =	vand.u32 $0xFFFF0000, v59;
	v16 =	vmul.f32 v22, v8;
	v18 =	vmul.f32 v23, v10;
	[tilespmem:s6+$0x40] =	vst v13  }
0x13f: {  	v17 =	vand.u32 $0xFFFF0000, v51;
	v15 =	vmul.f32 v15, v8;
	v13 =	vmul.f32 v25, v10;
	v26 =	vld [tilespmem:s5+$0x250]  }
0x140: {  	v27 =	vshll.u32 v61, $0x10;
	v11 =	vand.u32 $0xFFFF0000, v61;
	v28 =	vld [tilespmem:s5+$0x6250];
	v16 =	vadd.f32 v18, v16  }
0x141: {  	v17 =	vmul.f32 v17, v3;
	v11 =	vmul.f32 v11, v5;
	v13 =	vadd.f32 v13, v15  }
0x142: {  	v29 =	vmul.f32 v27, v5;
	v12 =	vmul.f32 v62, v3;
	[tilespmem:s22+$0x40] =	vst v16  }
0x143: {  	v11 =	vadd.f32 v11, v17;
	v30 =	vshll.u32 v63, $0x10;
	v31 =	vshll.u32 v24, $0x10;
	[tilespmem:s7+$0x40] =	vst v13  }
0x144: {  	v12 =	vadd.f32 v29, v12;
	v32 =	vmul.f32 v31, v4;
	v15 =	vmul.f32 v30, v6;
	v33 =	vld [tilespmem:s4+$0x250]  }
0x145: {  	v37 =	vld [tilespmem:s4+$0x6250];
	v34 =	vshll.u32 v26, $0x10;
	v35 =	vand.u32 $0xFFFF0000, v26;
	v36 =	vshll.u32 v28, $0x10  }
0x146: {  	[tilespmem:s19+$0x410] =	vst v12;
	v38 =	vand.u32 $0xFFFF0000, v28;
	v17 =	vmul.f32 v34, v7;
	v20 =	vmul.f32 v36, v9  }
0x147: {  	[tilespmem:s29+$0x10] =	vst v11;
	v14 =	vand.u32 $0xFFFF0000, v63;
	v39 =	vmul.f32 v35, v7;
	v12 =	vmul.f32 v38, v9  }
0x148: {  	v40 =	vand.u32 $0xFFFF0000, v24;
	v41 =	vld [tilespmem:s23+$0x220];
	v14 =	vmul.f32 v14, v6;
	v17 =	vadd.f32 v20, v17  }
0x149: {  	v42 =	vld [tilespmem:s23+$0x6220];
	v18 =	vmul.f32 v40, v4;
	v13 =	vadd.f32 v32, v15;
	v11 =	vadd.f32 v12, v39  }
0x14a: {  	v43 =	vshll.u32 v33, $0x10;
	v16 =	vand.u32 $0xFFFF0000, v33;
	v44 =	vshll.u32 v37, $0x10;
	[tilespmem:s21+$0x50] =	vst v17  }
0x14b: {  	v45 =	vand.u32 $0xFFFF0000, v37;
	v12 =	vmul.f32 v43, v8;
	v17 =	vmul.f32 v44, v10;
	[tilespmem:s6+$0x50] =	vst v11  }
0x14c: {  	v14 =	vadd.f32 v18, v14;
	v16 =	vmul.f32 v16, v8;
	v11 =	vmul.f32 v45, v10;
	v46 =	vld [tilespmem:s5+$0x260]  }
0x14d: {  	[tilespmem:s20+$0x420] =	vst v13;
	v47 =	vld [tilespmem:s5+$0x6260];
	v12 =	vadd.f32 v17, v12  }
0x14e: {  	v48 =	vshll.u32 v41, $0x10;
	v49 =	vshll.u32 v42, $0x10;
	[tilespmem:s25+$0x20] =	vst v14;
	v11 =	vadd.f32 v11, v16  }
0x14f: {  	v50 =	vmul.f32 v49, v5;
	v14 =	vmul.f32 v48, v3;
	[tilespmem:s22+$0x50] =	vst v12  }
0x150: {  	v52 =	vand.u32 $0xFFFF0000, v42;
	v15 =	vand.u32 $0xFFFF0000, v41;
	v51 =	vld [tilespmem:s24+$0x230];
	[tilespmem:s7+$0x50] =	vst v11  }
0x151: {  	v55 =	vmul.f32 v52, v5;
	v54 =	vmul.f32 v15, v3;
	v53 =	vadd.f32 v50, v14;
	v56 =	vld [tilespmem:s4+$0x260]  }
0x152: {  	v59 =	vld [tilespmem:s4+$0x6260];
	v57 =	vshll.u32 v46, $0x10;
	v18 =	vand.u32 $0xFFFF0000, v46;
	v58 =	vshll.u32 v47, $0x10  }
0x153: {  	v13 =	vand.u32 $0xFFFF0000, v47;
	v17 =	vmul.f32 v57, v7;
	v19 =	vmul.f32 v58, v9  }
0x154: {  	v61 =	vld [tilespmem:s24+$0x6230];
	v14 =	vadd.f32 v55, v54;
	v60 =	vmul.f32 v18, v7;
	v13 =	vmul.f32 v13, v9  }
0x155: {  	[tilespmem:s19+$0x420] =	vst v53;
	v62 =	vadd.f32 v19, v17  }
0x156: {  	[tilespmem:s29+$0x20] =	vst v14;
	v63 =	vshll.u32 v51, $0x10;
	v13 =	vadd.f32 v13, v60  }
0x157: {  	v14 =	vld [tilespmem:s23+$0x230];
	v23 =	vshll.u32 v56, $0x10;
	v24 =	vand.u32 $0xFFFF0000, v56;
	v25 =	vshll.u32 v59, $0x10;
	[tilespmem:s21+$0x60] =	vst v62  }
0x158: {  	v26 =	vld [tilespmem:s23+$0x6230];
	v27 =	vand.u32 $0xFFFF0000, v59;
	v11 =	vmul.f32 v23, v8;
	v16 =	vmul.f32 v25, v10;
	[tilespmem:s6+$0x60] =	vst v13  }
0x159: {  	v30 =	vshll.u32 v61, $0x10;
	v15 =	vmul.f32 v24, v8;
	v13 =	vmul.f32 v27, v10;
	v28 =	vld [tilespmem:s5+$0x270]  }
0x15a: {  	v31 =	vmul.f32 v63, v6;
	v32 =	vmul.f32 v30, v4;
	v29 =	vld [tilespmem:s5+$0x6270];
	v11 =	vadd.f32 v16, v11  }
0x15b: {  	v12 =	vand.u32 $0xFFFF0000, v51;
	v18 =	vand.u32 $0xFFFF0000, v61;
	v13 =	vadd.f32 v13, v15  }
0x15c: {  	v12 =	vmul.f32 v12, v6;
	v33 =	vmul.f32 v18, v4;
	[tilespmem:s22+$0x60] =	vst v11  }
0x15d: {  	v34 =	vadd.f32 v32, v31;
	v35 =	vshll.u32 v14, $0x10;
	v36 =	vshll.u32 v26, $0x10;
	[tilespmem:s7+$0x60] =	vst v13  }
0x15e: {  	v37 =	vmul.f32 v35, v3;
	v38 =	vmul.f32 v36, v5;
	v12 =	vadd.f32 v33, v12;
	v39 =	vld [tilespmem:s4+$0x270]  }
0x15f: {  	v40 =	vld [tilespmem:s4+$0x6270];
	v41 =	vshll.u32 v28, $0x10;
	v20 =	vand.u32 $0xFFFF0000, v28;
	v42 =	vshll.u32 v29, $0x10  }
0x160: {  	[tilespmem:s20+$0x430] =	vst v34;
	v43 =	vand.u32 $0xFFFF0000, v29;
	v18 =	vmul.f32 v41, v7;
	v44 =	vmul.f32 v42, v9  }
0x161: {  	v19 =	vand.u32 $0xFFFF0000, v26;
	[tilespmem:s25+$0x30] =	vst v12;
	v46 =	vmul.f32 v20, v7;
	v11 =	vmul.f32 v43, v9  }
0x162: {  	v45 =	vand.u32 $0xFFFF0000, v14;
	v19 =	vmul.f32 v19, v5;
	v47 =	vld [tilespmem:s24+$0x240];
	v48 =	vadd.f32 v44, v18  }
0x163: {  	v12 =	vmul.f32 v45, v3;
	v49 =	vld [tilespmem:s24+$0x6240];
	v13 =	vadd.f32 v38, v37;
	v11 =	vadd.f32 v11, v46  }
0x164: {  	v50 =	vshll.u32 v39, $0x10;
	v51 =	vand.u32 $0xFFFF0000, v39;
	v52 =	vshll.u32 v40, $0x10;
	[tilespmem:s21+$0x70] =	vst v48  }
0x165: {  	s5 =	sor.u32 s17, s9;
	v53 =	vand.u32 $0xFFFF0000, v40;
	v14 =	vmul.f32 v50, v8;
	v16 =	vmul.f32 v52, v10;
	[tilespmem:s6+$0x70] =	vst v11  }
0x166: {  	v12 =	vadd.f32 v19, v12;
	v15 =	vmul.f32 v51, v8;
	v11 =	vmul.f32 v53, v10;
	v54 =	vld [tilespmem:s5+$0x200]  }
0x167: {  	[tilespmem:s19+$0x430] =	vst v13;
	v55 =	vld [tilespmem:s5+$0x6200];
	v14 =	vadd.f32 v16, v14  }
0x168: {  	v56 =	vshll.u32 v47, $0x10;
	v57 =	vshll.u32 v49, $0x10;
	[tilespmem:s29+$0x30] =	vst v12;
	v11 =	vadd.f32 v11, v15  }
0x169: {  	v58 =	vmul.f32 v56, v6;
	v59 =	vmul.f32 v57, v4;
	[tilespmem:s22+$0x70] =	vst v14  }
0x16a: {  	v60 =	vand.u32 $0xFFFF0000, v47;
	v61 =	vand.u32 $0xFFFF0000, v49;
	v62 =	vld [tilespmem:s23+$0x240];
	s6 =	sor.u32 s16, s9;
	[tilespmem:s7+$0x70] =	vst v11  }
0x16b: {  	v24 =	vmul.f32 v60, v6;
	v25 =	vmul.f32 v61, v4;
	v63 =	vadd.f32 v59, v58;
	v26 =	vld [tilespmem:s6+$0x200]  }
0x16c: {  	v29 =	vld [tilespmem:s6+$0x6200];
	v27 =	vshll.u32 v54, $0x10;
	v17 =	vand.u32 $0xFFFF0000, v54;
	v28 =	vshll.u32 v55, $0x10  }
0x16d: {  	v13 =	vand.u32 $0xFFFF0000, v55;
	v16 =	vmul.f32 v27, v7;
	v19 =	vmul.f32 v28, v9  }
0x16e: {  	v12 =	vadd.f32 v25, v24;
	v30 =	vmul.f32 v17, v7;
	v13 =	vmul.f32 v13, v9  }
0x16f: {  	v31 =	vld [tilespmem:s23+$0x6240];
	[tilespmem:s20+$0x440] =	vst v63;
	v16 =	vadd.f32 v19, v16  }
0x170: {  	[tilespmem:s25+$0x40] =	vst v12;
	v32 =	vshll.u32 v62, $0x10;
	v13 =	vadd.f32 v13, v30  }
0x171: {  	s9 =	sadd.s32 s17, s10;
	v33 =	vld [tilespmem:s24+$0x250];
	v34 =	vshll.u32 v26, $0x10;
	v15 =	vand.u32 $0xFFFF0000, v26;
	v35 =	vshll.u32 v29, $0x10;
	[tilespmem:s21+$0x400] =	vst v16  }
0x172: {  	v36 =	vld [tilespmem:s24+$0x6250];
	v37 =	vand.u32 $0xFFFF0000, v29;
	v16 =	vmul.f32 v34, v8;
	v17 =	vmul.f32 v35, v10;
	[tilespmem:s9+$0x0] =	vst v13  }
0x173: {  	v18 =	vand.u32 $0xFFFF0000, v62;
	v15 =	vmul.f32 v15, v8;
	v13 =	vmul.f32 v37, v10;
	v38 =	vld [tilespmem:s5+$0x210]  }
0x174: {  	v39 =	vshll.u32 v31, $0x10;
	v12 =	vmul.f32 v32, v3;
	v40 =	vld [tilespmem:s5+$0x6210];
	v16 =	vadd.f32 v17, v16  }
0x175: {  	v41 =	vmul.f32 v39, v5;
	v11 =	vand.u32 $0xFFFF0000, v31;
	v13 =	vadd.f32 v13, v15  }
0x176: {  	s10 =	sadd.s32 s16, s10;
	v18 =	vmul.f32 v18, v3;
	v11 =	vmul.f32 v11, v5;
	[tilespmem:s22+$0x400] =	vst v16  }
0x177: {  	v12 =	vadd.f32 v41, v12;
	v42 =	vshll.u32 v33, $0x10;
	v43 =	vshll.u32 v36, $0x10;
	[tilespmem:s10+$0x0] =	vst v13  }
0x178: {  	v44 =	vmul.f32 v43, v4;
	v11 =	vadd.f32 v11, v18;
	v15 =	vmul.f32 v42, v6;
	v45 =	vld [tilespmem:s6+$0x210]  }
0x179: {  	v49 =	vld [tilespmem:s6+$0x6210];
	v46 =	vshll.u32 v38, $0x10;
	v47 =	vand.u32 $0xFFFF0000, v38;
	v48 =	vshll.u32 v40, $0x10  }
0x17a: {  	[tilespmem:s19+$0x440] =	vst v12;
	v50 =	vand.u32 $0xFFFF0000, v40;
	v17 =	vmul.f32 v46, v7;
	v20 =	vmul.f32 v48, v9  }
0x17b: {  	v14 =	vand.u32 $0xFFFF0000, v33;
	[tilespmem:s29+$0x40] =	vst v11;
	v51 =	vmul.f32 v47, v7;
	v12 =	vmul.f32 v50, v9  }
0x17c: {  	v52 =	vand.u32 $0xFFFF0000, v36;
	v14 =	vmul.f32 v14, v6;
	v53 =	vld [tilespmem:s23+$0x250];
	v17 =	vadd.f32 v20, v17  }
0x17d: {  	v18 =	vmul.f32 v52, v4;
	v54 =	vld [tilespmem:s23+$0x6250];
	v13 =	vadd.f32 v44, v15;
	v11 =	vadd.f32 v12, v51  }
0x17e: {  	v55 =	vshll.u32 v45, $0x10;
	v16 =	vand.u32 $0xFFFF0000, v45;
	v56 =	vshll.u32 v49, $0x10;
	[tilespmem:s21+$0x410] =	vst v17  }
0x17f: {  	v57 =	vand.u32 $0xFFFF0000, v49;
	v12 =	vmul.f32 v55, v8;
	v17 =	vmul.f32 v56, v10;
	[tilespmem:s9+$0x10] =	vst v11  }
0x180: {  	v14 =	vadd.f32 v18, v14;
	v16 =	vmul.f32 v16, v8;
	v11 =	vmul.f32 v57, v10;
	v58 =	vld [tilespmem:s5+$0x220]  }
0x181: {  	[tilespmem:s20+$0x450] =	vst v13;
	v59 =	vld [tilespmem:s5+$0x6220];
	v12 =	vadd.f32 v17, v12  }
0x182: {  	v60 =	vshll.u32 v53, $0x10;
	v61 =	vshll.u32 v54, $0x10;
	[tilespmem:s25+$0x50] =	vst v14;
	v11 =	vadd.f32 v11, v16  }
0x183: {  	v62 =	vmul.f32 v61, v5;
	v14 =	vmul.f32 v60, v3;
	[tilespmem:s22+$0x410] =	vst v12  }
0x184: {  	v23 =	vand.u32 $0xFFFF0000, v54;
	v15 =	vand.u32 $0xFFFF0000, v53;
	v63 =	vld [tilespmem:s24+$0x260];
	[tilespmem:s10+$0x10] =	vst v11  }
0x185: {  	v26 =	vmul.f32 v23, v5;
	v25 =	vmul.f32 v15, v3;
	v24 =	vadd.f32 v62, v14;
	v27 =	vld [tilespmem:s6+$0x220]  }
0x186: {  	v30 =	vld [tilespmem:s6+$0x6220];
	v28 =	vshll.u32 v58, $0x10;
	v18 =	vand.u32 $0xFFFF0000, v58;
	v29 =	vshll.u32 v59, $0x10  }
0x187: {  	v13 =	vand.u32 $0xFFFF0000, v59;
	v17 =	vmul.f32 v28, v7;
	v19 =	vmul.f32 v29, v9  }
0x188: {  	v32 =	vld [tilespmem:s24+$0x6260];
	v14 =	vadd.f32 v26, v25;
	v31 =	vmul.f32 v18, v7;
	v13 =	vmul.f32 v13, v9  }
0x189: {  	[tilespmem:s19+$0x450] =	vst v24;
	v33 =	vadd.f32 v19, v17  }
0x18a: {  	[tilespmem:s29+$0x50] =	vst v14;
	v34 =	vshll.u32 v63, $0x10;
	v13 =	vadd.f32 v13, v31  }
0x18b: {  	v14 =	vld [tilespmem:s23+$0x260];
	v35 =	vshll.u32 v27, $0x10;
	v36 =	vand.u32 $0xFFFF0000, v27;
	v37 =	vshll.u32 v30, $0x10;
	[tilespmem:s21+$0x420] =	vst v33  }
0x18c: {  	v38 =	vld [tilespmem:s23+$0x6260];
	v39 =	vand.u32 $0xFFFF0000, v30;
	v11 =	vmul.f32 v35, v8;
	v16 =	vmul.f32 v37, v10;
	[tilespmem:s9+$0x20] =	vst v13  }
0x18d: {  	v41 =	vshll.u32 v32, $0x10;
	v15 =	vmul.f32 v36, v8;
	v13 =	vmul.f32 v39, v10;
	v40 =	vld [tilespmem:s5+$0x230]  }
0x18e: {  	v43 =	vmul.f32 v34, v6;
	v44 =	vmul.f32 v41, v4;
	v42 =	vld [tilespmem:s5+$0x6230];
	v11 =	vadd.f32 v16, v11  }
0x18f: {  	v12 =	vand.u32 $0xFFFF0000, v63;
	v18 =	vand.u32 $0xFFFF0000, v32;
	v13 =	vadd.f32 v13, v15  }
0x190: {  	v12 =	vmul.f32 v12, v6;
	v45 =	vmul.f32 v18, v4;
	[tilespmem:s22+$0x420] =	vst v11  }
0x191: {  	v46 =	vadd.f32 v44, v43;
	v47 =	vshll.u32 v14, $0x10;
	v48 =	vshll.u32 v38, $0x10;
	[tilespmem:s10+$0x20] =	vst v13  }
0x192: {  	v49 =	vmul.f32 v47, v3;
	v50 =	vmul.f32 v48, v5;
	v12 =	vadd.f32 v45, v12;
	v51 =	vld [tilespmem:s6+$0x230]  }
0x193: {  	v55 =	vld [tilespmem:s6+$0x6230];
	v52 =	vshll.u32 v40, $0x10;
	v53 =	vand.u32 $0xFFFF0000, v40;
	v54 =	vshll.u32 v42, $0x10  }
0x194: {  	[tilespmem:s20+$0x460] =	vst v46;
	v22 =	vand.u32 $0xFFFF0000, v42;
	v17 =	vmul.f32 v52, v7;
	v20 =	vmul.f32 v54, v9  }
0x195: {  	v59 =	vand.u32 $0xFFFF0000, v38;
	[tilespmem:s25+$0x60] =	vst v12;
	v57 =	vmul.f32 v53, v7;
	v58 =	vmul.f32 v22, v9  }
0x196: {  	v56 =	vand.u32 $0xFFFF0000, v14;
	v12 =	vmul.f32 v59, v5;
	v61 =	vld [tilespmem:s24+$0x270];
	v60 =	vadd.f32 v20, v17  }
0x197: {  	v62 =	vld [tilespmem:s24+$0x6270];
	v11 =	vmul.f32 v56, v3;
	v13 =	vadd.f32 v50, v49;
	v14 =	vadd.f32 v58, v57  }
0x198: {  	v63 =	vshll.u32 v51, $0x10;
	v16 =	vand.u32 $0xFFFF0000, v51;
	v22 =	vshll.u32 v55, $0x10;
	[tilespmem:s21+$0x430] =	vst v60  }
0x199: {  	v23 =	vand.u32 $0xFFFF0000, v55;
	v15 =	vmul.f32 v63, v8;
	v19 =	vmul.f32 v22, v10;
	[tilespmem:s9+$0x30] =	vst v14  }
0x19a: {  	v11 =	vadd.f32 v12, v11;
	v16 =	vmul.f32 v16, v8;
	v14 =	vmul.f32 v23, v10;
	v24 =	vld [tilespmem:s5+$0x240]  }
0x19b: {  	[tilespmem:s19+$0x460] =	vst v13;
	v25 =	vld [tilespmem:s5+$0x6240];
	v15 =	vadd.f32 v19, v15  }
0x19c: {  	v27 =	vshll.u32 v61, $0x10;
	v29 =	vshll.u32 v62, $0x10;
	[tilespmem:s29+$0x60] =	vst v11;
	v26 =	vadd.f32 v14, v16  }
0x19d: {  	v17 =	vmul.f32 v29, v4;
	v14 =	vmul.f32 v27, v6;
	[tilespmem:s22+$0x430] =	vst v15  }
0x19e: {  	v28 =	vand.u32 $0xFFFF0000, v61;
	v30 =	vand.u32 $0xFFFF0000, v62;
	v31 =	vld [tilespmem:s23+$0x270];
	[tilespmem:s10+$0x30] =	vst v26  }
0x19f: {  	v32 =	vmul.f32 v28, v6;
	v15 =	vmul.f32 v30, v4;
	v14 =	vadd.f32 v17, v14;
	v33 =	vld [tilespmem:s6+$0x240]  }
0x1a0: {  	v36 =	vld [tilespmem:s6+$0x6240];
	v34 =	vshll.u32 v24, $0x10;
	v12 =	vand.u32 $0xFFFF0000, v24;
	v35 =	vshll.u32 v25, $0x10  }
0x1a1: {  	v13 =	vand.u32 $0xFFFF0000, v25;
	v19 =	vmul.f32 v34, v7;
	v20 =	vmul.f32 v35, v9  }
0x1a2: {  	v11 =	vadd.f32 v15, v32;
	v12 =	vmul.f32 v12, v7;
	v13 =	vmul.f32 v13, v9  }
0x1a3: {  	s24 =	sadd.s32 $0x800, s18;
	v37 =	vld [tilespmem:s23+$0x6270];
	[tilespmem:s20+$0x470] =	vst v14;
	v19 =	vadd.f32 v20, v19  }
0x1a4: {  	s18 =	sor.u32 s14, s24;
	v38 =	vshll.u32 v31, $0x10;
	[tilespmem:s25+$0x70] =	vst v11;
	v12 =	vadd.f32 v13, v12  }
0x1a5: {  	v46 =	vld [tilespmem:s18+$0x200];
	v39 =	vshll.u32 v33, $0x10;
	v16 =	vand.u32 $0xFFFF0000, v33;
	v40 =	vshll.u32 v36, $0x10;
	[tilespmem:s21+$0x440] =	vst v19  }
0x1a6: {  	v48 =	vld [tilespmem:s18+$0x6200];
	v41 =	vand.u32 $0xFFFF0000, v36;
	v13 =	vmul.f32 v39, v8;
	v19 =	vmul.f32 v40, v10;
	[tilespmem:s9+$0x40] =	vst v12  }
0x1a7: {  	v18 =	vand.u32 $0xFFFF0000, v31;
	v16 =	vmul.f32 v16, v8;
	v12 =	vmul.f32 v41, v10;
	v42 =	vld [tilespmem:s5+$0x250]  }
0x1a8: {  	v43 =	vshll.u32 v37, $0x10;
	v17 =	vand.u32 $0xFFFF0000, v37;
	v44 =	vld [tilespmem:s5+$0x6250];
	v13 =	vadd.f32 v19, v13  }
0x1a9: {  	v47 =	vmul.f32 v18, v3;
	v17 =	vmul.f32 v17, v5;
	v12 =	vadd.f32 v12, v16  }
0x1aa: {  	v45 =	vmul.f32 v38, v3;
	v14 =	vmul.f32 v43, v5;
	[tilespmem:s22+$0x440] =	vst v13  }
0x1ab: {  	v49 =	vadd.f32 v17, v47;
	v58 =	vshll.u32 v46, $0x10;
	v59 =	vshll.u32 v48, $0x10;
	[tilespmem:s10+$0x40] =	vst v12  }
0x1ac: {  	v11 =	vadd.f32 v14, v45;
	v61 =	vmul.f32 v58, v6;
	v62 =	vmul.f32 v59, v4;
	v50 =	vld [tilespmem:s6+$0x250]  }
0x1ad: {  	v54 =	vld [tilespmem:s6+$0x6250];
	v51 =	vshll.u32 v42, $0x10;
	v52 =	vand.u32 $0xFFFF0000, v42;
	v53 =	vshll.u32 v44, $0x10  }
0x1ae: {  	[tilespmem:s19+$0x470] =	vst v11;
	v55 =	vand.u32 $0xFFFF0000, v44;
	v16 =	vmul.f32 v51, v7;
	v18 =	vmul.f32 v53, v9  }
0x1af: {  	s19 =	sor.u32 s11, s24;
	[tilespmem:s29+$0x70] =	vst v49;
	v15 =	vand.u32 $0xFFFF0000, v46;
	v56 =	vmul.f32 v52, v7;
	v57 =	vmul.f32 v55, v9  }
0x1b0: {  	v63 =	vld [tilespmem:s19+$0x200];
	v15 =	vmul.f32 v15, v6;
	v13 =	vand.u32 $0xFFFF0000, v48;
	v60 =	vadd.f32 v18, v16  }
0x1b1: {  	v24 =	vld [tilespmem:s19+$0x6200];
	v13 =	vmul.f32 v13, v4;
	v11 =	vadd.f32 v57, v56;
	v16 =	vadd.f32 v62, v61  }
0x1b2: {  	v25 =	vshll.u32 v50, $0x10;
	v14 =	vand.u32 $0xFFFF0000, v50;
	v26 =	vshll.u32 v54, $0x10;
	[tilespmem:s21+$0x450] =	vst v60  }
0x1b3: {  	s29 =	sadd.s32 $0xCA00, s15;
	v27 =	vand.u32 $0xFFFF0000, v54;
	v12 =	vmul.f32 v25, v8;
	v28 =	vmul.f32 v26, v10;
	[tilespmem:s9+$0x50] =	vst v11  }
0x1b4: {  	s23 =	sadd.s32 $0xD600, s15;
	s20 =	sadd.s32 s14, s29;
	v36 =	vadd.f32 v13, v15;
	v14 =	vmul.f32 v14, v8;
	v11 =	vmul.f32 v27, v10;
	v29 =	vld [tilespmem:s5+$0x260]  }
0x1b5: {  	s14 =	sadd.s32 s14, s23;
	[tilespmem:s20+$0x0] =	vst v16;
	v30 =	vld [tilespmem:s5+$0x6260];
	v12 =	vadd.f32 v28, v12  }
0x1b6: {  	v31 =	vshll.u32 v63, $0x10;
	v33 =	vshll.u32 v24, $0x10;
	[tilespmem:s14+$0x0] =	vst v36;
	v11 =	vadd.f32 v11, v14  }
0x1b7: {  	v35 =	vmul.f32 v33, v5;
	v14 =	vmul.f32 v31, v3;
	[tilespmem:s22+$0x450] =	vst v12  }
0x1b8: {  	v32 =	vand.u32 $0xFFFF0000, v63;
	v34 =	vand.u32 $0xFFFF0000, v24;
	v48 =	vld [tilespmem:s18+$0x210];
	[tilespmem:s10+$0x50] =	vst v11  }
0x1b9: {  	v37 =	vmul.f32 v32, v3;
	v12 =	vmul.f32 v34, v5;
	v46 =	vadd.f32 v35, v14;
	v38 =	vld [tilespmem:s6+$0x260]  }
0x1ba: {  	v42 =	vld [tilespmem:s6+$0x6260];
	v39 =	vshll.u32 v29, $0x10;
	v40 =	vand.u32 $0xFFFF0000, v29;
	v41 =	vshll.u32 v30, $0x10  }
0x1bb: {  	v43 =	vand.u32 $0xFFFF0000, v30;
	v44 =	vmul.f32 v39, v7;
	v45 =	vmul.f32 v41, v9  }
0x1bc: {  	s15 =	sadd.s32 s11, s29;
	v12 =	vadd.f32 v12, v37;
	v47 =	vmul.f32 v40, v7;
	v16 =	vmul.f32 v43, v9  }
0x1bd: {  	s11 =	sadd.s32 s11, s23;
	v49 =	vld [tilespmem:s18+$0x6210];
	[tilespmem:s15+$0x0] =	vst v46;
	v50 =	vadd.f32 v45, v44  }
0x1be: {  	v56 =	vshll.u32 v48, $0x10;
	[tilespmem:s11+$0x0] =	vst v12;
	v14 =	vadd.f32 v16, v47  }
0x1bf: {  	v54 =	vld [tilespmem:s19+$0x210];
	v51 =	vshll.u32 v38, $0x10;
	v15 =	vand.u32 $0xFFFF0000, v38;
	v52 =	vshll.u32 v42, $0x10;
	[tilespmem:s21+$0x460] =	vst v50  }
0x1c0: {  	v63 =	vld [tilespmem:s19+$0x6210];
	v53 =	vand.u32 $0xFFFF0000, v42;
	v12 =	vmul.f32 v51, v8;
	v16 =	vmul.f32 v52, v10;
	[tilespmem:s9+$0x60] =	vst v14  }
0x1c1: {  	v17 =	vand.u32 $0xFFFF0000, v48;
	v55 =	vmul.f32 v15, v8;
	v11 =	vmul.f32 v53, v10;
	v57 =	vld [tilespmem:s5+$0x270]  }
0x1c2: {  	v59 =	vshll.u32 v49, $0x10;
	v13 =	vand.u32 $0xFFFF0000, v49;
	v12 =	vadd.f32 v16, v12;
	v58 =	vld [tilespmem:s5+$0x6270]  }
0x1c3: {  	v60 =	vmul.f32 v56, v6;
	v61 =	vmul.f32 v59, v4;
	v11 =	vadd.f32 v11, v55  }
0x1c4: {  	v62 =	vmul.f32 v17, v6;
	v13 =	vmul.f32 v13, v4;
	[tilespmem:s22+$0x460] =	vst v12  }
0x1c5: {  	v24 =	vadd.f32 v61, v60;
	v27 =	vshll.u32 v54, $0x10;
	v30 =	vshll.u32 v63, $0x10;
	[tilespmem:s10+$0x60] =	vst v11  }
0x1c6: {  	v31 =	vmul.f32 v27, v3;
	v12 =	vadd.f32 v13, v62;
	v11 =	vmul.f32 v30, v5;
	v25 =	vld [tilespmem:s6+$0x270]  }
0x1c7: {  	v26 =	vld [tilespmem:s6+$0x6270];
	v28 =	vshll.u32 v57, $0x10;
	v19 =	vand.u32 $0xFFFF0000, v57;
	v29 =	vshll.u32 v58, $0x10  }
0x1c8: {  	[tilespmem:s20+$0x10] =	vst v24;
	v16 =	vand.u32 $0xFFFF0000, v58;
	v20 =	vmul.f32 v28, v7;
	v21 =	vmul.f32 v29, v9  }
0x1c9: {  	v18 =	vand.u32 $0xFFFF0000, v54;
	[tilespmem:s14+$0x10] =	vst v12;
	v19 =	vmul.f32 v19, v7;
	v16 =	vmul.f32 v16, v9  }
0x1ca: {  	v17 =	vand.u32 $0xFFFF0000, v63;
	v37 =	vmul.f32 v18, v3;
	v33 =	vld [tilespmem:s18+$0x220];
	v32 =	vadd.f32 v21, v20  }
0x1cb: {  	v17 =	vmul.f32 v17, v5;
	v36 =	vld [tilespmem:s18+$0x6220];
	v11 =	vadd.f32 v11, v31;
	v16 =	vadd.f32 v16, v19  }
0x1cc: {  	v34 =	vshll.u32 v25, $0x10;
	v35 =	vshll.u32 v26, $0x10;
	v14 =	vand.u32 $0xFFFF0000, v25;
	[tilespmem:s21+$0x470] =	vst v32  }
0x1cd: {  	s7 =	sor.u32 s17, s24;
	v15 =	vand.u32 $0xFFFF0000, v26;
	v19 =	vmul.f32 v34, v8;
	v21 =	vmul.f32 v35, v10;
	[tilespmem:s9+$0x70] =	vst v16  }
0x1ce: {  	v13 =	vadd.f32 v17, v37;
	v14 =	vmul.f32 v14, v8;
	v15 =	vmul.f32 v15, v10;
	v39 =	vld [tilespmem:s7+$0x200]  }
0x1cf: {  	[tilespmem:s15+$0x10] =	vst v11;
	v38 =	vadd.f32 v21, v19;
	v40 =	vld [tilespmem:s7+$0x6200]  }
0x1d0: {  	[tilespmem:s11+$0x10] =	vst v13;
	v41 =	vshll.u32 v33, $0x10;
	v42 =	vshll.u32 v36, $0x10;
	v43 =	vadd.f32 v15, v14  }
0x1d1: {  	v44 =	vmul.f32 v41, v6;
	v45 =	vmul.f32 v42, v4;
	[tilespmem:s22+$0x470] =	vst v38  }
0x1d2: {  	v48 =	vld [tilespmem:s19+$0x220];
	v46 =	vand.u32 $0xFFFF0000, v33;
	v47 =	vand.u32 $0xFFFF0000, v36;
	s22 =	sor.u32 s16, s24;
	[tilespmem:s10+$0x70] =	vst v43  }
0x1d3: {  	v13 =	vmul.f32 v46, v6;
	v50 =	vmul.f32 v47, v4;
	v49 =	vadd.f32 v45, v44;
	v51 =	vld [tilespmem:s22+$0x200]  }
0x1d4: {  	v54 =	vld [tilespmem:s22+$0x6200];
	v52 =	vshll.u32 v39, $0x10;
	v12 =	vand.u32 $0xFFFF0000, v39;
	v53 =	vshll.u32 v40, $0x10  }
0x1d5: {  	v16 =	vand.u32 $0xFFFF0000, v40;
	v17 =	vmul.f32 v52, v7;
	v19 =	vmul.f32 v53, v9  }
0x1d6: {  	v13 =	vadd.f32 v50, v13;
	v12 =	vmul.f32 v12, v7;
	v55 =	vmul.f32 v16, v9  }
0x1d7: {  	v56 =	vld [tilespmem:s19+$0x6220];
	[tilespmem:s20+$0x20] =	vst v49;
	v57 =	vadd.f32 v19, v17  }
0x1d8: {  	v58 =	vshll.u32 v48, $0x10;
	s24 =	sadd.s32 s17, s29;
	[tilespmem:s14+$0x20] =	vst v13;
	v12 =	vadd.f32 v55, v12  }
0x1d9: {  	s25 =	sadd.s32 s17, s23;
	v59 =	vld [tilespmem:s18+$0x230];
	v60 =	vshll.u32 v51, $0x10;
	v15 =	vand.u32 $0xFFFF0000, v51;
	v61 =	vshll.u32 v54, $0x10;
	[tilespmem:s24+$0x0] =	vst v57  }
0x1da: {  	v62 =	vld [tilespmem:s18+$0x6230];
	v63 =	vand.u32 $0xFFFF0000, v54;
	v16 =	vmul.f32 v60, v8;
	v17 =	vmul.f32 v61, v10;
	[tilespmem:s25+$0x0] =	vst v12  }
0x1db: {  	v18 =	vand.u32 $0xFFFF0000, v48;
	v15 =	vmul.f32 v15, v8;
	v12 =	vmul.f32 v63, v10;
	v24 =	vld [tilespmem:s7+$0x210]  }
0x1dc: {  	v25 =	vshll.u32 v56, $0x10;
	v11 =	vand.u32 $0xFFFF0000, v56;
	v26 =	vld [tilespmem:s7+$0x6210];
	v16 =	vadd.f32 v17, v16  }
0x1dd: {  	s29 =	sadd.s32 s16, s29;
	v18 =	vmul.f32 v18, v3;
	v11 =	vmul.f32 v11, v5;
	v12 =	vadd.f32 v12, v15  }
0x1de: {  	s16 =	sadd.s32 s16, s23;
	v27 =	vmul.f32 v25, v5;
	v13 =	vmul.f32 v58, v3;
	[tilespmem:s29+$0x0] =	vst v16  }
0x1df: {  	v11 =	vadd.f32 v11, v18;
	v28 =	vshll.u32 v59, $0x10;
	v29 =	vshll.u32 v62, $0x10;
	[tilespmem:s16+$0x0] =	vst v12  }
0x1e0: {  	v13 =	vadd.f32 v27, v13;
	v30 =	vmul.f32 v29, v4;
	v15 =	vmul.f32 v28, v6;
	v31 =	vld [tilespmem:s22+$0x210]  }
0x1e1: {  	v35 =	vld [tilespmem:s22+$0x6210];
	v32 =	vshll.u32 v24, $0x10;
	v33 =	vand.u32 $0xFFFF0000, v24;
	v34 =	vshll.u32 v26, $0x10  }
0x1e2: {  	[tilespmem:s15+$0x20] =	vst v13;
	v36 =	vand.u32 $0xFFFF0000, v26;
	v17 =	vmul.f32 v32, v7;
	v20 =	vmul.f32 v34, v9  }
0x1e3: {  	[tilespmem:s11+$0x20] =	vst v11;
	v14 =	vand.u32 $0xFFFF0000, v59;
	v37 =	vmul.f32 v33, v7;
	v13 =	vmul.f32 v36, v9  }
0x1e4: {  	v38 =	vand.u32 $0xFFFF0000, v62;
	v39 =	vld [tilespmem:s19+$0x230];
	v14 =	vmul.f32 v14, v6;
	v17 =	vadd.f32 v20, v17  }
0x1e5: {  	v40 =	vld [tilespmem:s19+$0x6230];
	v18 =	vmul.f32 v38, v4;
	v12 =	vadd.f32 v30, v15;
	v11 =	vadd.f32 v13, v37  }
0x1e6: {  	v41 =	vshll.u32 v31, $0x10;
	v16 =	vand.u32 $0xFFFF0000, v31;
	v42 =	vshll.u32 v35, $0x10;
	[tilespmem:s24+$0x10] =	vst v17  }
0x1e7: {  	v43 =	vand.u32 $0xFFFF0000, v35;
	v13 =	vmul.f32 v41, v8;
	v17 =	vmul.f32 v42, v10;
	[tilespmem:s25+$0x10] =	vst v11  }
0x1e8: {  	v14 =	vadd.f32 v18, v14;
	v16 =	vmul.f32 v16, v8;
	v11 =	vmul.f32 v43, v10;
	v44 =	vld [tilespmem:s7+$0x220]  }
0x1e9: {  	[tilespmem:s20+$0x30] =	vst v12;
	v45 =	vld [tilespmem:s7+$0x6220];
	v13 =	vadd.f32 v17, v13  }
0x1ea: {  	v46 =	vshll.u32 v39, $0x10;
	v47 =	vshll.u32 v40, $0x10;
	[tilespmem:s14+$0x30] =	vst v14;
	v11 =	vadd.f32 v11, v16  }
0x1eb: {  	v48 =	vmul.f32 v47, v5;
	v14 =	vmul.f32 v46, v3;
	[tilespmem:s29+$0x10] =	vst v13  }
0x1ec: {  	v15 =	vand.u32 $0xFFFF0000, v39;
	v50 =	vand.u32 $0xFFFF0000, v40;
	v49 =	vld [tilespmem:s18+$0x240];
	[tilespmem:s16+$0x10] =	vst v11  }
0x1ed: {  	v52 =	vmul.f32 v15, v3;
	v53 =	vmul.f32 v50, v5;
	v51 =	vadd.f32 v48, v14;
	v54 =	vld [tilespmem:s22+$0x220]  }
0x1ee: {  	v57 =	vld [tilespmem:s22+$0x6220];
	v55 =	vshll.u32 v44, $0x10;
	v18 =	vand.u32 $0xFFFF0000, v44;
	v56 =	vshll.u32 v45, $0x10  }
0x1ef: {  	v12 =	vand.u32 $0xFFFF0000, v45;
	v17 =	vmul.f32 v55, v7;
	v19 =	vmul.f32 v56, v9  }
0x1f0: {  	v59 =	vld [tilespmem:s18+$0x6240];
	v14 =	vadd.f32 v53, v52;
	v58 =	vmul.f32 v18, v7;
	v12 =	vmul.f32 v12, v9  }
0x1f1: {  	[tilespmem:s15+$0x30] =	vst v51;
	v60 =	vadd.f32 v19, v17  }
0x1f2: {  	[tilespmem:s11+$0x30] =	vst v14;
	v61 =	vshll.u32 v49, $0x10;
	v12 =	vadd.f32 v12, v58  }
0x1f3: {  	v14 =	vld [tilespmem:s19+$0x240];
	v62 =	vshll.u32 v54, $0x10;
	v63 =	vand.u32 $0xFFFF0000, v54;
	v24 =	vshll.u32 v57, $0x10;
	[tilespmem:s24+$0x20] =	vst v60  }
0x1f4: {  	v25 =	vld [tilespmem:s19+$0x6240];
	v26 =	vand.u32 $0xFFFF0000, v57;
	v11 =	vmul.f32 v62, v8;
	v16 =	vmul.f32 v24, v10;
	[tilespmem:s25+$0x20] =	vst v12  }
0x1f5: {  	v28 =	vshll.u32 v59, $0x10;
	v15 =	vmul.f32 v63, v8;
	v12 =	vmul.f32 v26, v10;
	v27 =	vld [tilespmem:s7+$0x230]  }
0x1f6: {  	v30 =	vmul.f32 v61, v6;
	v31 =	vmul.f32 v28, v4;
	v29 =	vld [tilespmem:s7+$0x6230];
	v11 =	vadd.f32 v16, v11  }
0x1f7: {  	v13 =	vand.u32 $0xFFFF0000, v49;
	v18 =	vand.u32 $0xFFFF0000, v59;
	v12 =	vadd.f32 v12, v15  }
0x1f8: {  	v13 =	vmul.f32 v13, v6;
	v32 =	vmul.f32 v18, v4;
	[tilespmem:s29+$0x20] =	vst v11  }
0x1f9: {  	v33 =	vadd.f32 v31, v30;
	v34 =	vshll.u32 v14, $0x10;
	v35 =	vshll.u32 v25, $0x10;
	[tilespmem:s16+$0x20] =	vst v12  }
0x1fa: {  	v37 =	vmul.f32 v34, v3;
	v38 =	vmul.f32 v35, v5;
	v36 =	vadd.f32 v32, v13;
	v39 =	vld [tilespmem:s22+$0x230]  }
0x1fb: {  	v43 =	vld [tilespmem:s22+$0x6230];
	v40 =	vshll.u32 v27, $0x10;
	v41 =	vand.u32 $0xFFFF0000, v27;
	v42 =	vshll.u32 v29, $0x10  }
0x1fc: {  	[tilespmem:s20+$0x40] =	vst v33;
	v44 =	vand.u32 $0xFFFF0000, v29;
	v17 =	vmul.f32 v40, v7;
	v20 =	vmul.f32 v42, v9  }
0x1fd: {  	v45 =	vand.u32 $0xFFFF0000, v14;
	[tilespmem:s14+$0x40] =	vst v36;
	v46 =	vmul.f32 v41, v7;
	v11 =	vmul.f32 v44, v9  }
0x1fe: {  	v19 =	vand.u32 $0xFFFF0000, v25;
	v13 =	vadd.f32 v38, v37;
	v47 =	vld [tilespmem:s18+$0x250];
	v48 =	vadd.f32 v20, v17  }
0x1ff: {  	v19 =	vmul.f32 v19, v5;
	v49 =	vld [tilespmem:s18+$0x6250];
	v12 =	vmul.f32 v45, v3;
	v11 =	vadd.f32 v11, v46  }
0x200: {  	v50 =	vshll.u32 v39, $0x10;
	v51 =	vand.u32 $0xFFFF0000, v39;
	v52 =	vshll.u32 v43, $0x10;
	[tilespmem:s24+$0x30] =	vst v48  }
0x201: {  	v53 =	vand.u32 $0xFFFF0000, v43;
	v14 =	vmul.f32 v50, v8;
	v16 =	vmul.f32 v52, v10;
	[tilespmem:s25+$0x30] =	vst v11  }
0x202: {  	v12 =	vadd.f32 v19, v12;
	v15 =	vmul.f32 v51, v8;
	v11 =	vmul.f32 v53, v10;
	v54 =	vld [tilespmem:s7+$0x240]  }
0x203: {  	[tilespmem:s15+$0x40] =	vst v13;
	v55 =	vld [tilespmem:s7+$0x6240];
	v14 =	vadd.f32 v16, v14  }
0x204: {  	v56 =	vshll.u32 v47, $0x10;
	v57 =	vshll.u32 v49, $0x10;
	[tilespmem:s11+$0x40] =	vst v12;
	v11 =	vadd.f32 v11, v15  }
0x205: {  	v58 =	vmul.f32 v56, v6;
	v59 =	vmul.f32 v57, v4;
	[tilespmem:s29+$0x30] =	vst v14  }
0x206: {  	v60 =	vand.u32 $0xFFFF0000, v47;
	v61 =	vand.u32 $0xFFFF0000, v49;
	v62 =	vld [tilespmem:s19+$0x250];
	[tilespmem:s16+$0x30] =	vst v11  }
0x207: {  	v24 =	vmul.f32 v60, v6;
	v25 =	vmul.f32 v61, v4;
	v63 =	vadd.f32 v59, v58;
	v26 =	vld [tilespmem:s22+$0x240]  }
0x208: {  	v30 =	vld [tilespmem:s22+$0x6240];
	v27 =	vshll.u32 v54, $0x10;
	v28 =	vand.u32 $0xFFFF0000, v54;
	v29 =	vshll.u32 v55, $0x10  }
0x209: {  	v13 =	vand.u32 $0xFFFF0000, v55;
	v16 =	vmul.f32 v27, v7;
	v19 =	vmul.f32 v29, v9  }
0x20a: {  	v12 =	vadd.f32 v25, v24;
	v31 =	vmul.f32 v28, v7;
	v13 =	vmul.f32 v13, v9  }
0x20b: {  	v32 =	vld [tilespmem:s19+$0x6250];
	[tilespmem:s20+$0x50] =	vst v63;
	v16 =	vadd.f32 v19, v16  }
0x20c: {  	[tilespmem:s14+$0x50] =	vst v12;
	v33 =	vshll.u32 v62, $0x10;
	v13 =	vadd.f32 v13, v31  }
0x20d: {  	v34 =	vld [tilespmem:s18+$0x260];
	v35 =	vshll.u32 v26, $0x10;
	v15 =	vand.u32 $0xFFFF0000, v26;
	v36 =	vshll.u32 v30, $0x10;
	[tilespmem:s24+$0x40] =	vst v16  }
0x20e: {  	v37 =	vld [tilespmem:s18+$0x6260];
	v38 =	vand.u32 $0xFFFF0000, v30;
	v16 =	vmul.f32 v35, v8;
	v18 =	vmul.f32 v36, v10;
	[tilespmem:s25+$0x40] =	vst v13  }
0x20f: {  	v17 =	vand.u32 $0xFFFF0000, v62;
	v15 =	vmul.f32 v15, v8;
	v13 =	vmul.f32 v38, v10;
	v39 =	vld [tilespmem:s7+$0x250]  }
0x210: {  	v40 =	vshll.u32 v32, $0x10;
	v12 =	vmul.f32 v33, v3;
	v41 =	vld [tilespmem:s7+$0x6250];
	v16 =	vadd.f32 v18, v16  }
0x211: {  	v42 =	vmul.f32 v40, v5;
	v11 =	vand.u32 $0xFFFF0000, v32;
	v13 =	vadd.f32 v13, v15  }
0x212: {  	v17 =	vmul.f32 v17, v3;
	v11 =	vmul.f32 v11, v5;
	[tilespmem:s29+$0x40] =	vst v16  }
0x213: {  	v12 =	vadd.f32 v42, v12;
	v43 =	vshll.u32 v34, $0x10;
	v44 =	vshll.u32 v37, $0x10;
	[tilespmem:s16+$0x40] =	vst v13  }
0x214: {  	v45 =	vmul.f32 v44, v4;
	v11 =	vadd.f32 v11, v17;
	v15 =	vmul.f32 v43, v6;
	v46 =	vld [tilespmem:s22+$0x250]  }
0x215: {  	v50 =	vld [tilespmem:s22+$0x6250];
	v47 =	vshll.u32 v39, $0x10;
	v48 =	vand.u32 $0xFFFF0000, v39;
	v49 =	vshll.u32 v41, $0x10  }
0x216: {  	[tilespmem:s15+$0x50] =	vst v12;
	v51 =	vand.u32 $0xFFFF0000, v41;
	v17 =	vmul.f32 v47, v7;
	v20 =	vmul.f32 v49, v9  }
0x217: {  	v14 =	vand.u32 $0xFFFF0000, v34;
	[tilespmem:s11+$0x50] =	vst v11;
	v52 =	vmul.f32 v48, v7;
	v12 =	vmul.f32 v51, v9  }
0x218: {  	v53 =	vand.u32 $0xFFFF0000, v37;
	v14 =	vmul.f32 v14, v6;
	v54 =	vld [tilespmem:s19+$0x260];
	v17 =	vadd.f32 v20, v17  }
0x219: {  	v55 =	vld [tilespmem:s19+$0x6260];
	v18 =	vmul.f32 v53, v4;
	v13 =	vadd.f32 v45, v15;
	v11 =	vadd.f32 v12, v52  }
0x21a: {  	v56 =	vshll.u32 v46, $0x10;
	v16 =	vand.u32 $0xFFFF0000, v46;
	v57 =	vshll.u32 v50, $0x10;
	[tilespmem:s24+$0x50] =	vst v17  }
0x21b: {  	v58 =	vand.u32 $0xFFFF0000, v50;
	v12 =	vmul.f32 v56, v8;
	v17 =	vmul.f32 v57, v10;
	[tilespmem:s25+$0x50] =	vst v11  }
0x21c: {  	v14 =	vadd.f32 v18, v14;
	v16 =	vmul.f32 v16, v8;
	v11 =	vmul.f32 v58, v10;
	v59 =	vld [tilespmem:s7+$0x260]  }
0x21d: {  	[tilespmem:s20+$0x60] =	vst v13;
	v60 =	vld [tilespmem:s7+$0x6260];
	v12 =	vadd.f32 v17, v12  }
0x21e: {  	v61 =	vshll.u32 v54, $0x10;
	v62 =	vshll.u32 v55, $0x10;
	[tilespmem:s14+$0x60] =	vst v14;
	v11 =	vadd.f32 v11, v16  }
0x21f: {  	v14 =	vmul.f32 v61, v3;
	v63 =	vld [tilespmem:s18+$0x270];
	v17 =	vmul.f32 v62, v5;
	[tilespmem:s29+$0x50] =	vst v12  }
0x220: {  	v24 =	vand.u32 $0xFFFF0000, v54;
	v25 =	vand.u32 $0xFFFF0000, v55;
	[tilespmem:s16+$0x50] =	vst v11  }
0x221: {  	v27 =	vmul.f32 v25, v5;
	v26 =	vadd.f32 v17, v14;
	v12 =	vmul.f32 v24, v3;
	v28 =	vld [tilespmem:s22+$0x260]  }
0x222: {  	v31 =	vld [tilespmem:s22+$0x6260];
	v29 =	vshll.u32 v59, $0x10;
	v18 =	vand.u32 $0xFFFF0000, v59;
	v30 =	vshll.u32 v60, $0x10  }
0x223: {  	v13 =	vand.u32 $0xFFFF0000, v60;
	v17 =	vmul.f32 v29, v7;
	v19 =	vmul.f32 v30, v9  }
0x224: {  	v32 =	vshll.u32 v63, $0x10;
	v18 =	vmul.f32 v18, v7;
	v13 =	vmul.f32 v13, v9  }
0x225: {  	v33 =	vld [tilespmem:s18+$0x6270];
	v16 =	vand.u32 $0xFFFF0000, v63;
	v21 =	vmul.f32 v32, v6;
	v12 =	vadd.f32 v27, v12  }
0x226: {  	v6 =	vmul.f32 v16, v6;
	[tilespmem:s15+$0x60] =	vst v26;
	v34 =	vadd.f32 v19, v17;
	v13 =	vadd.f32 v13, v18  }
0x227: {  	[tilespmem:s11+$0x60] =	vst v12;
	v35 =	vshll.u32 v28, $0x10;
	v15 =	vand.u32 $0xFFFF0000, v28;
	v36 =	vshll.u32 v31, $0x10  }
0x228: {  	v37 =	vld [tilespmem:s19+$0x270];
	v38 =	vand.u32 $0xFFFF0000, v31;
	[tilespmem:s24+$0x60] =	vst v34;
	v12 =	vmul.f32 v35, v8;
	v16 =	vmul.f32 v36, v10  }
0x229: {  	v39 =	vld [tilespmem:s19+$0x6270];
	v40 =	vmul.f32 v15, v8;
	v11 =	vmul.f32 v38, v10;
	[tilespmem:s25+$0x60] =	vst v13  }
0x22a: {  	v41 =	vshll.u32 v33, $0x10;
	v14 =	vand.u32 $0xFFFF0000, v33;
	v12 =	vadd.f32 v16, v12;
	v42 =	vld [tilespmem:s7+$0x270]  }
0x22b: {  	v15 =	vmul.f32 v41, v4;
	v4 =	vmul.f32 v14, v4;
	v11 =	vadd.f32 v11, v40;
	v43 =	vld [tilespmem:s7+$0x6270]  }
0x22c: {  	[tilespmem:s29+$0x60] =	vst v12  }
0x22d: {  	v44 =	vadd.f32 v15, v21;
	v4 =	vadd.f32 v4, v6;
	v45 =	vshll.u32 v37, $0x10;
	[tilespmem:s16+$0x60] =	vst v11  }
0x22e: {  	v46 =	vand.u32 $0xFFFF0000, v37;
	v47 =	vshll.u32 v39, $0x10;
	v6 =	vmul.f32 v45, v3;
	v48 =	vld [tilespmem:s22+$0x270]  }
0x22f: {  	v49 =	vand.u32 $0xFFFF0000, v39;
	v14 =	vmul.f32 v47, v5;
	v3 =	vmul.f32 v46, v3;
	v50 =	vld [tilespmem:s22+$0x6270]  }
0x230: {  	v5 =	vmul.f32 v49, v5;
	v51 =	vshll.u32 v42, $0x10;
	v52 =	vshll.u32 v43, $0x10  }
0x231: {  	v6 =	vadd.f32 v14, v6;
	v53 =	vmul.f32 v51, v7;
	v54 =	vmul.f32 v52, v9  }
0x232: {  	v3 =	vadd.f32 v5, v3;
	v55 =	vand.u32 $0xFFFF0000, v42;
	v13 =	vand.u32 $0xFFFF0000, v43  }
0x233: {  	[tilespmem:s20+$0x70] =	vst v44;
	v5 =	vmul.f32 v55, v7;
	v57 =	vmul.f32 v13, v9;
	v56 =	vadd.f32 v54, v53  }
0x234: {  	[tilespmem:s14+$0x70] =	vst v4;
	v58 =	vshll.u32 v48, $0x10;
	v59 =	vand.u32 $0xFFFF0000, v48;
	v60 =	vshll.u32 v50, $0x10  }
0x235: {  	p0 =	slt.u32 s1, $0x3C;
	[tilespmem:s15+$0x70] =	vst v6;
	v61 =	vand.u32 $0xFFFF0000, v50;
	v4 =	vmul.f32 v58, v8;
	v62 =	vmul.f32 v60, v10  }
.Ltmp0:
0x236: {  	[tilespmem:s11+$0x70] =	vst v3;
	v3 =	vadd.f32 v57, v5;
	v63 =	vmul.f32 v59, v8;
	v6 =	vmul.f32 v61, v10;
	(pc) =	sbr.rel @p0 .LBB2_2-.Ltmp0, $4  }
0x237: {  	[tilespmem:s24+$0x70] =	vst v56;
	v4 =	vadd.f32 v62, v4  }
0x238: {  	[tilespmem:s25+$0x70] =	vst v3;
	v3 =	vadd.f32 v6, v63  }
0x239: {  	[tilespmem:s29+$0x70] =	vst v4  }
0x23a: {  	s0 =	sadd.s32 $0x200, s0;
	s1 =	sadd.s32 $0x4, s1;
	[tilespmem:s16+$0x70] =	vst v3  }
0x23b: {  	s0 =	rddreg [dreg:$0x7];
	s1 =	simm.s32 $0xC200  }
0x23c: {  	[hbm4b:s0+s2] =	stream.linear.scatter [tilespmem:s1], [sflag:$0x3], $0xC000, $0x38;
	[tilespmem:$0x18200] =	vst v63  }
0x23d: {  	_ =	swait.ge [sflag:s30], $0xC000  }
0x23e: {  	s31 =	sadd.s32 $0x1, s31;
	s29 =	rddreg [dreg:$0x8]  }
0x23f: {  	p0 =	sne.s32 s31, s29  }
.Ltmp1:
0x240: {  	_ = 	snop;
	(pc) =	sbr.rel @p0 .LBB2_1-.Ltmp1, $3  }
0x241: {  	_ =	sdelay $0x1  }
0x242: {  	[sflag:s30] =	ssyncset.done $0x0  }
0x243: {  	[sflag:s30] =	ssyncadd.s32 $0xFFFF4000  }
0x244: {  	_ =	sfence.sel $0x180000  }
0x245: {  	[bflag:$0x0] =	sbarrier.arrive $0xFFFF  }
0x246: {  	_ =	strace $0x9000004A  }
0x247: {  	s0 =	stileid.u32;
	[bflag:$0x2] =	sbarrier.arrive $0xFFFF  }
0x248: {  	p0 =	sne.s32 s0, $0x0;
	s0 =	rddreg [dreg:$0x2]  }
0x249: {  	s0 =	sadd.s32 @!p0 $0x100000, s0  }
0x24a: {  	[sflag:s0] =	ssyncadd.tile.s32 @!p0 $0x1;
	_ =	shalt  }
.Lfunc_end2:
_tile_overlayer_lowered:
.L_overlay_start_2:
0x24b: {  	(tag) =	ssettag $0x2  }
0x24c: {  	s0 =	rddreg [dreg:$0x0];
	s2 =	stileid.u32  }
0x24d: {  	s1 =	rddreg [dreg:$0x1];
	p0 =	sne.s32 s2, $0x0  }
0x24e: {  	s3 =	rddreg [dreg:$0x2];
	[bflag:$0x3] =	sbarrier.arrive $0xFFFF;
	s2 =	simm.s32 @!p0 $0x1C03  }
0x24f: {  	[timem:s3], [sflag:s2] =	dma.local @!p0 [hbm:s0], s1  }
0x250: {  	s0 =	simm.s32 @!p0 $0x3  }
0x251: {  	_ =	swait.ge @!p0 [sflag:s0], s1  }
0x252: {  	s1 =	ssub.s32 @!p0 $0x0, s1;
	[sflag:s0] =	ssyncset.done @!p0 $0x0  }
0x253: {  	[sflag:s0] =	ssyncadd.s32 @!p0 s1  }
0x254: {  	[bflag:$0x3] =	sbarrier.arrive $0xFFFF  }
0x255: {  	_ =	shalt  }

</sc_bundles>
